<compile_context>
chip_gen: v7x
topology: tpu7x:2x2x1
jax: 0.10.2.dev20260603
libtpu: 0.0.44.dev20260713+nightly
codegen_flags: <defaults>
</compile_context>

<pallas_src>
import functools

import jax
import jax.numpy as jnp
from jax import lax
from jax.experimental import pallas as pl
from jax.experimental.pallas import tpu as pltpu
from jax.experimental.pallas import tpu_sc as plsc

N = 10000
E = 320000
F = 128
G = 32
OUT = 3

NC = 2
NS = 16
NW = NC * NS
CH = 128
NCH = 80
EPT = CH * NCH
E_PAD = EPT * NW
N_PAD = 10240
ROWS_PER_TILE = N_PAD // NS

RB = 2000
NRB = N // RB


def _fill2d(ref, nrows, ncols, value):
    v = jnp.full((16,), value, dtype=jnp.float32)

    def body(r, carry):
        for j in range(ncols // 16):
            ref[r, pl.ds(j * 16, 16)] = v
        return carry

    lax.fori_loop(0, nrows, body, 0)


_MESH = plsc.VectorSubcoreMesh(
    core_axis_name="c", subcore_axis_name="s", num_cores=NC, num_subcores=NS
)


@functools.partial(
    pl.kernel,
    out_type=jax.ShapeDtypeStruct((NC, N_PAD, F), jnp.float32),
    mesh=_MESH,
    scratch_types=[
        pltpu.VMEM((NCH, CH), jnp.int32),
        pltpu.VMEM((CH, F), jnp.float32),
        pltpu.VMEM_SHARED((N_PAD, F), jnp.float32),
    ],
)
def _count_kernel(dst_hbm, out_hbm, dst_v, ones_v, acc):
    cid = lax.axis_index("c")
    sid = lax.axis_index("s")
    wid = cid * NS + sid
    base = sid * ROWS_PER_TILE

    pltpu.sync_copy(dst_hbm.at[wid], dst_v)

    _fill2d(ones_v, CH, F, 0.0)
    for k in range(ROWS_PER_TILE // CH):
        pltpu.sync_copy(ones_v, acc.at[pl.ds(base + k * CH, CH)])
    _fill2d(ones_v, CH, F, 1.0)
    plsc.subcore_barrier()

    def body(c, carry):
        pltpu.sync_copy(ones_v, acc.at[dst_v.at[c]], add=True)
        return carry

    lax.fori_loop(0, NCH, body, 0)

    plsc.subcore_barrier()
    pltpu.sync_copy(acc.at[pl.ds(base, ROWS_PER_TILE)],
                    out_hbm.at[cid, pl.ds(base, ROWS_PER_TILE)])


NCH_H = NCH // 2


@functools.partial(
    pl.kernel,
    out_type=jax.ShapeDtypeStruct((NC, N_PAD, F), jnp.float32),
    mesh=_MESH,
    scratch_types=[
        pltpu.VMEM((NCH_H, CH), jnp.int32),
        pltpu.VMEM((NCH_H, CH), jnp.int32),
        pltpu.VMEM((CH, F), jnp.float32),
        pltpu.VMEM((CH, F), jnp.float32),
        pltpu.SemaphoreType.DMA,
        pltpu.SemaphoreType.DMA,
        pltpu.VMEM_SHARED((N_PAD, F), jnp.float32),
    ],
)
def _agg_kernel(src_hbm, dst_hbm, val_hbm, out_hbm,
                src_v, dst_v, buf0, buf1, sem0, sem1, acc):
    cid = lax.axis_index("c")
    sid = lax.axis_index("s")
    wid = cid * NS + sid
    base = sid * ROWS_PER_TILE

    _fill2d(buf0, CH, F, 0.0)
    for k in range(ROWS_PER_TILE // CH):
        pltpu.sync_copy(buf0, acc.at[pl.ds(base + k * CH, CH)])
    plsc.subcore_barrier()

    for h in range(NCH // NCH_H):
        pltpu.sync_copy(src_hbm.at[wid, pl.ds(h * NCH_H, NCH_H)], src_v)
        pltpu.sync_copy(dst_hbm.at[wid, pl.ds(h * NCH_H, NCH_H)], dst_v)

        pltpu.async_copy(val_hbm.at[src_v.at[0]], buf0, sem0)
        pltpu.async_copy(val_hbm.at[src_v.at[1]], buf1, sem1)

        def body(g, carry):
            c0 = 2 * g
            pltpu.make_async_copy(val_hbm.at[pl.ds(0, CH)], buf0, sem0).wait()
            pltpu.sync_copy(buf0, acc.at[dst_v.at[c0]], add=True)
            pltpu.async_copy(val_hbm.at[src_v.at[c0 + 2]], buf0, sem0)
            pltpu.make_async_copy(val_hbm.at[pl.ds(0, CH)], buf1, sem1).wait()
            pltpu.sync_copy(buf1, acc.at[dst_v.at[c0 + 1]], add=True)
            pltpu.async_copy(val_hbm.at[src_v.at[c0 + 3]], buf1, sem1)
            return carry

        lax.fori_loop(0, NCH_H // 2 - 1, body, 0)

        pltpu.make_async_copy(val_hbm.at[pl.ds(0, CH)], buf0, sem0).wait()
        pltpu.sync_copy(buf0, acc.at[dst_v.at[NCH_H - 2]], add=True)
        pltpu.make_async_copy(val_hbm.at[pl.ds(0, CH)], buf1, sem1).wait()
        pltpu.sync_copy(buf1, acc.at[dst_v.at[NCH_H - 1]], add=True)

    plsc.subcore_barrier()
    pltpu.sync_copy(acc.at[pl.ds(base, ROWS_PER_TILE)],
                    out_hbm.at[cid, pl.ds(base, ROWS_PER_TILE)])


def _k2_body(x_ref, w_ref, cntp_ref, y_ref, dinv_ref, invc_ref):
    cnt = cntp_ref[0, :, 0:1] + cntp_ref[1, :, 0:1]
    dinv = lax.rsqrt(cnt + 1.0)
    xw = jnp.dot(x_ref[...], w_ref[...], preferred_element_type=jnp.float32)
    y_ref[...] = xw * dinv
    dinv_ref[...] = dinv
    invc_ref[...] = 1.0 / jnp.maximum(cnt, 1.0)


def _k4_body(a1_ref, y_ref, dinv_ref, bg_ref, wr_ref, bl_ref, h1_ref, r_ref):
    h1 = jax.nn.relu((a1_ref[0] + a1_ref[1] + y_ref[...]) * dinv_ref[...]
                     + bg_ref[...])
    h1_ref[...] = h1
    r_ref[...] = (jnp.dot(h1, wr_ref[...], preferred_element_type=jnp.float32)
                  + bl_ref[...])


def _k6_body(a2_ref, invc_ref, r_ref, wl_ref, batch_ref,
             wf1_ref, bf1_ref, wf2_ref, bf2_ref, out_ref, acc_ref):
    i = pl.program_id(0)
    mean = (a2_ref[0] + a2_ref[1]) * invc_ref[...]
    h2 = jax.nn.relu(
        jnp.dot(mean, wl_ref[...], preferred_element_type=jnp.float32)
        + r_ref[...])
    seg = batch_ref[0]
    onehot = (lax.broadcasted_iota(jnp.int32, (G, RB), 0) == seg
              ).astype(jnp.float32)
    contrib = jnp.dot(onehot, h2, preferred_element_type=jnp.float32)

    @pl.when(i == 0)
    def _():
        acc_ref[...] = jnp.zeros_like(acc_ref)

    acc_ref[...] += contrib

    @pl.when(i == NRB - 1)
    def _():
        z = jax.nn.relu(
            jnp.dot(acc_ref[...], wf1_ref[...],
                    preferred_element_type=jnp.float32) + bf1_ref[...])
        out_ref[...] = (jnp.dot(z, wf2_ref[...],
                                preferred_element_type=jnp.float32)
                        + bf2_ref[...])


def kernel(x, edge_index, batch, W_gcn, b_gcn, W_sage_l, b_sage_l, W_sage_r,
           W_fc1, b_fc1, W_fc2, b_fc2):
    pad = E_PAD - E
    src_r = jnp.concatenate(
        [edge_index[0], jnp.zeros((pad,), jnp.int32)]).reshape(NW, NCH, CH)
    dst_r = jnp.concatenate(
        [edge_index[1], jnp.full((pad,), N, jnp.int32)]).reshape(NW, NCH, CH)
    batch3d = batch.reshape(NRB, 1, RB)
    bg = b_gcn.reshape(1, F)
    bl = b_sage_l.reshape(1, F)
    bf1 = b_fc1.reshape(1, F)
    bf2 = b_fc2.reshape(1, OUT)

    cntp = _count_kernel(dst_r)[:, :N, :]

    y, dinv, invc = pl.pallas_call(
        _k2_body,
        grid=(NRB,),
        in_specs=[
            pl.BlockSpec((RB, F), lambda i: (i, 0)),
            pl.BlockSpec((F, F), lambda i: (0, 0)),
            pl.BlockSpec((NC, RB, F), lambda i: (0, i, 0)),
        ],
        out_specs=[
            pl.BlockSpec((RB, F), lambda i: (i, 0)),
            pl.BlockSpec((RB, 1), lambda i: (i, 0)),
            pl.BlockSpec((RB, 1), lambda i: (i, 0)),
        ],
        out_shape=[
            jax.ShapeDtypeStruct((N, F), jnp.float32),
            jax.ShapeDtypeStruct((N, 1), jnp.float32),
            jax.ShapeDtypeStruct((N, 1), jnp.float32),
        ],
    )(x, W_gcn, cntp)

    a1 = _agg_kernel(src_r, dst_r, y)[:, :N, :]

    h1, r = pl.pallas_call(
        _k4_body,
        grid=(NRB,),
        in_specs=[
            pl.BlockSpec((NC, RB, F), lambda i: (0, i, 0)),
            pl.BlockSpec((RB, F), lambda i: (i, 0)),
            pl.BlockSpec((RB, 1), lambda i: (i, 0)),
            pl.BlockSpec((1, F), lambda i: (0, 0)),
            pl.BlockSpec((F, F), lambda i: (0, 0)),
            pl.BlockSpec((1, F), lambda i: (0, 0)),
        ],
        out_specs=[
            pl.BlockSpec((RB, F), lambda i: (i, 0)),
            pl.BlockSpec((RB, F), lambda i: (i, 0)),
        ],
        out_shape=[
            jax.ShapeDtypeStruct((N, F), jnp.float32),
            jax.ShapeDtypeStruct((N, F), jnp.float32),
        ],
    )(a1, y, dinv, bg, W_sage_r, bl)

    a2 = _agg_kernel(src_r, dst_r, h1)[:, :N, :]

    out = pl.pallas_call(
        _k6_body,
        grid=(NRB,),
        in_specs=[
            pl.BlockSpec((NC, RB, F), lambda i: (0, i, 0)),
            pl.BlockSpec((RB, 1), lambda i: (i, 0)),
            pl.BlockSpec((RB, F), lambda i: (i, 0)),
            pl.BlockSpec((F, F), lambda i: (0, 0)),
            pl.BlockSpec((1, 1, RB), lambda i: (i, 0, 0)),
            pl.BlockSpec((F, F), lambda i: (0, 0)),
            pl.BlockSpec((1, F), lambda i: (0, 0)),
            pl.BlockSpec((F, OUT), lambda i: (0, 0)),
            pl.BlockSpec((1, OUT), lambda i: (0, 0)),
        ],
        out_specs=pl.BlockSpec((G, OUT), lambda i: (0, 0)),
        out_shape=jax.ShapeDtypeStruct((G, OUT), jnp.float32),
        scratch_shapes=[pltpu.VMEM((G, F), jnp.float32)],
    )(a2, invc, r, W_sage_l, batch3d, W_fc1, bf1, W_fc2, bf2)

    return out

# --- scband reference (transcript-rebuilt; emitter-appended) ---
"""Pipeline reference for scband-hybrid-gcn-sage-39238821216992 (READ-ONLY COPY).

The authoritative reference and input builder live on the scoring server;
editing this copy changes nothing except your own understanding.
"""

import jax, jax.numpy as jnp
import numpy as np

N = 10000
E = 320000
F_IN = 128
H = 128
OUT = 3
G = 32


def setup_inputs(seed: int = 0) -> dict:
    key = jax.random.key(seed)
    ks = jax.random.split(key, 12)
    x = jax.random.normal(ks[0], (N, F_IN), dtype=jnp.float32)
    edge_index = jax.random.randint(ks[1], (2, E), 0, N, dtype=jnp.int32)
    batch = jnp.sort(jax.random.randint(ks[2], (N,), 0, G, dtype=jnp.int32))
    s_in = 1.0 / np.sqrt(F_IN)
    s_h = 1.0 / np.sqrt(H)
    W_gcn = jax.random.normal(ks[3], (F_IN, H), dtype=jnp.float32) * s_in
    b_gcn = jnp.zeros((H,), dtype=jnp.float32)
    W_sage_l = jax.random.normal(ks[4], (H, H), dtype=jnp.float32) * s_h
    b_sage_l = jnp.zeros((H,), dtype=jnp.float32)
    W_sage_r = jax.random.normal(ks[5], (H, H), dtype=jnp.float32) * s_h
    W_fc1 = jax.random.normal(ks[6], (H, H), dtype=jnp.float32) * s_h
    b_fc1 = jnp.zeros((H,), dtype=jnp.float32)
    W_fc2 = jax.random.normal(ks[7], (H, OUT), dtype=jnp.float32) * s_h
    b_fc2 = jnp.zeros((OUT,), dtype=jnp.float32)
    return {"x": x, "edge_index": edge_index, "batch": batch,
            "W_gcn": W_gcn, "b_gcn": b_gcn,
            "W_sage_l": W_sage_l, "b_sage_l": b_sage_l, "W_sage_r": W_sage_r,
            "W_fc1": W_fc1, "b_fc1": b_fc1, "W_fc2": W_fc2, "b_fc2": b_fc2}


def _gcn_conv(x, edge_index, W, b):
    # PyG GCNConv: add self-loops, symmetric normalization, sum aggregation
    src = edge_index[0]
    dst = edge_index[1]
    loop = jnp.arange(N, dtype=src.dtype)
    src = jnp.concatenate([src, loop])
    dst = jnp.concatenate([dst, loop])
    xw = x @ W
    ones = jnp.ones(src.shape[0], dtype=x.dtype)
    deg = jax.ops.segment_sum(ones, dst, num_segments=N)
    dinv = jnp.where(deg > 0, jax.lax.rsqrt(deg), 0.0)
    norm = dinv[src] * dinv[dst]
    msgs = xw[src] * norm[:, None]
    out = jax.ops.segment_sum(msgs, dst, num_segments=N)
    return out + b


def _sage_conv(x, edge_index, W_l, b_l, W_r):
    # PyG SAGEConv (mean aggr): lin_l(mean_j x_j) + lin_r(x_i)
    src = edge_index[0]
    dst = edge_index[1]
    ones = jnp.ones(src.shape[0], dtype=x.dtype)
    s = jax.ops.segment_sum(x[src], dst, num_segments=N)
    cnt = jax.ops.segment_sum(ones, dst, num_segments=N)
    mean = s / jnp.clip(cnt, 1.0)[:, None]
    return mean @ W_l + b_l + x @ W_r


def reference(x, edge_index, batch, W_gcn, b_gcn, W_sage_l, b_sage_l, W_sage_r, W_fc1, b_fc1, W_fc2, b_fc2):
    h = _gcn_conv(x, edge_index, W_gcn, b_gcn)
    h = jax.nn.relu(h)
    h = _sage_conv(h, edge_index, W_sage_l, b_sage_l, W_sage_r)
    h = jax.nn.relu(h)
    # max_nodes = batch[-1]+1 = 32 < 50 -> global_add_pool
    pooled = jax.ops.segment_sum(h, batch, num_segments=G)
    z = jax.nn.relu(pooled @ W_fc1 + b_fc1)
    return z @ W_fc2 + b_fc2

if __name__ == "__main__":
    import jax
    _d = setup_inputs()
    print(jax.jit(kernel)(*tuple(_d.values())))

</pallas_src>

<mosaic_0001>
#map = affine_map<(d0, d1) -> (0, 0, 0)>
module attributes {stable_mosaic.version = 14 : i64} {
  func.func @_count_kernel(%arg0: i32, %arg1: i32, %arg2: memref<32x80x128xi32, #tpu.memory_space<hbm>>, %arg3: memref<2x10240x128xf32, #tpu.memory_space<hbm>>, %arg4: memref<80x128xi32, #tpu.memory_space<vmem>>, %arg5: memref<128x128xf32, #tpu.memory_space<vmem>>, %arg6: memref<10240x128xf32, #tpu.memory_space<vmem_shared>>) attributes {dimension_semantics = [#tpu.dimension_semantics<core_parallel>, #tpu.dimension_semantics<subcore_parallel>], iteration_bounds = array<i64: 2, 16>, scalar_prefetch = 0 : i64, scratch_operands = 3 : i64, tpu.core_type = #tpu.core_type<sc_vector_subcore>, window_params = [{transform_indices = #map}, {transform_indices = #map}]} {
    %mul3A = arith.constant 16 : i32
    %mul3A_0 = arith.muli %arg0, %mul3A : i32
    %add3A = arith.addi %mul3A_0, %arg1 : i32
    %mul3A_1 = arith.constant 640 : i32
    %mul3A_2 = arith.muli %arg1, %mul3A_1 : i32
    "tpu.region"() ({
      %run_scoped3A = tpu.sem_alloc : memref<!tpu.dma_semaphore, #tpu.memory_space<semaphore_mem>>
      %dma_start3A = arith.constant 0 : i32
      %dma_start3A_34 = arith.constant 0 : i32
      %dma_start3A_35 = tpu.memref_slice %arg2[%add3A, %dma_start3A, %dma_start3A_34] : memref<32x80x128xi32, #tpu.memory_space<hbm>> -> memref<1x80x128xi32, #tpu.memory_space<hbm>>
      %dma_start3A_36 = tpu.memref_squeeze %dma_start3A_35 : memref<1x80x128xi32, #tpu.memory_space<hbm>> -> memref<80x128xi32, #tpu.memory_space<hbm>>
      %dma_start3A_37 = arith.constant 0 : i32
      %dma_start3A_38 = arith.constant 0 : i32
      %dma_start3A_39 = tpu.memref_slice %arg2[%add3A, %dma_start3A_37, %dma_start3A_38] : memref<32x80x128xi32, #tpu.memory_space<hbm>> -> memref<1x80x128xi32, #tpu.memory_space<hbm>>
      %dma_start3A_40 = tpu.memref_squeeze %dma_start3A_39 : memref<1x80x128xi32, #tpu.memory_space<hbm>> -> memref<80x128xi32, #tpu.memory_space<hbm>>
      tpu.enqueue_dma source(%dma_start3A_40 : memref<80x128xi32, #tpu.memory_space<hbm>>) target(%arg4 : memref<80x128xi32, #tpu.memory_space<vmem>>) target_semaphore(%run_scoped3A : memref<!tpu.dma_semaphore, #tpu.memory_space<semaphore_mem>>)
      %dma_wait3A = arith.constant 0 : i32
      %dma_wait3A_41 = arith.constant 0 : i32
      %dma_wait3A_42 = tpu.memref_slice %arg2[%add3A, %dma_wait3A, %dma_wait3A_41] : memref<32x80x128xi32, #tpu.memory_space<hbm>> -> memref<1x80x128xi32, #tpu.memory_space<hbm>>
      %dma_wait3A_43 = tpu.memref_squeeze %dma_wait3A_42 : memref<1x80x128xi32, #tpu.memory_space<hbm>> -> memref<80x128xi32, #tpu.memory_space<hbm>>
      %dma_wait3A_44 = arith.constant 0 : i32
      %dma_wait3A_45 = arith.constant 0 : i32
      %dma_wait3A_46 = tpu.memref_slice %arg2[%add3A, %dma_wait3A_44, %dma_wait3A_45] : memref<32x80x128xi32, #tpu.memory_space<hbm>> -> memref<1x80x128xi32, #tpu.memory_space<hbm>>
      %dma_wait3A_47 = tpu.memref_squeeze %dma_wait3A_46 : memref<1x80x128xi32, #tpu.memory_space<hbm>> -> memref<80x128xi32, #tpu.memory_space<hbm>>
      tpu.wait_dma2 semaphore(%run_scoped3A : memref<!tpu.dma_semaphore, #tpu.memory_space<semaphore_mem>>) src(%dma_wait3A_47 : memref<80x128xi32, #tpu.memory_space<hbm>>) dst(%arg4 : memref<80x128xi32, #tpu.memory_space<vmem>>)
      tpu.yield
    }) : () -> ()
    %broadcast_in_dim3A = arith.constant 0.000000e+00 : f32
    %broadcast_in_dim3A_3 = vector.broadcast %broadcast_in_dim3A : f32 to vector<16xf32>
    %scan3A = arith.constant 0 : i32
    %scan3A_4 = arith.constant 0 : i32
    %scan3A_5 = arith.constant 128 : i32
    %scan3A_6 = arith.addi %scan3A_4, %scan3A_5 : i32
    %scan3A_7 = arith.constant 1 : i32
    scf.for %scan3A_34 = %scan3A_4 to %scan3A_6 step %scan3A_7  : i32 {
      %swap3A = arith.index_cast %scan3A_34 : i32 to index
      %swap3A_35 = arith.constant 0 : index
      %swap3A_36 = tpu.vector_load %arg5[%swap3A, %swap3A_35] {strides = array<i32>} : memref<128x128xf32, #tpu.memory_space<vmem>>, vector<1x16xf32>,
      %swap3A_37 = vector.shape_cast %swap3A_36 : vector<1x16xf32> to vector<16xf32>
      %swap3A_38 = vector.shape_cast %broadcast_in_dim3A_3 : vector<16xf32> to vector<1x16xf32>
      tpu.vector_store %arg5[%swap3A, %swap3A_35], %swap3A_38 {strides = array<i32>} : memref<128x128xf32, #tpu.memory_space<vmem>>, vector<1x16xf32>,
      %swap3A_39 = arith.index_cast %scan3A_34 : i32 to index
      %swap3A_40 = arith.constant 16 : index
      %swap3A_41 = tpu.vector_load %arg5[%swap3A_39, %swap3A_40] {strides = array<i32>} : memref<128x128xf32, #tpu.memory_space<vmem>>, vector<1x16xf32>,
      %swap3A_42 = vector.shape_cast %swap3A_41 : vector<1x16xf32> to vector<16xf32>
      %swap3A_43 = vector.shape_cast %broadcast_in_dim3A_3 : vector<16xf32> to vector<1x16xf32>
      tpu.vector_store %arg5[%swap3A_39, %swap3A_40], %swap3A_43 {strides = array<i32>} : memref<128x128xf32, #tpu.memory_space<vmem>>, vector<1x16xf32>,
      %swap3A_44 = arith.index_cast %scan3A_34 : i32 to index
      %swap3A_45 = arith.constant 32 : index
      %swap3A_46 = tpu.vector_load %arg5[%swap3A_44, %swap3A_45] {strides = array<i32>} : memref<128x128xf32, #tpu.memory_space<vmem>>, vector<1x16xf32>,
      %swap3A_47 = vector.shape_cast %swap3A_46 : vector<1x16xf32> to vector<16xf32>
      %swap3A_48 = vector.shape_cast %broadcast_in_dim3A_3 : vector<16xf32> to vector<1x16xf32>
      tpu.vector_store %arg5[%swap3A_44, %swap3A_45], %swap3A_48 {strides = array<i32>} : memref<128x128xf32, #tpu.memory_space<vmem>>, vector<1x16xf32>,
      %swap3A_49 = arith.index_cast %scan3A_34 : i32 to index
      %swap3A_50 = arith.constant 48 : index
      %swap3A_51 = tpu.vector_load %arg5[%swap3A_49, %swap3A_50] {strides = array<i32>} : memref<128x128xf32, #tpu.memory_space<vmem>>, vector<1x16xf32>,
      %swap3A_52 = vector.shape_cast %swap3A_51 : vector<1x16xf32> to vector<16xf32>
      %swap3A_53 = vector.shape_cast %broadcast_in_dim3A_3 : vector<16xf32> to vector<1x16xf32>
      tpu.vector_store %arg5[%swap3A_49, %swap3A_50], %swap3A_53 {strides = array<i32>} : memref<128x128xf32, #tpu.memory_space<vmem>>, vector<1x16xf32>,
      %swap3A_54 = arith.index_cast %scan3A_34 : i32 to index
      %swap3A_55 = arith.constant 64 : index
      %swap3A_56 = tpu.vector_load %arg5[%swap3A_54, %swap3A_55] {strides = array<i32>} : memref<128x128xf32, #tpu.memory_space<vmem>>, vector<1x16xf32>,
      %swap3A_57 = vector.shape_cast %swap3A_56 : vector<1x16xf32> to vector<16xf32>
      %swap3A_58 = vector.shape_cast %broadcast_in_dim3A_3 : vector<16xf32> to vector<1x16xf32>
      tpu.vector_store %arg5[%swap3A_54, %swap3A_55], %swap3A_58 {strides = array<i32>} : memref<128x128xf32, #tpu.memory_space<vmem>>, vector<1x16xf32>,
      %swap3A_59 = arith.index_cast %scan3A_34 : i32 to index
      %swap3A_60 = arith.constant 80 : index
      %swap3A_61 = tpu.vector_load %arg5[%swap3A_59, %swap3A_60] {strides = array<i32>} : memref<128x128xf32, #tpu.memory_space<vmem>>, vector<1x16xf32>,
      %swap3A_62 = vector.shape_cast %swap3A_61 : vector<1x16xf32> to vector<16xf32>
      %swap3A_63 = vector.shape_cast %broadcast_in_dim3A_3 : vector<16xf32> to vector<1x16xf32>
      tpu.vector_store %arg5[%swap3A_59, %swap3A_60], %swap3A_63 {strides = array<i32>} : memref<128x128xf32, #tpu.memory_space<vmem>>, vector<1x16xf32>,
      %swap3A_64 = arith.index_cast %scan3A_34 : i32 to index
      %swap3A_65 = arith.constant 96 : index
      %swap3A_66 = tpu.vector_load %arg5[%swap3A_64, %swap3A_65] {strides = array<i32>} : memref<128x128xf32, #tpu.memory_space<vmem>>, vector<1x16xf32>,
      %swap3A_67 = vector.shape_cast %swap3A_66 : vector<1x16xf32> to vector<16xf32>
      %swap3A_68 = vector.shape_cast %broadcast_in_dim3A_3 : vector<16xf32> to vector<1x16xf32>
      tpu.vector_store %arg5[%swap3A_64, %swap3A_65], %swap3A_68 {strides = array<i32>} : memref<128x128xf32, #tpu.memory_space<vmem>>, vector<1x16xf32>,
      %swap3A_69 = arith.index_cast %scan3A_34 : i32 to index
      %swap3A_70 = arith.constant 112 : index
      %swap3A_71 = tpu.vector_load %arg5[%swap3A_69, %swap3A_70] {strides = array<i32>} : memref<128x128xf32, #tpu.memory_space<vmem>>, vector<1x16xf32>,
      %swap3A_72 = vector.shape_cast %swap3A_71 : vector<1x16xf32> to vector<16xf32>
      %swap3A_73 = vector.shape_cast %broadcast_in_dim3A_3 : vector<16xf32> to vector<1x16xf32>
      tpu.vector_store %arg5[%swap3A_69, %swap3A_70], %swap3A_73 {strides = array<i32>} : memref<128x128xf32, #tpu.memory_space<vmem>>, vector<1x16xf32>,
    }
    %scan3A_8 = arith.constant 128 : i32
    %add3A_9 = arith.constant 0 : i32
    %add3A_10 = arith.addi %mul3A_2, %add3A_9 : i32
    "tpu.region"() ({
      %run_scoped3A = tpu.sem_alloc : memref<!tpu.dma_semaphore, #tpu.memory_space<semaphore_mem>>
      %dma_start3A = arith.constant 0 : i32
      %dma_start3A_34 = tpu.memref_slice %arg6[%add3A_10, %dma_start3A] : memref<10240x128xf32, #tpu.memory_space<vmem_shared>> -> memref<128x128xf32, #tpu.memory_space<vmem_shared>>
      %dma_start3A_35 = arith.constant 0 : i32
      %dma_start3A_36 = tpu.memref_slice %arg6[%add3A_10, %dma_start3A_35] : memref<10240x128xf32, #tpu.memory_space<vmem_shared>> -> memref<128x128xf32, #tpu.memory_space<vmem_shared>>
      tpu.enqueue_dma source(%arg5 : memref<128x128xf32, #tpu.memory_space<vmem>>) target(%dma_start3A_36 : memref<128x128xf32, #tpu.memory_space<vmem_shared>>) target_semaphore(%run_scoped3A : memref<!tpu.dma_semaphore, #tpu.memory_space<semaphore_mem>>)
      %dma_wait3A = arith.constant 0 : i32
      %dma_wait3A_37 = tpu.memref_slice %arg6[%add3A_10, %dma_wait3A] : memref<10240x128xf32, #tpu.memory_space<vmem_shared>> -> memref<128x128xf32, #tpu.memory_space<vmem_shared>>
      %dma_wait3A_38 = arith.constant 0 : i32
      %dma_wait3A_39 = tpu.memref_slice %arg6[%add3A_10, %dma_wait3A_38] : memref<10240x128xf32, #tpu.memory_space<vmem_shared>> -> memref<128x128xf32, #tpu.memory_space<vmem_shared>>
      tpu.wait_dma2 semaphore(%run_scoped3A : memref<!tpu.dma_semaphore, #tpu.memory_space<semaphore_mem>>) src(%arg5 : memref<128x128xf32, #tpu.memory_space<vmem>>) dst(%dma_wait3A_39 : memref<128x128xf32, #tpu.memory_space<vmem_shared>>)
      tpu.yield
    }) : () -> ()
    %add3A_11 = arith.constant 128 : i32
    %add3A_12 = arith.addi %mul3A_2, %add3A_11 : i32
    "tpu.region"() ({
      %run_scoped3A = tpu.sem_alloc : memref<!tpu.dma_semaphore, #tpu.memory_space<semaphore_mem>>
      %dma_start3A = arith.constant 0 : i32
      %dma_start3A_34 = tpu.memref_slice %arg6[%add3A_12, %dma_start3A] : memref<10240x128xf32, #tpu.memory_space<vmem_shared>> -> memref<128x128xf32, #tpu.memory_space<vmem_shared>>
      %dma_start3A_35 = arith.constant 0 : i32
      %dma_start3A_36 = tpu.memref_slice %arg6[%add3A_12, %dma_start3A_35] : memref<10240x128xf32, #tpu.memory_space<vmem_shared>> -> memref<128x128xf32, #tpu.memory_space<vmem_shared>>
      tpu.enqueue_dma source(%arg5 : memref<128x128xf32, #tpu.memory_space<vmem>>) target(%dma_start3A_36 : memref<128x128xf32, #tpu.memory_space<vmem_shared>>) target_semaphore(%run_scoped3A : memref<!tpu.dma_semaphore, #tpu.memory_space<semaphore_mem>>)
      %dma_wait3A = arith.constant 0 : i32
      %dma_wait3A_37 = tpu.memref_slice %arg6[%add3A_12, %dma_wait3A] : memref<10240x128xf32, #tpu.memory_space<vmem_shared>> -> memref<128x128xf32, #tpu.memory_space<vmem_shared>>
      %dma_wait3A_38 = arith.constant 0 : i32
      %dma_wait3A_39 = tpu.memref_slice %arg6[%add3A_12, %dma_wait3A_38] : memref<10240x128xf32, #tpu.memory_space<vmem_shared>> -> memref<128x128xf32, #tpu.memory_space<vmem_shared>>
      tpu.wait_dma2 semaphore(%run_scoped3A : memref<!tpu.dma_semaphore, #tpu.memory_space<semaphore_mem>>) src(%arg5 : memref<128x128xf32, #tpu.memory_space<vmem>>) dst(%dma_wait3A_39 : memref<128x128xf32, #tpu.memory_space<vmem_shared>>)
      tpu.yield
    }) : () -> ()
    %add3A_13 = arith.constant 256 : i32
    %add3A_14 = arith.addi %mul3A_2, %add3A_13 : i32
    "tpu.region"() ({
      %run_scoped3A = tpu.sem_alloc : memref<!tpu.dma_semaphore, #tpu.memory_space<semaphore_mem>>
      %dma_start3A = arith.constant 0 : i32
      %dma_start3A_34 = tpu.memref_slice %arg6[%add3A_14, %dma_start3A] : memref<10240x128xf32, #tpu.memory_space<vmem_shared>> -> memref<128x128xf32, #tpu.memory_space<vmem_shared>>
      %dma_start3A_35 = arith.constant 0 : i32
      %dma_start3A_36 = tpu.memref_slice %arg6[%add3A_14, %dma_start3A_35] : memref<10240x128xf32, #tpu.memory_space<vmem_shared>> -> memref<128x128xf32, #tpu.memory_space<vmem_shared>>
      tpu.enqueue_dma source(%arg5 : memref<128x128xf32, #tpu.memory_space<vmem>>) target(%dma_start3A_36 : memref<128x128xf32, #tpu.memory_space<vmem_shared>>) target_semaphore(%run_scoped3A : memref<!tpu.dma_semaphore, #tpu.memory_space<semaphore_mem>>)
      %dma_wait3A = arith.constant 0 : i32
      %dma_wait3A_37 = tpu.memref_slice %arg6[%add3A_14, %dma_wait3A] : memref<10240x128xf32, #tpu.memory_space<vmem_shared>> -> memref<128x128xf32, #tpu.memory_space<vmem_shared>>
      %dma_wait3A_38 = arith.constant 0 : i32
      %dma_wait3A_39 = tpu.memref_slice %arg6[%add3A_14, %dma_wait3A_38] : memref<10240x128xf32, #tpu.memory_space<vmem_shared>> -> memref<128x128xf32, #tpu.memory_space<vmem_shared>>
      tpu.wait_dma2 semaphore(%run_scoped3A : memref<!tpu.dma_semaphore, #tpu.memory_space<semaphore_mem>>) src(%arg5 : memref<128x128xf32, #tpu.memory_space<vmem>>) dst(%dma_wait3A_39 : memref<128x128xf32, #tpu.memory_space<vmem_shared>>)
      tpu.yield
    }) : () -> ()
    %add3A_15 = arith.constant 384 : i32
    %add3A_16 = arith.addi %mul3A_2, %add3A_15 : i32
    "tpu.region"() ({
      %run_scoped3A = tpu.sem_alloc : memref<!tpu.dma_semaphore, #tpu.memory_space<semaphore_mem>>
      %dma_start3A = arith.constant 0 : i32
      %dma_start3A_34 = tpu.memref_slice %arg6[%add3A_16, %dma_start3A] : memref<10240x128xf32, #tpu.memory_space<vmem_shared>> -> memref<128x128xf32, #tpu.memory_space<vmem_shared>>
      %dma_start3A_35 = arith.constant 0 : i32
      %dma_start3A_36 = tpu.memref_slice %arg6[%add3A_16, %dma_start3A_35] : memref<10240x128xf32, #tpu.memory_space<vmem_shared>> -> memref<128x128xf32, #tpu.memory_space<vmem_shared>>
      tpu.enqueue_dma source(%arg5 : memref<128x128xf32, #tpu.memory_space<vmem>>) target(%dma_start3A_36 : memref<128x128xf32, #tpu.memory_space<vmem_shared>>) target_semaphore(%run_scoped3A : memref<!tpu.dma_semaphore, #tpu.memory_space<semaphore_mem>>)
      %dma_wait3A = arith.constant 0 : i32
      %dma_wait3A_37 = tpu.memref_slice %arg6[%add3A_16, %dma_wait3A] : memref<10240x128xf32, #tpu.memory_space<vmem_shared>> -> memref<128x128xf32, #tpu.memory_space<vmem_shared>>
      %dma_wait3A_38 = arith.constant 0 : i32
      %dma_wait3A_39 = tpu.memref_slice %arg6[%add3A_16, %dma_wait3A_38] : memref<10240x128xf32, #tpu.memory_space<vmem_shared>> -> memref<128x128xf32, #tpu.memory_space<vmem_shared>>
      tpu.wait_dma2 semaphore(%run_scoped3A : memref<!tpu.dma_semaphore, #tpu.memory_space<semaphore_mem>>) src(%arg5 : memref<128x128xf32, #tpu.memory_space<vmem>>) dst(%dma_wait3A_39 : memref<128x128xf32, #tpu.memory_space<vmem_shared>>)
      tpu.yield
    }) : () -> ()
    %add3A_17 = arith.constant 512 : i32
    %add3A_18 = arith.addi %mul3A_2, %add3A_17 : i32
    "tpu.region"() ({
      %run_scoped3A = tpu.sem_alloc : memref<!tpu.dma_semaphore, #tpu.memory_space<semaphore_mem>>
      %dma_start3A = arith.constant 0 : i32
      %dma_start3A_34 = tpu.memref_slice %arg6[%add3A_18, %dma_start3A] : memref<10240x128xf32, #tpu.memory_space<vmem_shared>> -> memref<128x128xf32, #tpu.memory_space<vmem_shared>>
      %dma_start3A_35 = arith.constant 0 : i32
      %dma_start3A_36 = tpu.memref_slice %arg6[%add3A_18, %dma_start3A_35] : memref<10240x128xf32, #tpu.memory_space<vmem_shared>> -> memref<128x128xf32, #tpu.memory_space<vmem_shared>>
      tpu.enqueue_dma source(%arg5 : memref<128x128xf32, #tpu.memory_space<vmem>>) target(%dma_start3A_36 : memref<128x128xf32, #tpu.memory_space<vmem_shared>>) target_semaphore(%run_scoped3A : memref<!tpu.dma_semaphore, #tpu.memory_space<semaphore_mem>>)
      %dma_wait3A = arith.constant 0 : i32
      %dma_wait3A_37 = tpu.memref_slice %arg6[%add3A_18, %dma_wait3A] : memref<10240x128xf32, #tpu.memory_space<vmem_shared>> -> memref<128x128xf32, #tpu.memory_space<vmem_shared>>
      %dma_wait3A_38 = arith.constant 0 : i32
      %dma_wait3A_39 = tpu.memref_slice %arg6[%add3A_18, %dma_wait3A_38] : memref<10240x128xf32, #tpu.memory_space<vmem_shared>> -> memref<128x128xf32, #tpu.memory_space<vmem_shared>>
      tpu.wait_dma2 semaphore(%run_scoped3A : memref<!tpu.dma_semaphore, #tpu.memory_space<semaphore_mem>>) src(%arg5 : memref<128x128xf32, #tpu.memory_space<vmem>>) dst(%dma_wait3A_39 : memref<128x128xf32, #tpu.memory_space<vmem_shared>>)
      tpu.yield
    }) : () -> ()
    %broadcast_in_dim3A_19 = arith.constant 1.000000e+00 : f32
    %broadcast_in_dim3A_20 = vector.broadcast %broadcast_in_dim3A_19 : f32 to vector<16xf32>
    %scan3A_21 = arith.constant 0 : i32
    %scan3A_22 = arith.constant 0 : i32
    %scan3A_23 = arith.constant 128 : i32
    %scan3A_24 = arith.addi %scan3A_22, %scan3A_23 : i32
    %scan3A_25 = arith.constant 1 : i32
    scf.for %scan3A_34 = %scan3A_22 to %scan3A_24 step %scan3A_25  : i32 {
      %swap3A = arith.index_cast %scan3A_34 : i32 to index
      %swap3A_35 = arith.constant 0 : index
      %swap3A_36 = tpu.vector_load %arg5[%swap3A, %swap3A_35] {strides = array<i32>} : memref<128x128xf32, #tpu.memory_space<vmem>>, vector<1x16xf32>,
      %swap3A_37 = vector.shape_cast %swap3A_36 : vector<1x16xf32> to vector<16xf32>
      %swap3A_38 = vector.shape_cast %broadcast_in_dim3A_20 : vector<16xf32> to vector<1x16xf32>
      tpu.vector_store %arg5[%swap3A, %swap3A_35], %swap3A_38 {strides = array<i32>} : memref<128x128xf32, #tpu.memory_space<vmem>>, vector<1x16xf32>,
      %swap3A_39 = arith.index_cast %scan3A_34 : i32 to index
      %swap3A_40 = arith.constant 16 : index
      %swap3A_41 = tpu.vector_load %arg5[%swap3A_39, %swap3A_40] {strides = array<i32>} : memref<128x128xf32, #tpu.memory_space<vmem>>, vector<1x16xf32>,
      %swap3A_42 = vector.shape_cast %swap3A_41 : vector<1x16xf32> to vector<16xf32>
      %swap3A_43 = vector.shape_cast %broadcast_in_dim3A_20 : vector<16xf32> to vector<1x16xf32>
      tpu.vector_store %arg5[%swap3A_39, %swap3A_40], %swap3A_43 {strides = array<i32>} : memref<128x128xf32, #tpu.memory_space<vmem>>, vector<1x16xf32>,
      %swap3A_44 = arith.index_cast %scan3A_34 : i32 to index
      %swap3A_45 = arith.constant 32 : index
      %swap3A_46 = tpu.vector_load %arg5[%swap3A_44, %swap3A_45] {strides = array<i32>} : memref<128x128xf32, #tpu.memory_space<vmem>>, vector<1x16xf32>,
      %swap3A_47 = vector.shape_cast %swap3A_46 : vector<1x16xf32> to vector<16xf32>
      %swap3A_48 = vector.shape_cast %broadcast_in_dim3A_20 : vector<16xf32> to vector<1x16xf32>
      tpu.vector_store %arg5[%swap3A_44, %swap3A_45], %swap3A_48 {strides = array<i32>} : memref<128x128xf32, #tpu.memory_space<vmem>>, vector<1x16xf32>,
      %swap3A_49 = arith.index_cast %scan3A_34 : i32 to index
      %swap3A_50 = arith.constant 48 : index
      %swap3A_51 = tpu.vector_load %arg5[%swap3A_49, %swap3A_50] {strides = array<i32>} : memref<128x128xf32, #tpu.memory_space<vmem>>, vector<1x16xf32>,
      %swap3A_52 = vector.shape_cast %swap3A_51 : vector<1x16xf32> to vector<16xf32>
      %swap3A_53 = vector.shape_cast %broadcast_in_dim3A_20 : vector<16xf32> to vector<1x16xf32>
      tpu.vector_store %arg5[%swap3A_49, %swap3A_50], %swap3A_53 {strides = array<i32>} : memref<128x128xf32, #tpu.memory_space<vmem>>, vector<1x16xf32>,
      %swap3A_54 = arith.index_cast %scan3A_34 : i32 to index
      %swap3A_55 = arith.constant 64 : index
      %swap3A_56 = tpu.vector_load %arg5[%swap3A_54, %swap3A_55] {strides = array<i32>} : memref<128x128xf32, #tpu.memory_space<vmem>>, vector<1x16xf32>,
      %swap3A_57 = vector.shape_cast %swap3A_56 : vector<1x16xf32> to vector<16xf32>
      %swap3A_58 = vector.shape_cast %broadcast_in_dim3A_20 : vector<16xf32> to vector<1x16xf32>
      tpu.vector_store %arg5[%swap3A_54, %swap3A_55], %swap3A_58 {strides = array<i32>} : memref<128x128xf32, #tpu.memory_space<vmem>>, vector<1x16xf32>,
      %swap3A_59 = arith.index_cast %scan3A_34 : i32 to index
      %swap3A_60 = arith.constant 80 : index
      %swap3A_61 = tpu.vector_load %arg5[%swap3A_59, %swap3A_60] {strides = array<i32>} : memref<128x128xf32, #tpu.memory_space<vmem>>, vector<1x16xf32>,
      %swap3A_62 = vector.shape_cast %swap3A_61 : vector<1x16xf32> to vector<16xf32>
      %swap3A_63 = vector.shape_cast %broadcast_in_dim3A_20 : vector<16xf32> to vector<1x16xf32>
      tpu.vector_store %arg5[%swap3A_59, %swap3A_60], %swap3A_63 {strides = array<i32>} : memref<128x128xf32, #tpu.memory_space<vmem>>, vector<1x16xf32>,
      %swap3A_64 = arith.index_cast %scan3A_34 : i32 to index
      %swap3A_65 = arith.constant 96 : index
      %swap3A_66 = tpu.vector_load %arg5[%swap3A_64, %swap3A_65] {strides = array<i32>} : memref<128x128xf32, #tpu.memory_space<vmem>>, vector<1x16xf32>,
      %swap3A_67 = vector.shape_cast %swap3A_66 : vector<1x16xf32> to vector<16xf32>
      %swap3A_68 = vector.shape_cast %broadcast_in_dim3A_20 : vector<16xf32> to vector<1x16xf32>
      tpu.vector_store %arg5[%swap3A_64, %swap3A_65], %swap3A_68 {strides = array<i32>} : memref<128x128xf32, #tpu.memory_space<vmem>>, vector<1x16xf32>,
      %swap3A_69 = arith.index_cast %scan3A_34 : i32 to index
      %swap3A_70 = arith.constant 112 : index
      %swap3A_71 = tpu.vector_load %arg5[%swap3A_69, %swap3A_70] {strides = array<i32>} : memref<128x128xf32, #tpu.memory_space<vmem>>, vector<1x16xf32>,
      %swap3A_72 = vector.shape_cast %swap3A_71 : vector<1x16xf32> to vector<16xf32>
      %swap3A_73 = vector.shape_cast %broadcast_in_dim3A_20 : vector<16xf32> to vector<1x16xf32>
      tpu.vector_store %arg5[%swap3A_69, %swap3A_70], %swap3A_73 {strides = array<i32>} : memref<128x128xf32, #tpu.memory_space<vmem>>, vector<1x16xf32>,
    }
    %scan3A_26 = arith.constant 128 : i32
    %barrier3A = arith.constant 0 : index
    tpu.barrier barrier_id(%barrier3A)
    %scan3A_27 = arith.constant 0 : i32
    %scan3A_28 = arith.constant 0 : i32
    %scan3A_29 = arith.constant 80 : i32
    %scan3A_30 = arith.addi %scan3A_28, %scan3A_29 : i32
    %scan3A_31 = arith.constant 1 : i32
    scf.for %scan3A_34 = %scan3A_28 to %scan3A_30 step %scan3A_31  : i32 {
      "tpu.region"() ({
        %run_scoped3A = tpu.sem_alloc : memref<!tpu.dma_semaphore, #tpu.memory_space<semaphore_mem>>
        %dma_start3A = arith.constant 0 : i32
        %dma_start3A_35 = tpu.memref_slice %arg4[%scan3A_34, %dma_start3A] : memref<80x128xi32, #tpu.memory_space<vmem>> -> memref<1x128xi32, #tpu.memory_space<vmem>>
        %dma_start3A_36 = tpu.memref_squeeze %dma_start3A_35 : memref<1x128xi32, #tpu.memory_space<vmem>> -> memref<128xi32, #tpu.memory_space<vmem>>
        %dma_start3A_37 = arith.constant 0 : i32
        %dma_start3A_38 = arith.constant 0 : i32
        %dma_start3A_39 = tpu.memref_slice %arg6[%dma_start3A_37, %dma_start3A_38] : memref<10240x128xf32, #tpu.memory_space<vmem_shared>> -> memref<10240x128xf32, #tpu.memory_space<vmem_shared>>
        tpu.enqueue_indirect_dma source(%arg5 : memref<128x128xf32, #tpu.memory_space<vmem>>) target(%dma_start3A_39 : memref<10240x128xf32, #tpu.memory_space<vmem_shared>>) offsets(%dma_start3A_36 : memref<128xi32, #tpu.memory_space<vmem>>) semaphore(%run_scoped3A : memref<!tpu.dma_semaphore, #tpu.memory_space<semaphore_mem>>) {add = true}
        %dma_wait3A = arith.constant 0 : i32
        %dma_wait3A_40 = tpu.memref_slice %arg4[%scan3A_34, %dma_wait3A] : memref<80x128xi32, #tpu.memory_space<vmem>> -> memref<1x128xi32, #tpu.memory_space<vmem>>
        %dma_wait3A_41 = tpu.memref_squeeze %dma_wait3A_40 : memref<1x128xi32, #tpu.memory_space<vmem>> -> memref<128xi32, #tpu.memory_space<vmem>>
        %dma_wait3A_42 = arith.constant 0 : i32
        %dma_wait3A_43 = arith.constant 0 : i32
        %dma_wait3A_44 = tpu.memref_slice %arg6[%dma_wait3A_42, %dma_wait3A_43] : memref<10240x128xf32, #tpu.memory_space<vmem_shared>> -> memref<10240x128xf32, #tpu.memory_space<vmem_shared>>
        tpu.wait_indirect_dma semaphore(%run_scoped3A : memref<!tpu.dma_semaphore, #tpu.memory_space<semaphore_mem>>) src(%arg5 : memref<128x128xf32, #tpu.memory_space<vmem>>) dst(%dma_wait3A_44 : memref<10240x128xf32, #tpu.memory_space<vmem_shared>>)
        tpu.yield
      }) : () -> ()
    }
    %scan3A_32 = arith.constant 80 : i32
    %barrier3A_33 = arith.constant 0 : index
    tpu.barrier barrier_id(%barrier3A_33)
    "tpu.region"() ({
      %run_scoped3A = tpu.sem_alloc : memref<!tpu.dma_semaphore, #tpu.memory_space<semaphore_mem>>
      %dma_start3A = arith.constant 0 : i32
      %dma_start3A_34 = tpu.memref_slice %arg3[%arg0, %mul3A_2, %dma_start3A] : memref<2x10240x128xf32, #tpu.memory_space<hbm>> -> memref<1x640x128xf32, #tpu.memory_space<hbm>>
      %dma_start3A_35 = tpu.memref_squeeze %dma_start3A_34 : memref<1x640x128xf32, #tpu.memory_space<hbm>> -> memref<640x128xf32, #tpu.memory_space<hbm>>
      %dma_start3A_36 = arith.constant 0 : i32
      %dma_start3A_37 = tpu.memref_slice %arg6[%mul3A_2, %dma_start3A_36] : memref<10240x128xf32, #tpu.memory_space<vmem_shared>> -> memref<640x128xf32, #tpu.memory_space<vmem_shared>>
      tpu.enqueue_dma source(%dma_start3A_37 : memref<640x128xf32, #tpu.memory_space<vmem_shared>>) target(%dma_start3A_35 : memref<640x128xf32, #tpu.memory_space<hbm>>) target_semaphore(%run_scoped3A : memref<!tpu.dma_semaphore, #tpu.memory_space<semaphore_mem>>)
      %dma_wait3A = arith.constant 0 : i32
      %dma_wait3A_38 = tpu.memref_slice %arg3[%arg0, %mul3A_2, %dma_wait3A] : memref<2x10240x128xf32, #tpu.memory_space<hbm>> -> memref<1x640x128xf32, #tpu.memory_space<hbm>>
      %dma_wait3A_39 = tpu.memref_squeeze %dma_wait3A_38 : memref<1x640x128xf32, #tpu.memory_space<hbm>> -> memref<640x128xf32, #tpu.memory_space<hbm>>
      %dma_wait3A_40 = arith.constant 0 : i32
      %dma_wait3A_41 = tpu.memref_slice %arg6[%mul3A_2, %dma_wait3A_40] : memref<10240x128xf32, #tpu.memory_space<vmem_shared>> -> memref<640x128xf32, #tpu.memory_space<vmem_shared>>
      tpu.wait_dma2 semaphore(%run_scoped3A : memref<!tpu.dma_semaphore, #tpu.memory_space<semaphore_mem>>) src(%dma_wait3A_41 : memref<640x128xf32, #tpu.memory_space<vmem_shared>>) dst(%dma_wait3A_39 : memref<640x128xf32, #tpu.memory_space<hbm>>)
      tpu.yield
    }) : () -> ()
    return
  }
}

#map = affine_map<(d0, d1) -> (0, 0, 0)>
#map1 = affine_map<(d0, d1) -> (0, 0)>
module attributes {stable_mosaic.version = 14 : i64} {
  func.func @_agg_kernel(%arg0: i32, %arg1: i32, %arg2: memref<32x80x128xi32, #tpu.memory_space<hbm>>, %arg3: memref<32x80x128xi32, #tpu.memory_space<hbm>>, %arg4: memref<10000x128xf32, #tpu.memory_space<hbm>>, %arg5: memref<2x10240x128xf32, #tpu.memory_space<hbm>>, %arg6: memref<40x128xi32, #tpu.memory_space<vmem>>, %arg7: memref<40x128xi32, #tpu.memory_space<vmem>>, %arg8: memref<128x128xf32, #tpu.memory_space<vmem>>, %arg9: memref<128x128xf32, #tpu.memory_space<vmem>>, %arg10: memref<!tpu.dma_semaphore, #tpu.memory_space<semaphore_mem>>, %arg11: memref<!tpu.dma_semaphore, #tpu.memory_space<semaphore_mem>>, %arg12: memref<10240x128xf32, #tpu.memory_space<vmem_shared>>) attributes {dimension_semantics = [#tpu.dimension_semantics<core_parallel>, #tpu.dimension_semantics<subcore_parallel>], iteration_bounds = array<i64: 2, 16>, scalar_prefetch = 0 : i64, scratch_operands = 7 : i64, tpu.core_type = #tpu.core_type<sc_vector_subcore>, window_params = [{transform_indices = #map}, {transform_indices = #map}, {transform_indices = #map1}, {transform_indices = #map}]} {
    %mul3A = arith.constant 16 : i32
    %mul3A_0 = arith.muli %arg0, %mul3A : i32
    %add3A = arith.addi %mul3A_0, %arg1 : i32
    %mul3A_1 = arith.constant 640 : i32
    %mul3A_2 = arith.muli %arg1, %mul3A_1 : i32
    %broadcast_in_dim3A = arith.constant 0.000000e+00 : f32
    %broadcast_in_dim3A_3 = vector.broadcast %broadcast_in_dim3A : f32 to vector<16xf32>
    %scan3A = arith.constant 0 : i32
    %scan3A_4 = arith.constant 0 : i32
    %scan3A_5 = arith.constant 128 : i32
    %scan3A_6 = arith.addi %scan3A_4, %scan3A_5 : i32
    %scan3A_7 = arith.constant 1 : i32
    scf.for %scan3A_85 = %scan3A_4 to %scan3A_6 step %scan3A_7  : i32 {
      %swap3A = arith.index_cast %scan3A_85 : i32 to index
      %swap3A_86 = arith.constant 0 : index
      %swap3A_87 = tpu.vector_load %arg8[%swap3A, %swap3A_86] {strides = array<i32>} : memref<128x128xf32, #tpu.memory_space<vmem>>, vector<1x16xf32>,
      %swap3A_88 = vector.shape_cast %swap3A_87 : vector<1x16xf32> to vector<16xf32>
      %swap3A_89 = vector.shape_cast %broadcast_in_dim3A_3 : vector<16xf32> to vector<1x16xf32>
      tpu.vector_store %arg8[%swap3A, %swap3A_86], %swap3A_89 {strides = array<i32>} : memref<128x128xf32, #tpu.memory_space<vmem>>, vector<1x16xf32>,
      %swap3A_90 = arith.index_cast %scan3A_85 : i32 to index
      %swap3A_91 = arith.constant 16 : index
      %swap3A_92 = tpu.vector_load %arg8[%swap3A_90, %swap3A_91] {strides = array<i32>} : memref<128x128xf32, #tpu.memory_space<vmem>>, vector<1x16xf32>,
      %swap3A_93 = vector.shape_cast %swap3A_92 : vector<1x16xf32> to vector<16xf32>
      %swap3A_94 = vector.shape_cast %broadcast_in_dim3A_3 : vector<16xf32> to vector<1x16xf32>
      tpu.vector_store %arg8[%swap3A_90, %swap3A_91], %swap3A_94 {strides = array<i32>} : memref<128x128xf32, #tpu.memory_space<vmem>>, vector<1x16xf32>,
      %swap3A_95 = arith.index_cast %scan3A_85 : i32 to index
      %swap3A_96 = arith.constant 32 : index
      %swap3A_97 = tpu.vector_load %arg8[%swap3A_95, %swap3A_96] {strides = array<i32>} : memref<128x128xf32, #tpu.memory_space<vmem>>, vector<1x16xf32>,
      %swap3A_98 = vector.shape_cast %swap3A_97 : vector<1x16xf32> to vector<16xf32>
      %swap3A_99 = vector.shape_cast %broadcast_in_dim3A_3 : vector<16xf32> to vector<1x16xf32>
      tpu.vector_store %arg8[%swap3A_95, %swap3A_96], %swap3A_99 {strides = array<i32>} : memref<128x128xf32, #tpu.memory_space<vmem>>, vector<1x16xf32>,
      %swap3A_100 = arith.index_cast %scan3A_85 : i32 to index
      %swap3A_101 = arith.constant 48 : index
      %swap3A_102 = tpu.vector_load %arg8[%swap3A_100, %swap3A_101] {strides = array<i32>} : memref<128x128xf32, #tpu.memory_space<vmem>>, vector<1x16xf32>,
      %swap3A_103 = vector.shape_cast %swap3A_102 : vector<1x16xf32> to vector<16xf32>
      %swap3A_104 = vector.shape_cast %broadcast_in_dim3A_3 : vector<16xf32> to vector<1x16xf32>
      tpu.vector_store %arg8[%swap3A_100, %swap3A_101], %swap3A_104 {strides = array<i32>} : memref<128x128xf32, #tpu.memory_space<vmem>>, vector<1x16xf32>,
      %swap3A_105 = arith.index_cast %scan3A_85 : i32 to index
      %swap3A_106 = arith.constant 64 : index
      %swap3A_107 = tpu.vector_load %arg8[%swap3A_105, %swap3A_106] {strides = array<i32>} : memref<128x128xf32, #tpu.memory_space<vmem>>, vector<1x16xf32>,
      %swap3A_108 = vector.shape_cast %swap3A_107 : vector<1x16xf32> to vector<16xf32>
      %swap3A_109 = vector.shape_cast %broadcast_in_dim3A_3 : vector<16xf32> to vector<1x16xf32>
      tpu.vector_store %arg8[%swap3A_105, %swap3A_106], %swap3A_109 {strides = array<i32>} : memref<128x128xf32, #tpu.memory_space<vmem>>, vector<1x16xf32>,
      %swap3A_110 = arith.index_cast %scan3A_85 : i32 to index
      %swap3A_111 = arith.constant 80 : index
      %swap3A_112 = tpu.vector_load %arg8[%swap3A_110, %swap3A_111] {strides = array<i32>} : memref<128x128xf32, #tpu.memory_space<vmem>>, vector<1x16xf32>,
      %swap3A_113 = vector.shape_cast %swap3A_112 : vector<1x16xf32> to vector<16xf32>
      %swap3A_114 = vector.shape_cast %broadcast_in_dim3A_3 : vector<16xf32> to vector<1x16xf32>
      tpu.vector_store %arg8[%swap3A_110, %swap3A_111], %swap3A_114 {strides = array<i32>} : memref<128x128xf32, #tpu.memory_space<vmem>>, vector<1x16xf32>,
      %swap3A_115 = arith.index_cast %scan3A_85 : i32 to index
      %swap3A_116 = arith.constant 96 : index
      %swap3A_117 = tpu.vector_load %arg8[%swap3A_115, %swap3A_116] {strides = array<i32>} : memref<128x128xf32, #tpu.memory_space<vmem>>, vector<1x16xf32>,
      %swap3A_118 = vector.shape_cast %swap3A_117 : vector<1x16xf32> to vector<16xf32>
      %swap3A_119 = vector.shape_cast %broadcast_in_dim3A_3 : vector<16xf32> to vector<1x16xf32>
      tpu.vector_store %arg8[%swap3A_115, %swap3A_116], %swap3A_119 {strides = array<i32>} : memref<128x128xf32, #tpu.memory_space<vmem>>, vector<1x16xf32>,
      %swap3A_120 = arith.index_cast %scan3A_85 : i32 to index
      %swap3A_121 = arith.constant 112 : index
      %swap3A_122 = tpu.vector_load %arg8[%swap3A_120, %swap3A_121] {strides = array<i32>} : memref<128x128xf32, #tpu.memory_space<vmem>>, vector<1x16xf32>,
      %swap3A_123 = vector.shape_cast %swap3A_122 : vector<1x16xf32> to vector<16xf32>
      %swap3A_124 = vector.shape_cast %broadcast_in_dim3A_3 : vector<16xf32> to vector<1x16xf32>
      tpu.vector_store %arg8[%swap3A_120, %swap3A_121], %swap3A_124 {strides = array<i32>} : memref<128x128xf32, #tpu.memory_space<vmem>>, vector<1x16xf32>,
    }
    %scan3A_8 = arith.constant 128 : i32
    %add3A_9 = arith.constant 0 : i32
    %add3A_10 = arith.addi %mul3A_2, %add3A_9 : i32
    "tpu.region"() ({
      %run_scoped3A_85 = tpu.sem_alloc : memref<!tpu.dma_semaphore, #tpu.memory_space<semaphore_mem>>
      %dma_start3A_86 = arith.constant 0 : i32
      %dma_start3A_87 = tpu.memref_slice %arg12[%add3A_10, %dma_start3A_86] : memref<10240x128xf32, #tpu.memory_space<vmem_shared>> -> memref<128x128xf32, #tpu.memory_space<vmem_shared>>
      %dma_start3A_88 = arith.constant 0 : i32
      %dma_start3A_89 = tpu.memref_slice %arg12[%add3A_10, %dma_start3A_88] : memref<10240x128xf32, #tpu.memory_space<vmem_shared>> -> memref<128x128xf32, #tpu.memory_space<vmem_shared>>
      tpu.enqueue_dma source(%arg8 : memref<128x128xf32, #tpu.memory_space<vmem>>) target(%dma_start3A_89 : memref<128x128xf32, #tpu.memory_space<vmem_shared>>) target_semaphore(%run_scoped3A_85 : memref<!tpu.dma_semaphore, #tpu.memory_space<semaphore_mem>>)
      %dma_wait3A_90 = arith.constant 0 : i32
      %dma_wait3A_91 = tpu.memref_slice %arg12[%add3A_10, %dma_wait3A_90] : memref<10240x128xf32, #tpu.memory_space<vmem_shared>> -> memref<128x128xf32, #tpu.memory_space<vmem_shared>>
      %dma_wait3A_92 = arith.constant 0 : i32
      %dma_wait3A_93 = tpu.memref_slice %arg12[%add3A_10, %dma_wait3A_92] : memref<10240x128xf32, #tpu.memory_space<vmem_shared>> -> memref<128x128xf32, #tpu.memory_space<vmem_shared>>
      tpu.wait_dma2 semaphore(%run_scoped3A_85 : memref<!tpu.dma_semaphore, #tpu.memory_space<semaphore_mem>>) src(%arg8 : memref<128x128xf32, #tpu.memory_space<vmem>>) dst(%dma_wait3A_93 : memref<128x128xf32, #tpu.memory_space<vmem_shared>>)
      tpu.yield
    }) : () -> ()
    %add3A_11 = arith.constant 128 : i32
    %add3A_12 = arith.addi %mul3A_2, %add3A_11 : i32
    "tpu.region"() ({
      %run_scoped3A_85 = tpu.sem_alloc : memref<!tpu.dma_semaphore, #tpu.memory_space<semaphore_mem>>
      %dma_start3A_86 = arith.constant 0 : i32
      %dma_start3A_87 = tpu.memref_slice %arg12[%add3A_12, %dma_start3A_86] : memref<10240x128xf32, #tpu.memory_space<vmem_shared>> -> memref<128x128xf32, #tpu.memory_space<vmem_shared>>
      %dma_start3A_88 = arith.constant 0 : i32
      %dma_start3A_89 = tpu.memref_slice %arg12[%add3A_12, %dma_start3A_88] : memref<10240x128xf32, #tpu.memory_space<vmem_shared>> -> memref<128x128xf32, #tpu.memory_space<vmem_shared>>
      tpu.enqueue_dma source(%arg8 : memref<128x128xf32, #tpu.memory_space<vmem>>) target(%dma_start3A_89 : memref<128x128xf32, #tpu.memory_space<vmem_shared>>) target_semaphore(%run_scoped3A_85 : memref<!tpu.dma_semaphore, #tpu.memory_space<semaphore_mem>>)
      %dma_wait3A_90 = arith.constant 0 : i32
      %dma_wait3A_91 = tpu.memref_slice %arg12[%add3A_12, %dma_wait3A_90] : memref<10240x128xf32, #tpu.memory_space<vmem_shared>> -> memref<128x128xf32, #tpu.memory_space<vmem_shared>>
      %dma_wait3A_92 = arith.constant 0 : i32
      %dma_wait3A_93 = tpu.memref_slice %arg12[%add3A_12, %dma_wait3A_92] : memref<10240x128xf32, #tpu.memory_space<vmem_shared>> -> memref<128x128xf32, #tpu.memory_space<vmem_shared>>
      tpu.wait_dma2 semaphore(%run_scoped3A_85 : memref<!tpu.dma_semaphore, #tpu.memory_space<semaphore_mem>>) src(%arg8 : memref<128x128xf32, #tpu.memory_space<vmem>>) dst(%dma_wait3A_93 : memref<128x128xf32, #tpu.memory_space<vmem_shared>>)
      tpu.yield
    }) : () -> ()
    %add3A_13 = arith.constant 256 : i32
    %add3A_14 = arith.addi %mul3A_2, %add3A_13 : i32
    "tpu.region"() ({
      %run_scoped3A_85 = tpu.sem_alloc : memref<!tpu.dma_semaphore, #tpu.memory_space<semaphore_mem>>
      %dma_start3A_86 = arith.constant 0 : i32
      %dma_start3A_87 = tpu.memref_slice %arg12[%add3A_14, %dma_start3A_86] : memref<10240x128xf32, #tpu.memory_space<vmem_shared>> -> memref<128x128xf32, #tpu.memory_space<vmem_shared>>
      %dma_start3A_88 = arith.constant 0 : i32
      %dma_start3A_89 = tpu.memref_slice %arg12[%add3A_14, %dma_start3A_88] : memref<10240x128xf32, #tpu.memory_space<vmem_shared>> -> memref<128x128xf32, #tpu.memory_space<vmem_shared>>
      tpu.enqueue_dma source(%arg8 : memref<128x128xf32, #tpu.memory_space<vmem>>) target(%dma_start3A_89 : memref<128x128xf32, #tpu.memory_space<vmem_shared>>) target_semaphore(%run_scoped3A_85 : memref<!tpu.dma_semaphore, #tpu.memory_space<semaphore_mem>>)
      %dma_wait3A_90 = arith.constant 0 : i32
      %dma_wait3A_91 = tpu.memref_slice %arg12[%add3A_14, %dma_wait3A_90] : memref<10240x128xf32, #tpu.memory_space<vmem_shared>> -> memref<128x128xf32, #tpu.memory_space<vmem_shared>>
      %dma_wait3A_92 = arith.constant 0 : i32
      %dma_wait3A_93 = tpu.memref_slice %arg12[%add3A_14, %dma_wait3A_92] : memref<10240x128xf32, #tpu.memory_space<vmem_shared>> -> memref<128x128xf32, #tpu.memory_space<vmem_shared>>
      tpu.wait_dma2 semaphore(%run_scoped3A_85 : memref<!tpu.dma_semaphore, #tpu.memory_space<semaphore_mem>>) src(%arg8 : memref<128x128xf32, #tpu.memory_space<vmem>>) dst(%dma_wait3A_93 : memref<128x128xf32, #tpu.memory_space<vmem_shared>>)
      tpu.yield
    }) : () -> ()
    %add3A_15 = arith.constant 384 : i32
    %add3A_16 = arith.addi %mul3A_2, %add3A_15 : i32
    "tpu.region"() ({
      %run_scoped3A_85 = tpu.sem_alloc : memref<!tpu.dma_semaphore, #tpu.memory_space<semaphore_mem>>
      %dma_start3A_86 = arith.constant 0 : i32
      %dma_start3A_87 = tpu.memref_slice %arg12[%add3A_16, %dma_start3A_86] : memref<10240x128xf32, #tpu.memory_space<vmem_shared>> -> memref<128x128xf32, #tpu.memory_space<vmem_shared>>
      %dma_start3A_88 = arith.constant 0 : i32
      %dma_start3A_89 = tpu.memref_slice %arg12[%add3A_16, %dma_start3A_88] : memref<10240x128xf32, #tpu.memory_space<vmem_shared>> -> memref<128x128xf32, #tpu.memory_space<vmem_shared>>
      tpu.enqueue_dma source(%arg8 : memref<128x128xf32, #tpu.memory_space<vmem>>) target(%dma_start3A_89 : memref<128x128xf32, #tpu.memory_space<vmem_shared>>) target_semaphore(%run_scoped3A_85 : memref<!tpu.dma_semaphore, #tpu.memory_space<semaphore_mem>>)
      %dma_wait3A_90 = arith.constant 0 : i32
      %dma_wait3A_91 = tpu.memref_slice %arg12[%add3A_16, %dma_wait3A_90] : memref<10240x128xf32, #tpu.memory_space<vmem_shared>> -> memref<128x128xf32, #tpu.memory_space<vmem_shared>>
      %dma_wait3A_92 = arith.constant 0 : i32
      %dma_wait3A_93 = tpu.memref_slice %arg12[%add3A_16, %dma_wait3A_92] : memref<10240x128xf32, #tpu.memory_space<vmem_shared>> -> memref<128x128xf32, #tpu.memory_space<vmem_shared>>
      tpu.wait_dma2 semaphore(%run_scoped3A_85 : memref<!tpu.dma_semaphore, #tpu.memory_space<semaphore_mem>>) src(%arg8 : memref<128x128xf32, #tpu.memory_space<vmem>>) dst(%dma_wait3A_93 : memref<128x128xf32, #tpu.memory_space<vmem_shared>>)
      tpu.yield
    }) : () -> ()
    %add3A_17 = arith.constant 512 : i32
    %add3A_18 = arith.addi %mul3A_2, %add3A_17 : i32
    "tpu.region"() ({
      %run_scoped3A_85 = tpu.sem_alloc : memref<!tpu.dma_semaphore, #tpu.memory_space<semaphore_mem>>
      %dma_start3A_86 = arith.constant 0 : i32
      %dma_start3A_87 = tpu.memref_slice %arg12[%add3A_18, %dma_start3A_86] : memref<10240x128xf32, #tpu.memory_space<vmem_shared>> -> memref<128x128xf32, #tpu.memory_space<vmem_shared>>
      %dma_start3A_88 = arith.constant 0 : i32
      %dma_start3A_89 = tpu.memref_slice %arg12[%add3A_18, %dma_start3A_88] : memref<10240x128xf32, #tpu.memory_space<vmem_shared>> -> memref<128x128xf32, #tpu.memory_space<vmem_shared>>
      tpu.enqueue_dma source(%arg8 : memref<128x128xf32, #tpu.memory_space<vmem>>) target(%dma_start3A_89 : memref<128x128xf32, #tpu.memory_space<vmem_shared>>) target_semaphore(%run_scoped3A_85 : memref<!tpu.dma_semaphore, #tpu.memory_space<semaphore_mem>>)
      %dma_wait3A_90 = arith.constant 0 : i32
      %dma_wait3A_91 = tpu.memref_slice %arg12[%add3A_18, %dma_wait3A_90] : memref<10240x128xf32, #tpu.memory_space<vmem_shared>> -> memref<128x128xf32, #tpu.memory_space<vmem_shared>>
      %dma_wait3A_92 = arith.constant 0 : i32
      %dma_wait3A_93 = tpu.memref_slice %arg12[%add3A_18, %dma_wait3A_92] : memref<10240x128xf32, #tpu.memory_space<vmem_shared>> -> memref<128x128xf32, #tpu.memory_space<vmem_shared>>
      tpu.wait_dma2 semaphore(%run_scoped3A_85 : memref<!tpu.dma_semaphore, #tpu.memory_space<semaphore_mem>>) src(%arg8 : memref<128x128xf32, #tpu.memory_space<vmem>>) dst(%dma_wait3A_93 : memref<128x128xf32, #tpu.memory_space<vmem_shared>>)
      tpu.yield
    }) : () -> ()
    %barrier3A = arith.constant 0 : index
    tpu.barrier barrier_id(%barrier3A)
    "tpu.region"() ({
      %run_scoped3A_85 = tpu.sem_alloc : memref<!tpu.dma_semaphore, #tpu.memory_space<semaphore_mem>>
      %dma_start3A_86 = arith.constant 0 : i32
      %dma_start3A_87 = arith.constant 0 : i32
      %dma_start3A_88 = tpu.memref_slice %arg2[%add3A, %dma_start3A_86, %dma_start3A_87] : memref<32x80x128xi32, #tpu.memory_space<hbm>> -> memref<1x40x128xi32, #tpu.memory_space<hbm>>
      %dma_start3A_89 = tpu.memref_squeeze %dma_start3A_88 : memref<1x40x128xi32, #tpu.memory_space<hbm>> -> memref<40x128xi32, #tpu.memory_space<hbm>>
      %dma_start3A_90 = arith.constant 0 : i32
      %dma_start3A_91 = arith.constant 0 : i32
      %dma_start3A_92 = tpu.memref_slice %arg2[%add3A, %dma_start3A_90, %dma_start3A_91] : memref<32x80x128xi32, #tpu.memory_space<hbm>> -> memref<1x40x128xi32, #tpu.memory_space<hbm>>
      %dma_start3A_93 = tpu.memref_squeeze %dma_start3A_92 : memref<1x40x128xi32, #tpu.memory_space<hbm>> -> memref<40x128xi32, #tpu.memory_space<hbm>>
      tpu.enqueue_dma source(%dma_start3A_93 : memref<40x128xi32, #tpu.memory_space<hbm>>) target(%arg6 : memref<40x128xi32, #tpu.memory_space<vmem>>) target_semaphore(%run_scoped3A_85 : memref<!tpu.dma_semaphore, #tpu.memory_space<semaphore_mem>>)
      %dma_wait3A_94 = arith.constant 0 : i32
      %dma_wait3A_95 = arith.constant 0 : i32
      %dma_wait3A_96 = tpu.memref_slice %arg2[%add3A, %dma_wait3A_94, %dma_wait3A_95] : memref<32x80x128xi32, #tpu.memory_space<hbm>> -> memref<1x40x128xi32, #tpu.memory_space<hbm>>
      %dma_wait3A_97 = tpu.memref_squeeze %dma_wait3A_96 : memref<1x40x128xi32, #tpu.memory_space<hbm>> -> memref<40x128xi32, #tpu.memory_space<hbm>>
      %dma_wait3A_98 = arith.constant 0 : i32
      %dma_wait3A_99 = arith.constant 0 : i32
      %dma_wait3A_100 = tpu.memref_slice %arg2[%add3A, %dma_wait3A_98, %dma_wait3A_99] : memref<32x80x128xi32, #tpu.memory_space<hbm>> -> memref<1x40x128xi32, #tpu.memory_space<hbm>>
      %dma_wait3A_101 = tpu.memref_squeeze %dma_wait3A_100 : memref<1x40x128xi32, #tpu.memory_space<hbm>> -> memref<40x128xi32, #tpu.memory_space<hbm>>
      tpu.wait_dma2 semaphore(%run_scoped3A_85 : memref<!tpu.dma_semaphore, #tpu.memory_space<semaphore_mem>>) src(%dma_wait3A_101 : memref<40x128xi32, #tpu.memory_space<hbm>>) dst(%arg6 : memref<40x128xi32, #tpu.memory_space<vmem>>)
      tpu.yield
    }) : () -> ()
    "tpu.region"() ({
      %run_scoped3A_85 = tpu.sem_alloc : memref<!tpu.dma_semaphore, #tpu.memory_space<semaphore_mem>>
      %dma_start3A_86 = arith.constant 0 : i32
      %dma_start3A_87 = arith.constant 0 : i32
      %dma_start3A_88 = tpu.memref_slice %arg3[%add3A, %dma_start3A_86, %dma_start3A_87] : memref<32x80x128xi32, #tpu.memory_space<hbm>> -> memref<1x40x128xi32, #tpu.memory_space<hbm>>
      %dma_start3A_89 = tpu.memref_squeeze %dma_start3A_88 : memref<1x40x128xi32, #tpu.memory_space<hbm>> -> memref<40x128xi32, #tpu.memory_space<hbm>>
      %dma_start3A_90 = arith.constant 0 : i32
      %dma_start3A_91 = arith.constant 0 : i32
      %dma_start3A_92 = tpu.memref_slice %arg3[%add3A, %dma_start3A_90, %dma_start3A_91] : memref<32x80x128xi32, #tpu.memory_space<hbm>> -> memref<1x40x128xi32, #tpu.memory_space<hbm>>
      %dma_start3A_93 = tpu.memref_squeeze %dma_start3A_92 : memref<1x40x128xi32, #tpu.memory_space<hbm>> -> memref<40x128xi32, #tpu.memory_space<hbm>>
      tpu.enqueue_dma source(%dma_start3A_93 : memref<40x128xi32, #tpu.memory_space<hbm>>) target(%arg7 : memref<40x128xi32, #tpu.memory_space<vmem>>) target_semaphore(%run_scoped3A_85 : memref<!tpu.dma_semaphore, #tpu.memory_space<semaphore_mem>>)
      %dma_wait3A_94 = arith.constant 0 : i32
      %dma_wait3A_95 = arith.constant 0 : i32
      %dma_wait3A_96 = tpu.memref_slice %arg3[%add3A, %dma_wait3A_94, %dma_wait3A_95] : memref<32x80x128xi32, #tpu.memory_space<hbm>> -> memref<1x40x128xi32, #tpu.memory_space<hbm>>
      %dma_wait3A_97 = tpu.memref_squeeze %dma_wait3A_96 : memref<1x40x128xi32, #tpu.memory_space<hbm>> -> memref<40x128xi32, #tpu.memory_space<hbm>>
      %dma_wait3A_98 = arith.constant 0 : i32
      %dma_wait3A_99 = arith.constant 0 : i32
      %dma_wait3A_100 = tpu.memref_slice %arg3[%add3A, %dma_wait3A_98, %dma_wait3A_99] : memref<32x80x128xi32, #tpu.memory_space<hbm>> -> memref<1x40x128xi32, #tpu.memory_space<hbm>>
      %dma_wait3A_101 = tpu.memref_squeeze %dma_wait3A_100 : memref<1x40x128xi32, #tpu.memory_space<hbm>> -> memref<40x128xi32, #tpu.memory_space<hbm>>
      tpu.wait_dma2 semaphore(%run_scoped3A_85 : memref<!tpu.dma_semaphore, #tpu.memory_space<semaphore_mem>>) src(%dma_wait3A_101 : memref<40x128xi32, #tpu.memory_space<hbm>>) dst(%arg7 : memref<40x128xi32, #tpu.memory_space<vmem>>)
      tpu.yield
    }) : () -> ()
    %dma_start3A = arith.constant 0 : i32
    %dma_start3A_19 = arith.constant 0 : i32
    %dma_start3A_20 = tpu.memref_slice %arg6[%dma_start3A, %dma_start3A_19] : memref<40x128xi32, #tpu.memory_space<vmem>> -> memref<1x128xi32, #tpu.memory_space<vmem>>
    %dma_start3A_21 = tpu.memref_squeeze %dma_start3A_20 : memref<1x128xi32, #tpu.memory_space<vmem>> -> memref<128xi32, #tpu.memory_space<vmem>>
    %dma_start3A_22 = arith.constant 0 : i32
    %dma_start3A_23 = arith.constant 0 : i32
    %dma_start3A_24 = tpu.memref_slice %arg4[%dma_start3A_22, %dma_start3A_23] : memref<10000x128xf32, #tpu.memory_space<hbm>> -> memref<10000x128xf32, #tpu.memory_space<hbm>>
    tpu.enqueue_indirect_dma source(%dma_start3A_24 : memref<10000x128xf32, #tpu.memory_space<hbm>>) target(%arg8 : memref<128x128xf32, #tpu.memory_space<vmem>>) offsets(%dma_start3A_21 : memref<128xi32, #tpu.memory_space<vmem>>) semaphore(%arg10 : memref<!tpu.dma_semaphore, #tpu.memory_space<semaphore_mem>>)
    %dma_start3A_25 = arith.constant 1 : i32
    %dma_start3A_26 = arith.constant 0 : i32
    %dma_start3A_27 = tpu.memref_slice %arg6[%dma_start3A_25, %dma_start3A_26] : memref<40x128xi32, #tpu.memory_space<vmem>> -> memref<1x128xi32, #tpu.memory_space<vmem>>
    %dma_start3A_28 = tpu.memref_squeeze %dma_start3A_27 : memref<1x128xi32, #tpu.memory_space<vmem>> -> memref<128xi32, #tpu.memory_space<vmem>>
    %dma_start3A_29 = arith.constant 0 : i32
    %dma_start3A_30 = arith.constant 0 : i32
    %dma_start3A_31 = tpu.memref_slice %arg4[%dma_start3A_29, %dma_start3A_30] : memref<10000x128xf32, #tpu.memory_space<hbm>> -> memref<10000x128xf32, #tpu.memory_space<hbm>>
    tpu.enqueue_indirect_dma source(%dma_start3A_31 : memref<10000x128xf32, #tpu.memory_space<hbm>>) target(%arg9 : memref<128x128xf32, #tpu.memory_space<vmem>>) offsets(%dma_start3A_28 : memref<128xi32, #tpu.memory_space<vmem>>) semaphore(%arg11 : memref<!tpu.dma_semaphore, #tpu.memory_space<semaphore_mem>>)
    %scan3A_32 = arith.constant 0 : i32
    %scan3A_33 = arith.constant 0 : i32
    %scan3A_34 = arith.constant 19 : i32
    %scan3A_35 = arith.addi %scan3A_33, %scan3A_34 : i32
    %scan3A_36 = arith.constant 1 : i32
    scf.for %scan3A_85 = %scan3A_33 to %scan3A_35 step %scan3A_36  : i32 {
      %mul3A_86 = arith.constant 2 : i32
      %mul3A_87 = arith.muli %mul3A_86, %scan3A_85 : i32
      %dma_wait3A_88 = arith.constant 0 : i32
      %dma_wait3A_89 = arith.constant 0 : i32
      %dma_wait3A_90 = tpu.memref_slice %arg4[%dma_wait3A_88, %dma_wait3A_89] : memref<10000x128xf32, #tpu.memory_space<hbm>> -> memref<128x128xf32, #tpu.memory_space<hbm>>
      %dma_wait3A_91 = arith.constant 0 : i32
      %dma_wait3A_92 = arith.constant 0 : i32
      %dma_wait3A_93 = tpu.memref_slice %arg4[%dma_wait3A_91, %dma_wait3A_92] : memref<10000x128xf32, #tpu.memory_space<hbm>> -> memref<128x128xf32, #tpu.memory_space<hbm>>
      tpu.wait_dma2 semaphore(%arg10 : memref<!tpu.dma_semaphore, #tpu.memory_space<semaphore_mem>>) src(%dma_wait3A_93 : memref<128x128xf32, #tpu.memory_space<hbm>>) dst(%arg8 : memref<128x128xf32, #tpu.memory_space<vmem>>)
      "tpu.region"() ({
        %run_scoped3A_118 = tpu.sem_alloc : memref<!tpu.dma_semaphore, #tpu.memory_space<semaphore_mem>>
        %dma_start3A_119 = arith.constant 0 : i32
        %dma_start3A_120 = tpu.memref_slice %arg7[%mul3A_87, %dma_start3A_119] : memref<40x128xi32, #tpu.memory_space<vmem>> -> memref<1x128xi32, #tpu.memory_space<vmem>>
        %dma_start3A_121 = tpu.memref_squeeze %dma_start3A_120 : memref<1x128xi32, #tpu.memory_space<vmem>> -> memref<128xi32, #tpu.memory_space<vmem>>
        %dma_start3A_122 = arith.constant 0 : i32
        %dma_start3A_123 = arith.constant 0 : i32
        %dma_start3A_124 = tpu.memref_slice %arg12[%dma_start3A_122, %dma_start3A_123] : memref<10240x128xf32, #tpu.memory_space<vmem_shared>> -> memref<10240x128xf32, #tpu.memory_space<vmem_shared>>
        tpu.enqueue_indirect_dma source(%arg8 : memref<128x128xf32, #tpu.memory_space<vmem>>) target(%dma_start3A_124 : memref<10240x128xf32, #tpu.memory_space<vmem_shared>>) offsets(%dma_start3A_121 : memref<128xi32, #tpu.memory_space<vmem>>) semaphore(%run_scoped3A_118 : memref<!tpu.dma_semaphore, #tpu.memory_space<semaphore_mem>>) {add = true}
        %dma_wait3A_125 = arith.constant 0 : i32
        %dma_wait3A_126 = tpu.memref_slice %arg7[%mul3A_87, %dma_wait3A_125] : memref<40x128xi32, #tpu.memory_space<vmem>> -> memref<1x128xi32, #tpu.memory_space<vmem>>
        %dma_wait3A_127 = tpu.memref_squeeze %dma_wait3A_126 : memref<1x128xi32, #tpu.memory_space<vmem>> -> memref<128xi32, #tpu.memory_space<vmem>>
        %dma_wait3A_128 = arith.constant 0 : i32
        %dma_wait3A_129 = arith.constant 0 : i32
        %dma_wait3A_130 = tpu.memref_slice %arg12[%dma_wait3A_128, %dma_wait3A_129] : memref<10240x128xf32, #tpu.memory_space<vmem_shared>> -> memref<10240x128xf32, #tpu.memory_space<vmem_shared>>
        tpu.wait_indirect_dma semaphore(%run_scoped3A_118 : memref<!tpu.dma_semaphore, #tpu.memory_space<semaphore_mem>>) src(%arg8 : memref<128x128xf32, #tpu.memory_space<vmem>>) dst(%dma_wait3A_130 : memref<10240x128xf32, #tpu.memory_space<vmem_shared>>)
        tpu.yield
      }) : () -> ()
      %add3A_94 = arith.constant 2 : i32
      %add3A_95 = arith.addi %mul3A_87, %add3A_94 : i32
      %dma_start3A_96 = arith.constant 0 : i32
      %dma_start3A_97 = tpu.memref_slice %arg6[%add3A_95, %dma_start3A_96] : memref<40x128xi32, #tpu.memory_space<vmem>> -> memref<1x128xi32, #tpu.memory_space<vmem>>
      %dma_start3A_98 = tpu.memref_squeeze %dma_start3A_97 : memref<1x128xi32, #tpu.memory_space<vmem>> -> memref<128xi32, #tpu.memory_space<vmem>>
      %dma_start3A_99 = arith.constant 0 : i32
      %dma_start3A_100 = arith.constant 0 : i32
      %dma_start3A_101 = tpu.memref_slice %arg4[%dma_start3A_99, %dma_start3A_100] : memref<10000x128xf32, #tpu.memory_space<hbm>> -> memref<10000x128xf32, #tpu.memory_space<hbm>>
      tpu.enqueue_indirect_dma source(%dma_start3A_101 : memref<10000x128xf32, #tpu.memory_space<hbm>>) target(%arg8 : memref<128x128xf32, #tpu.memory_space<vmem>>) offsets(%dma_start3A_98 : memref<128xi32, #tpu.memory_space<vmem>>) semaphore(%arg10 : memref<!tpu.dma_semaphore, #tpu.memory_space<semaphore_mem>>)
      %dma_wait3A_102 = arith.constant 0 : i32
      %dma_wait3A_103 = arith.constant 0 : i32
      %dma_wait3A_104 = tpu.memref_slice %arg4[%dma_wait3A_102, %dma_wait3A_103] : memref<10000x128xf32, #tpu.memory_space<hbm>> -> memref<128x128xf32, #tpu.memory_space<hbm>>
      %dma_wait3A_105 = arith.constant 0 : i32
      %dma_wait3A_106 = arith.constant 0 : i32
      %dma_wait3A_107 = tpu.memref_slice %arg4[%dma_wait3A_105, %dma_wait3A_106] : memref<10000x128xf32, #tpu.memory_space<hbm>> -> memref<128x128xf32, #tpu.memory_space<hbm>>
      tpu.wait_dma2 semaphore(%arg11 : memref<!tpu.dma_semaphore, #tpu.memory_space<semaphore_mem>>) src(%dma_wait3A_107 : memref<128x128xf32, #tpu.memory_space<hbm>>) dst(%arg9 : memref<128x128xf32, #tpu.memory_space<vmem>>)
      %add3A_108 = arith.constant 1 : i32
      %add3A_109 = arith.addi %mul3A_87, %add3A_108 : i32
      "tpu.region"() ({
        %run_scoped3A_118 = tpu.sem_alloc : memref<!tpu.dma_semaphore, #tpu.memory_space<semaphore_mem>>
        %dma_start3A_119 = arith.constant 0 : i32
        %dma_start3A_120 = tpu.memref_slice %arg7[%add3A_109, %dma_start3A_119] : memref<40x128xi32, #tpu.memory_space<vmem>> -> memref<1x128xi32, #tpu.memory_space<vmem>>
        %dma_start3A_121 = tpu.memref_squeeze %dma_start3A_120 : memref<1x128xi32, #tpu.memory_space<vmem>> -> memref<128xi32, #tpu.memory_space<vmem>>
        %dma_start3A_122 = arith.constant 0 : i32
        %dma_start3A_123 = arith.constant 0 : i32
        %dma_start3A_124 = tpu.memref_slice %arg12[%dma_start3A_122, %dma_start3A_123] : memref<10240x128xf32, #tpu.memory_space<vmem_shared>> -> memref<10240x128xf32, #tpu.memory_space<vmem_shared>>
        tpu.enqueue_indirect_dma source(%arg9 : memref<128x128xf32, #tpu.memory_space<vmem>>) target(%dma_start3A_124 : memref<10240x128xf32, #tpu.memory_space<vmem_shared>>) offsets(%dma_start3A_121 : memref<128xi32, #tpu.memory_space<vmem>>) semaphore(%run_scoped3A_118 : memref<!tpu.dma_semaphore, #tpu.memory_space<semaphore_mem>>) {add = true}
        %dma_wait3A_125 = arith.constant 0 : i32
        %dma_wait3A_126 = tpu.memref_slice %arg7[%add3A_109, %dma_wait3A_125] : memref<40x128xi32, #tpu.memory_space<vmem>> -> memref<1x128xi32, #tpu.memory_space<vmem>>
        %dma_wait3A_127 = tpu.memref_squeeze %dma_wait3A_126 : memref<1x128xi32, #tpu.memory_space<vmem>> -> memref<128xi32, #tpu.memory_space<vmem>>
        %dma_wait3A_128 = arith.constant 0 : i32
        %dma_wait3A_129 = arith.constant 0 : i32
        %dma_wait3A_130 = tpu.memref_slice %arg12[%dma_wait3A_128, %dma_wait3A_129] : memref<10240x128xf32, #tpu.memory_space<vmem_shared>> -> memref<10240x128xf32, #tpu.memory_space<vmem_shared>>
        tpu.wait_indirect_dma semaphore(%run_scoped3A_118 : memref<!tpu.dma_semaphore, #tpu.memory_space<semaphore_mem>>) src(%arg9 : memref<128x128xf32, #tpu.memory_space<vmem>>) dst(%dma_wait3A_130 : memref<10240x128xf32, #tpu.memory_space<vmem_shared>>)
        tpu.yield
      }) : () -> ()
      %add3A_110 = arith.constant 3 : i32
      %add3A_111 = arith.addi %mul3A_87, %add3A_110 : i32
      %dma_start3A_112 = arith.constant 0 : i32
      %dma_start3A_113 = tpu.memref_slice %arg6[%add3A_111, %dma_start3A_112] : memref<40x128xi32, #tpu.memory_space<vmem>> -> memref<1x128xi32, #tpu.memory_space<vmem>>
      %dma_start3A_114 = tpu.memref_squeeze %dma_start3A_113 : memref<1x128xi32, #tpu.memory_space<vmem>> -> memref<128xi32, #tpu.memory_space<vmem>>
      %dma_start3A_115 = arith.constant 0 : i32
      %dma_start3A_116 = arith.constant 0 : i32
      %dma_start3A_117 = tpu.memref_slice %arg4[%dma_start3A_115, %dma_start3A_116] : memref<10000x128xf32, #tpu.memory_space<hbm>> -> memref<10000x128xf32, #tpu.memory_space<hbm>>
      tpu.enqueue_indirect_dma source(%dma_start3A_117 : memref<10000x128xf32, #tpu.memory_space<hbm>>) target(%arg9 : memref<128x128xf32, #tpu.memory_space<vmem>>) offsets(%dma_start3A_114 : memref<128xi32, #tpu.memory_space<vmem>>) semaphore(%arg11 : memref<!tpu.dma_semaphore, #tpu.memory_space<semaphore_mem>>)
    }
    %scan3A_37 = arith.constant 19 : i32
    %dma_wait3A = arith.constant 0 : i32
    %dma_wait3A_38 = arith.constant 0 : i32
    %dma_wait3A_39 = tpu.memref_slice %arg4[%dma_wait3A, %dma_wait3A_38] : memref<10000x128xf32, #tpu.memory_space<hbm>> -> memref<128x128xf32, #tpu.memory_space<hbm>>
    %dma_wait3A_40 = arith.constant 0 : i32
    %dma_wait3A_41 = arith.constant 0 : i32
    %dma_wait3A_42 = tpu.memref_slice %arg4[%dma_wait3A_40, %dma_wait3A_41] : memref<10000x128xf32, #tpu.memory_space<hbm>> -> memref<128x128xf32, #tpu.memory_space<hbm>>
    tpu.wait_dma2 semaphore(%arg10 : memref<!tpu.dma_semaphore, #tpu.memory_space<semaphore_mem>>) src(%dma_wait3A_42 : memref<128x128xf32, #tpu.memory_space<hbm>>) dst(%arg8 : memref<128x128xf32, #tpu.memory_space<vmem>>)
    %run_scoped3A = arith.constant 38 : i32
    "tpu.region"() ({
      %run_scoped3A_85 = tpu.sem_alloc : memref<!tpu.dma_semaphore, #tpu.memory_space<semaphore_mem>>
      %dma_start3A_86 = arith.constant 0 : i32
      %dma_start3A_87 = tpu.memref_slice %arg7[%run_scoped3A, %dma_start3A_86] : memref<40x128xi32, #tpu.memory_space<vmem>> -> memref<1x128xi32, #tpu.memory_space<vmem>>
      %dma_start3A_88 = tpu.memref_squeeze %dma_start3A_87 : memref<1x128xi32, #tpu.memory_space<vmem>> -> memref<128xi32, #tpu.memory_space<vmem>>
      %dma_start3A_89 = arith.constant 0 : i32
      %dma_start3A_90 = arith.constant 0 : i32
      %dma_start3A_91 = tpu.memref_slice %arg12[%dma_start3A_89, %dma_start3A_90] : memref<10240x128xf32, #tpu.memory_space<vmem_shared>> -> memref<10240x128xf32, #tpu.memory_space<vmem_shared>>
      tpu.enqueue_indirect_dma source(%arg8 : memref<128x128xf32, #tpu.memory_space<vmem>>) target(%dma_start3A_91 : memref<10240x128xf32, #tpu.memory_space<vmem_shared>>) offsets(%dma_start3A_88 : memref<128xi32, #tpu.memory_space<vmem>>) semaphore(%run_scoped3A_85 : memref<!tpu.dma_semaphore, #tpu.memory_space<semaphore_mem>>) {add = true}
      %dma_wait3A_92 = arith.constant 0 : i32
      %dma_wait3A_93 = tpu.memref_slice %arg7[%run_scoped3A, %dma_wait3A_92] : memref<40x128xi32, #tpu.memory_space<vmem>> -> memref<1x128xi32, #tpu.memory_space<vmem>>
      %dma_wait3A_94 = tpu.memref_squeeze %dma_wait3A_93 : memref<1x128xi32, #tpu.memory_space<vmem>> -> memref<128xi32, #tpu.memory_space<vmem>>
      %dma_wait3A_95 = arith.constant 0 : i32
      %dma_wait3A_96 = arith.constant 0 : i32
      %dma_wait3A_97 = tpu.memref_slice %arg12[%dma_wait3A_95, %dma_wait3A_96] : memref<10240x128xf32, #tpu.memory_space<vmem_shared>> -> memref<10240x128xf32, #tpu.memory_space<vmem_shared>>
      tpu.wait_indirect_dma semaphore(%run_scoped3A_85 : memref<!tpu.dma_semaphore, #tpu.memory_space<semaphore_mem>>) src(%arg8 : memref<128x128xf32, #tpu.memory_space<vmem>>) dst(%dma_wait3A_97 : memref<10240x128xf32, #tpu.memory_space<vmem_shared>>)
      tpu.yield
    }) : () -> ()
    %dma_wait3A_43 = arith.constant 0 : i32
    %dma_wait3A_44 = arith.constant 0 : i32
    %dma_wait3A_45 = tpu.memref_slice %arg4[%dma_wait3A_43, %dma_wait3A_44] : memref<10000x128xf32, #tpu.memory_space<hbm>> -> memref<128x128xf32, #tpu.memory_space<hbm>>
    %dma_wait3A_46 = arith.constant 0 : i32
    %dma_wait3A_47 = arith.constant 0 : i32
    %dma_wait3A_48 = tpu.memref_slice %arg4[%dma_wait3A_46, %dma_wait3A_47] : memref<10000x128xf32, #tpu.memory_space<hbm>> -> memref<128x128xf32, #tpu.memory_space<hbm>>
    tpu.wait_dma2 semaphore(%arg11 : memref<!tpu.dma_semaphore, #tpu.memory_space<semaphore_mem>>) src(%dma_wait3A_48 : memref<128x128xf32, #tpu.memory_space<hbm>>) dst(%arg9 : memref<128x128xf32, #tpu.memory_space<vmem>>)
    %run_scoped3A_49 = arith.constant 39 : i32
    "tpu.region"() ({
      %run_scoped3A_85 = tpu.sem_alloc : memref<!tpu.dma_semaphore, #tpu.memory_space<semaphore_mem>>
      %dma_start3A_86 = arith.constant 0 : i32
      %dma_start3A_87 = tpu.memref_slice %arg7[%run_scoped3A_49, %dma_start3A_86] : memref<40x128xi32, #tpu.memory_space<vmem>> -> memref<1x128xi32, #tpu.memory_space<vmem>>
      %dma_start3A_88 = tpu.memref_squeeze %dma_start3A_87 : memref<1x128xi32, #tpu.memory_space<vmem>> -> memref<128xi32, #tpu.memory_space<vmem>>
      %dma_start3A_89 = arith.constant 0 : i32
      %dma_start3A_90 = arith.constant 0 : i32
      %dma_start3A_91 = tpu.memref_slice %arg12[%dma_start3A_89, %dma_start3A_90] : memref<10240x128xf32, #tpu.memory_space<vmem_shared>> -> memref<10240x128xf32, #tpu.memory_space<vmem_shared>>
      tpu.enqueue_indirect_dma source(%arg9 : memref<128x128xf32, #tpu.memory_space<vmem>>) target(%dma_start3A_91 : memref<10240x128xf32, #tpu.memory_space<vmem_shared>>) offsets(%dma_start3A_88 : memref<128xi32, #tpu.memory_space<vmem>>) semaphore(%run_scoped3A_85 : memref<!tpu.dma_semaphore, #tpu.memory_space<semaphore_mem>>) {add = true}
      %dma_wait3A_92 = arith.constant 0 : i32
      %dma_wait3A_93 = tpu.memref_slice %arg7[%run_scoped3A_49, %dma_wait3A_92] : memref<40x128xi32, #tpu.memory_space<vmem>> -> memref<1x128xi32, #tpu.memory_space<vmem>>
      %dma_wait3A_94 = tpu.memref_squeeze %dma_wait3A_93 : memref<1x128xi32, #tpu.memory_space<vmem>> -> memref<128xi32, #tpu.memory_space<vmem>>
      %dma_wait3A_95 = arith.constant 0 : i32
      %dma_wait3A_96 = arith.constant 0 : i32
      %dma_wait3A_97 = tpu.memref_slice %arg12[%dma_wait3A_95, %dma_wait3A_96] : memref<10240x128xf32, #tpu.memory_space<vmem_shared>> -> memref<10240x128xf32, #tpu.memory_space<vmem_shared>>
      tpu.wait_indirect_dma semaphore(%run_scoped3A_85 : memref<!tpu.dma_semaphore, #tpu.memory_space<semaphore_mem>>) src(%arg9 : memref<128x128xf32, #tpu.memory_space<vmem>>) dst(%dma_wait3A_97 : memref<10240x128xf32, #tpu.memory_space<vmem_shared>>)
      tpu.yield
    }) : () -> ()
    "tpu.region"() ({
      %run_scoped3A_85 = tpu.sem_alloc : memref<!tpu.dma_semaphore, #tpu.memory_space<semaphore_mem>>
      %dma_start3A_86 = arith.constant 40 : i32
      %dma_start3A_87 = arith.constant 0 : i32
      %dma_start3A_88 = tpu.memref_slice %arg2[%add3A, %dma_start3A_86, %dma_start3A_87] : memref<32x80x128xi32, #tpu.memory_space<hbm>> -> memref<1x40x128xi32, #tpu.memory_space<hbm>>
      %dma_start3A_89 = tpu.memref_squeeze %dma_start3A_88 : memref<1x40x128xi32, #tpu.memory_space<hbm>> -> memref<40x128xi32, #tpu.memory_space<hbm>>
      %dma_start3A_90 = arith.constant 40 : i32
      %dma_start3A_91 = arith.constant 0 : i32
      %dma_start3A_92 = tpu.memref_slice %arg2[%add3A, %dma_start3A_90, %dma_start3A_91] : memref<32x80x128xi32, #tpu.memory_space<hbm>> -> memref<1x40x128xi32, #tpu.memory_space<hbm>>
      %dma_start3A_93 = tpu.memref_squeeze %dma_start3A_92 : memref<1x40x128xi32, #tpu.memory_space<hbm>> -> memref<40x128xi32, #tpu.memory_space<hbm>>
      tpu.enqueue_dma source(%dma_start3A_93 : memref<40x128xi32, #tpu.memory_space<hbm>>) target(%arg6 : memref<40x128xi32, #tpu.memory_space<vmem>>) target_semaphore(%run_scoped3A_85 : memref<!tpu.dma_semaphore, #tpu.memory_space<semaphore_mem>>)
      %dma_wait3A_94 = arith.constant 40 : i32
      %dma_wait3A_95 = arith.constant 0 : i32
      %dma_wait3A_96 = tpu.memref_slice %arg2[%add3A, %dma_wait3A_94, %dma_wait3A_95] : memref<32x80x128xi32, #tpu.memory_space<hbm>> -> memref<1x40x128xi32, #tpu.memory_space<hbm>>
      %dma_wait3A_97 = tpu.memref_squeeze %dma_wait3A_96 : memref<1x40x128xi32, #tpu.memory_space<hbm>> -> memref<40x128xi32, #tpu.memory_space<hbm>>
      %dma_wait3A_98 = arith.constant 40 : i32
      %dma_wait3A_99 = arith.constant 0 : i32
      %dma_wait3A_100 = tpu.memref_slice %arg2[%add3A, %dma_wait3A_98, %dma_wait3A_99] : memref<32x80x128xi32, #tpu.memory_space<hbm>> -> memref<1x40x128xi32, #tpu.memory_space<hbm>>
      %dma_wait3A_101 = tpu.memref_squeeze %dma_wait3A_100 : memref<1x40x128xi32, #tpu.memory_space<hbm>> -> memref<40x128xi32, #tpu.memory_space<hbm>>
      tpu.wait_dma2 semaphore(%run_scoped3A_85 : memref<!tpu.dma_semaphore, #tpu.memory_space<semaphore_mem>>) src(%dma_wait3A_101 : memref<40x128xi32, #tpu.memory_space<hbm>>) dst(%arg6 : memref<40x128xi32, #tpu.memory_space<vmem>>)
      tpu.yield
    }) : () -> ()
    "tpu.region"() ({
      %run_scoped3A_85 = tpu.sem_alloc : memref<!tpu.dma_semaphore, #tpu.memory_space<semaphore_mem>>
      %dma_start3A_86 = arith.constant 40 : i32
      %dma_start3A_87 = arith.constant 0 : i32
      %dma_start3A_88 = tpu.memref_slice %arg3[%add3A, %dma_start3A_86, %dma_start3A_87] : memref<32x80x128xi32, #tpu.memory_space<hbm>> -> memref<1x40x128xi32, #tpu.memory_space<hbm>>
      %dma_start3A_89 = tpu.memref_squeeze %dma_start3A_88 : memref<1x40x128xi32, #tpu.memory_space<hbm>> -> memref<40x128xi32, #tpu.memory_space<hbm>>
      %dma_start3A_90 = arith.constant 40 : i32
      %dma_start3A_91 = arith.constant 0 : i32
      %dma_start3A_92 = tpu.memref_slice %arg3[%add3A, %dma_start3A_90, %dma_start3A_91] : memref<32x80x128xi32, #tpu.memory_space<hbm>> -> memref<1x40x128xi32, #tpu.memory_space<hbm>>
      %dma_start3A_93 = tpu.memref_squeeze %dma_start3A_92 : memref<1x40x128xi32, #tpu.memory_space<hbm>> -> memref<40x128xi32, #tpu.memory_space<hbm>>
      tpu.enqueue_dma source(%dma_start3A_93 : memref<40x128xi32, #tpu.memory_space<hbm>>) target(%arg7 : memref<40x128xi32, #tpu.memory_space<vmem>>) target_semaphore(%run_scoped3A_85 : memref<!tpu.dma_semaphore, #tpu.memory_space<semaphore_mem>>)
      %dma_wait3A_94 = arith.constant 40 : i32
      %dma_wait3A_95 = arith.constant 0 : i32
      %dma_wait3A_96 = tpu.memref_slice %arg3[%add3A, %dma_wait3A_94, %dma_wait3A_95] : memref<32x80x128xi32, #tpu.memory_space<hbm>> -> memref<1x40x128xi32, #tpu.memory_space<hbm>>
      %dma_wait3A_97 = tpu.memref_squeeze %dma_wait3A_96 : memref<1x40x128xi32, #tpu.memory_space<hbm>> -> memref<40x128xi32, #tpu.memory_space<hbm>>
      %dma_wait3A_98 = arith.constant 40 : i32
      %dma_wait3A_99 = arith.constant 0 : i32
      %dma_wait3A_100 = tpu.memref_slice %arg3[%add3A, %dma_wait3A_98, %dma_wait3A_99] : memref<32x80x128xi32, #tpu.memory_space<hbm>> -> memref<1x40x128xi32, #tpu.memory_space<hbm>>
      %dma_wait3A_101 = tpu.memref_squeeze %dma_wait3A_100 : memref<1x40x128xi32, #tpu.memory_space<hbm>> -> memref<40x128xi32, #tpu.memory_space<hbm>>
      tpu.wait_dma2 semaphore(%run_scoped3A_85 : memref<!tpu.dma_semaphore, #tpu.memory_space<semaphore_mem>>) src(%dma_wait3A_101 : memref<40x128xi32, #tpu.memory_space<hbm>>) dst(%arg7 : memref<40x128xi32, #tpu.memory_space<vmem>>)
      tpu.yield
    }) : () -> ()
    %dma_start3A_50 = arith.constant 0 : i32
    %dma_start3A_51 = arith.constant 0 : i32
    %dma_start3A_52 = tpu.memref_slice %arg6[%dma_start3A_50, %dma_start3A_51] : memref<40x128xi32, #tpu.memory_space<vmem>> -> memref<1x128xi32, #tpu.memory_space<vmem>>
    %dma_start3A_53 = tpu.memref_squeeze %dma_start3A_52 : memref<1x128xi32, #tpu.memory_space<vmem>> -> memref<128xi32, #tpu.memory_space<vmem>>
    %dma_start3A_54 = arith.constant 0 : i32
    %dma_start3A_55 = arith.constant 0 : i32
    %dma_start3A_56 = tpu.memref_slice %arg4[%dma_start3A_54, %dma_start3A_55] : memref<10000x128xf32, #tpu.memory_space<hbm>> -> memref<10000x128xf32, #tpu.memory_space<hbm>>
    tpu.enqueue_indirect_dma source(%dma_start3A_56 : memref<10000x128xf32, #tpu.memory_space<hbm>>) target(%arg8 : memref<128x128xf32, #tpu.memory_space<vmem>>) offsets(%dma_start3A_53 : memref<128xi32, #tpu.memory_space<vmem>>) semaphore(%arg10 : memref<!tpu.dma_semaphore, #tpu.memory_space<semaphore_mem>>)
    %dma_start3A_57 = arith.constant 1 : i32
    %dma_start3A_58 = arith.constant 0 : i32
    %dma_start3A_59 = tpu.memref_slice %arg6[%dma_start3A_57, %dma_start3A_58] : memref<40x128xi32, #tpu.memory_space<vmem>> -> memref<1x128xi32, #tpu.memory_space<vmem>>
    %dma_start3A_60 = tpu.memref_squeeze %dma_start3A_59 : memref<1x128xi32, #tpu.memory_space<vmem>> -> memref<128xi32, #tpu.memory_space<vmem>>
    %dma_start3A_61 = arith.constant 0 : i32
    %dma_start3A_62 = arith.constant 0 : i32
    %dma_start3A_63 = tpu.memref_slice %arg4[%dma_start3A_61, %dma_start3A_62] : memref<10000x128xf32, #tpu.memory_space<hbm>> -> memref<10000x128xf32, #tpu.memory_space<hbm>>
    tpu.enqueue_indirect_dma source(%dma_start3A_63 : memref<10000x128xf32, #tpu.memory_space<hbm>>) target(%arg9 : memref<128x128xf32, #tpu.memory_space<vmem>>) offsets(%dma_start3A_60 : memref<128xi32, #tpu.memory_space<vmem>>) semaphore(%arg11 : memref<!tpu.dma_semaphore, #tpu.memory_space<semaphore_mem>>)
    %scan3A_64 = arith.constant 0 : i32
    %scan3A_65 = arith.constant 0 : i32
    %scan3A_66 = arith.constant 19 : i32
    %scan3A_67 = arith.addi %scan3A_65, %scan3A_66 : i32
    %scan3A_68 = arith.constant 1 : i32
    scf.for %scan3A_85 = %scan3A_65 to %scan3A_67 step %scan3A_68  : i32 {
      %mul3A_86 = arith.constant 2 : i32
      %mul3A_87 = arith.muli %mul3A_86, %scan3A_85 : i32
      %dma_wait3A_88 = arith.constant 0 : i32
      %dma_wait3A_89 = arith.constant 0 : i32
      %dma_wait3A_90 = tpu.memref_slice %arg4[%dma_wait3A_88, %dma_wait3A_89] : memref<10000x128xf32, #tpu.memory_space<hbm>> -> memref<128x128xf32, #tpu.memory_space<hbm>>
      %dma_wait3A_91 = arith.constant 0 : i32
      %dma_wait3A_92 = arith.constant 0 : i32
      %dma_wait3A_93 = tpu.memref_slice %arg4[%dma_wait3A_91, %dma_wait3A_92] : memref<10000x128xf32, #tpu.memory_space<hbm>> -> memref<128x128xf32, #tpu.memory_space<hbm>>
      tpu.wait_dma2 semaphore(%arg10 : memref<!tpu.dma_semaphore, #tpu.memory_space<semaphore_mem>>) src(%dma_wait3A_93 : memref<128x128xf32, #tpu.memory_space<hbm>>) dst(%arg8 : memref<128x128xf32, #tpu.memory_space<vmem>>)
      "tpu.region"() ({
        %run_scoped3A_118 = tpu.sem_alloc : memref<!tpu.dma_semaphore, #tpu.memory_space<semaphore_mem>>
        %dma_start3A_119 = arith.constant 0 : i32
        %dma_start3A_120 = tpu.memref_slice %arg7[%mul3A_87, %dma_start3A_119] : memref<40x128xi32, #tpu.memory_space<vmem>> -> memref<1x128xi32, #tpu.memory_space<vmem>>
        %dma_start3A_121 = tpu.memref_squeeze %dma_start3A_120 : memref<1x128xi32, #tpu.memory_space<vmem>> -> memref<128xi32, #tpu.memory_space<vmem>>
        %dma_start3A_122 = arith.constant 0 : i32
        %dma_start3A_123 = arith.constant 0 : i32
        %dma_start3A_124 = tpu.memref_slice %arg12[%dma_start3A_122, %dma_start3A_123] : memref<10240x128xf32, #tpu.memory_space<vmem_shared>> -> memref<10240x128xf32, #tpu.memory_space<vmem_shared>>
        tpu.enqueue_indirect_dma source(%arg8 : memref<128x128xf32, #tpu.memory_space<vmem>>) target(%dma_start3A_124 : memref<10240x128xf32, #tpu.memory_space<vmem_shared>>) offsets(%dma_start3A_121 : memref<128xi32, #tpu.memory_space<vmem>>) semaphore(%run_scoped3A_118 : memref<!tpu.dma_semaphore, #tpu.memory_space<semaphore_mem>>) {add = true}
        %dma_wait3A_125 = arith.constant 0 : i32
        %dma_wait3A_126 = tpu.memref_slice %arg7[%mul3A_87, %dma_wait3A_125] : memref<40x128xi32, #tpu.memory_space<vmem>> -> memref<1x128xi32, #tpu.memory_space<vmem>>
        %dma_wait3A_127 = tpu.memref_squeeze %dma_wait3A_126 : memref<1x128xi32, #tpu.memory_space<vmem>> -> memref<128xi32, #tpu.memory_space<vmem>>
        %dma_wait3A_128 = arith.constant 0 : i32
        %dma_wait3A_129 = arith.constant 0 : i32
        %dma_wait3A_130 = tpu.memref_slice %arg12[%dma_wait3A_128, %dma_wait3A_129] : memref<10240x128xf32, #tpu.memory_space<vmem_shared>> -> memref<10240x128xf32, #tpu.memory_space<vmem_shared>>
        tpu.wait_indirect_dma semaphore(%run_scoped3A_118 : memref<!tpu.dma_semaphore, #tpu.memory_space<semaphore_mem>>) src(%arg8 : memref<128x128xf32, #tpu.memory_space<vmem>>) dst(%dma_wait3A_130 : memref<10240x128xf32, #tpu.memory_space<vmem_shared>>)
        tpu.yield
      }) : () -> ()
      %add3A_94 = arith.constant 2 : i32
      %add3A_95 = arith.addi %mul3A_87, %add3A_94 : i32
      %dma_start3A_96 = arith.constant 0 : i32
      %dma_start3A_97 = tpu.memref_slice %arg6[%add3A_95, %dma_start3A_96] : memref<40x128xi32, #tpu.memory_space<vmem>> -> memref<1x128xi32, #tpu.memory_space<vmem>>
      %dma_start3A_98 = tpu.memref_squeeze %dma_start3A_97 : memref<1x128xi32, #tpu.memory_space<vmem>> -> memref<128xi32, #tpu.memory_space<vmem>>
      %dma_start3A_99 = arith.constant 0 : i32
      %dma_start3A_100 = arith.constant 0 : i32
      %dma_start3A_101 = tpu.memref_slice %arg4[%dma_start3A_99, %dma_start3A_100] : memref<10000x128xf32, #tpu.memory_space<hbm>> -> memref<10000x128xf32, #tpu.memory_space<hbm>>
      tpu.enqueue_indirect_dma source(%dma_start3A_101 : memref<10000x128xf32, #tpu.memory_space<hbm>>) target(%arg8 : memref<128x128xf32, #tpu.memory_space<vmem>>) offsets(%dma_start3A_98 : memref<128xi32, #tpu.memory_space<vmem>>) semaphore(%arg10 : memref<!tpu.dma_semaphore, #tpu.memory_space<semaphore_mem>>)
      %dma_wait3A_102 = arith.constant 0 : i32
      %dma_wait3A_103 = arith.constant 0 : i32
      %dma_wait3A_104 = tpu.memref_slice %arg4[%dma_wait3A_102, %dma_wait3A_103] : memref<10000x128xf32, #tpu.memory_space<hbm>> -> memref<128x128xf32, #tpu.memory_space<hbm>>
      %dma_wait3A_105 = arith.constant 0 : i32
      %dma_wait3A_106 = arith.constant 0 : i32
      %dma_wait3A_107 = tpu.memref_slice %arg4[%dma_wait3A_105, %dma_wait3A_106] : memref<10000x128xf32, #tpu.memory_space<hbm>> -> memref<128x128xf32, #tpu.memory_space<hbm>>
      tpu.wait_dma2 semaphore(%arg11 : memref<!tpu.dma_semaphore, #tpu.memory_space<semaphore_mem>>) src(%dma_wait3A_107 : memref<128x128xf32, #tpu.memory_space<hbm>>) dst(%arg9 : memref<128x128xf32, #tpu.memory_space<vmem>>)
      %add3A_108 = arith.constant 1 : i32
      %add3A_109 = arith.addi %mul3A_87, %add3A_108 : i32
      "tpu.region"() ({
        %run_scoped3A_118 = tpu.sem_alloc : memref<!tpu.dma_semaphore, #tpu.memory_space<semaphore_mem>>
        %dma_start3A_119 = arith.constant 0 : i32
        %dma_start3A_120 = tpu.memref_slice %arg7[%add3A_109, %dma_start3A_119] : memref<40x128xi32, #tpu.memory_space<vmem>> -> memref<1x128xi32, #tpu.memory_space<vmem>>
        %dma_start3A_121 = tpu.memref_squeeze %dma_start3A_120 : memref<1x128xi32, #tpu.memory_space<vmem>> -> memref<128xi32, #tpu.memory_space<vmem>>
        %dma_start3A_122 = arith.constant 0 : i32
        %dma_start3A_123 = arith.constant 0 : i32
        %dma_start3A_124 = tpu.memref_slice %arg12[%dma_start3A_122, %dma_start3A_123] : memref<10240x128xf32, #tpu.memory_space<vmem_shared>> -> memref<10240x128xf32, #tpu.memory_space<vmem_shared>>
        tpu.enqueue_indirect_dma source(%arg9 : memref<128x128xf32, #tpu.memory_space<vmem>>) target(%dma_start3A_124 : memref<10240x128xf32, #tpu.memory_space<vmem_shared>>) offsets(%dma_start3A_121 : memref<128xi32, #tpu.memory_space<vmem>>) semaphore(%run_scoped3A_118 : memref<!tpu.dma_semaphore, #tpu.memory_space<semaphore_mem>>) {add = true}
        %dma_wait3A_125 = arith.constant 0 : i32
        %dma_wait3A_126 = tpu.memref_slice %arg7[%add3A_109, %dma_wait3A_125] : memref<40x128xi32, #tpu.memory_space<vmem>> -> memref<1x128xi32, #tpu.memory_space<vmem>>
        %dma_wait3A_127 = tpu.memref_squeeze %dma_wait3A_126 : memref<1x128xi32, #tpu.memory_space<vmem>> -> memref<128xi32, #tpu.memory_space<vmem>>
        %dma_wait3A_128 = arith.constant 0 : i32
        %dma_wait3A_129 = arith.constant 0 : i32
        %dma_wait3A_130 = tpu.memref_slice %arg12[%dma_wait3A_128, %dma_wait3A_129] : memref<10240x128xf32, #tpu.memory_space<vmem_shared>> -> memref<10240x128xf32, #tpu.memory_space<vmem_shared>>
        tpu.wait_indirect_dma semaphore(%run_scoped3A_118 : memref<!tpu.dma_semaphore, #tpu.memory_space<semaphore_mem>>) src(%arg9 : memref<128x128xf32, #tpu.memory_space<vmem>>) dst(%dma_wait3A_130 : memref<10240x128xf32, #tpu.memory_space<vmem_shared>>)
        tpu.yield
      }) : () -> ()
      %add3A_110 = arith.constant 3 : i32
      %add3A_111 = arith.addi %mul3A_87, %add3A_110 : i32
      %dma_start3A_112 = arith.constant 0 : i32
      %dma_start3A_113 = tpu.memref_slice %arg6[%add3A_111, %dma_start3A_112] : memref<40x128xi32, #tpu.memory_space<vmem>> -> memref<1x128xi32, #tpu.memory_space<vmem>>
      %dma_start3A_114 = tpu.memref_squeeze %dma_start3A_113 : memref<1x128xi32, #tpu.memory_space<vmem>> -> memref<128xi32, #tpu.memory_space<vmem>>
      %dma_start3A_115 = arith.constant 0 : i32
      %dma_start3A_116 = arith.constant 0 : i32
      %dma_start3A_117 = tpu.memref_slice %arg4[%dma_start3A_115, %dma_start3A_116] : memref<10000x128xf32, #tpu.memory_space<hbm>> -> memref<10000x128xf32, #tpu.memory_space<hbm>>
      tpu.enqueue_indirect_dma source(%dma_start3A_117 : memref<10000x128xf32, #tpu.memory_space<hbm>>) target(%arg9 : memref<128x128xf32, #tpu.memory_space<vmem>>) offsets(%dma_start3A_114 : memref<128xi32, #tpu.memory_space<vmem>>) semaphore(%arg11 : memref<!tpu.dma_semaphore, #tpu.memory_space<semaphore_mem>>)
    }
    %scan3A_69 = arith.constant 19 : i32
    %dma_wait3A_70 = arith.constant 0 : i32
    %dma_wait3A_71 = arith.constant 0 : i32
    %dma_wait3A_72 = tpu.memref_slice %arg4[%dma_wait3A_70, %dma_wait3A_71] : memref<10000x128xf32, #tpu.memory_space<hbm>> -> memref<128x128xf32, #tpu.memory_space<hbm>>
    %dma_wait3A_73 = arith.constant 0 : i32
    %dma_wait3A_74 = arith.constant 0 : i32
    %dma_wait3A_75 = tpu.memref_slice %arg4[%dma_wait3A_73, %dma_wait3A_74] : memref<10000x128xf32, #tpu.memory_space<hbm>> -> memref<128x128xf32, #tpu.memory_space<hbm>>
    tpu.wait_dma2 semaphore(%arg10 : memref<!tpu.dma_semaphore, #tpu.memory_space<semaphore_mem>>) src(%dma_wait3A_75 : memref<128x128xf32, #tpu.memory_space<hbm>>) dst(%arg8 : memref<128x128xf32, #tpu.memory_space<vmem>>)
    %run_scoped3A_76 = arith.constant 38 : i32
    "tpu.region"() ({
      %run_scoped3A_85 = tpu.sem_alloc : memref<!tpu.dma_semaphore, #tpu.memory_space<semaphore_mem>>
      %dma_start3A_86 = arith.constant 0 : i32
      %dma_start3A_87 = tpu.memref_slice %arg7[%run_scoped3A_76, %dma_start3A_86] : memref<40x128xi32, #tpu.memory_space<vmem>> -> memref<1x128xi32, #tpu.memory_space<vmem>>
      %dma_start3A_88 = tpu.memref_squeeze %dma_start3A_87 : memref<1x128xi32, #tpu.memory_space<vmem>> -> memref<128xi32, #tpu.memory_space<vmem>>
      %dma_start3A_89 = arith.constant 0 : i32
      %dma_start3A_90 = arith.constant 0 : i32
      %dma_start3A_91 = tpu.memref_slice %arg12[%dma_start3A_89, %dma_start3A_90] : memref<10240x128xf32, #tpu.memory_space<vmem_shared>> -> memref<10240x128xf32, #tpu.memory_space<vmem_shared>>
      tpu.enqueue_indirect_dma source(%arg8 : memref<128x128xf32, #tpu.memory_space<vmem>>) target(%dma_start3A_91 : memref<10240x128xf32, #tpu.memory_space<vmem_shared>>) offsets(%dma_start3A_88 : memref<128xi32, #tpu.memory_space<vmem>>) semaphore(%run_scoped3A_85 : memref<!tpu.dma_semaphore, #tpu.memory_space<semaphore_mem>>) {add = true}
      %dma_wait3A_92 = arith.constant 0 : i32
      %dma_wait3A_93 = tpu.memref_slice %arg7[%run_scoped3A_76, %dma_wait3A_92] : memref<40x128xi32, #tpu.memory_space<vmem>> -> memref<1x128xi32, #tpu.memory_space<vmem>>
      %dma_wait3A_94 = tpu.memref_squeeze %dma_wait3A_93 : memref<1x128xi32, #tpu.memory_space<vmem>> -> memref<128xi32, #tpu.memory_space<vmem>>
      %dma_wait3A_95 = arith.constant 0 : i32
      %dma_wait3A_96 = arith.constant 0 : i32
      %dma_wait3A_97 = tpu.memref_slice %arg12[%dma_wait3A_95, %dma_wait3A_96] : memref<10240x128xf32, #tpu.memory_space<vmem_shared>> -> memref<10240x128xf32, #tpu.memory_space<vmem_shared>>
      tpu.wait_indirect_dma semaphore(%run_scoped3A_85 : memref<!tpu.dma_semaphore, #tpu.memory_space<semaphore_mem>>) src(%arg8 : memref<128x128xf32, #tpu.memory_space<vmem>>) dst(%dma_wait3A_97 : memref<10240x128xf32, #tpu.memory_space<vmem_shared>>)
      tpu.yield
    }) : () -> ()
    %dma_wait3A_77 = arith.constant 0 : i32
    %dma_wait3A_78 = arith.constant 0 : i32
    %dma_wait3A_79 = tpu.memref_slice %arg4[%dma_wait3A_77, %dma_wait3A_78] : memref<10000x128xf32, #tpu.memory_space<hbm>> -> memref<128x128xf32, #tpu.memory_space<hbm>>
    %dma_wait3A_80 = arith.constant 0 : i32
    %dma_wait3A_81 = arith.constant 0 : i32
    %dma_wait3A_82 = tpu.memref_slice %arg4[%dma_wait3A_80, %dma_wait3A_81] : memref<10000x128xf32, #tpu.memory_space<hbm>> -> memref<128x128xf32, #tpu.memory_space<hbm>>
    tpu.wait_dma2 semaphore(%arg11 : memref<!tpu.dma_semaphore, #tpu.memory_space<semaphore_mem>>) src(%dma_wait3A_82 : memref<128x128xf32, #tpu.memory_space<hbm>>) dst(%arg9 : memref<128x128xf32, #tpu.memory_space<vmem>>)
    %run_scoped3A_83 = arith.constant 39 : i32
    "tpu.region"() ({
      %run_scoped3A_85 = tpu.sem_alloc : memref<!tpu.dma_semaphore, #tpu.memory_space<semaphore_mem>>
      %dma_start3A_86 = arith.constant 0 : i32
      %dma_start3A_87 = tpu.memref_slice %arg7[%run_scoped3A_83, %dma_start3A_86] : memref<40x128xi32, #tpu.memory_space<vmem>> -> memref<1x128xi32, #tpu.memory_space<vmem>>
      %dma_start3A_88 = tpu.memref_squeeze %dma_start3A_87 : memref<1x128xi32, #tpu.memory_space<vmem>> -> memref<128xi32, #tpu.memory_space<vmem>>
      %dma_start3A_89 = arith.constant 0 : i32
      %dma_start3A_90 = arith.constant 0 : i32
      %dma_start3A_91 = tpu.memref_slice %arg12[%dma_start3A_89, %dma_start3A_90] : memref<10240x128xf32, #tpu.memory_space<vmem_shared>> -> memref<10240x128xf32, #tpu.memory_space<vmem_shared>>
      tpu.enqueue_indirect_dma source(%arg9 : memref<128x128xf32, #tpu.memory_space<vmem>>) target(%dma_start3A_91 : memref<10240x128xf32, #tpu.memory_space<vmem_shared>>) offsets(%dma_start3A_88 : memref<128xi32, #tpu.memory_space<vmem>>) semaphore(%run_scoped3A_85 : memref<!tpu.dma_semaphore, #tpu.memory_space<semaphore_mem>>) {add = true}
      %dma_wait3A_92 = arith.constant 0 : i32
      %dma_wait3A_93 = tpu.memref_slice %arg7[%run_scoped3A_83, %dma_wait3A_92] : memref<40x128xi32, #tpu.memory_space<vmem>> -> memref<1x128xi32, #tpu.memory_space<vmem>>
      %dma_wait3A_94 = tpu.memref_squeeze %dma_wait3A_93 : memref<1x128xi32, #tpu.memory_space<vmem>> -> memref<128xi32, #tpu.memory_space<vmem>>
      %dma_wait3A_95 = arith.constant 0 : i32
      %dma_wait3A_96 = arith.constant 0 : i32
      %dma_wait3A_97 = tpu.memref_slice %arg12[%dma_wait3A_95, %dma_wait3A_96] : memref<10240x128xf32, #tpu.memory_space<vmem_shared>> -> memref<10240x128xf32, #tpu.memory_space<vmem_shared>>
      tpu.wait_indirect_dma semaphore(%run_scoped3A_85 : memref<!tpu.dma_semaphore, #tpu.memory_space<semaphore_mem>>) src(%arg9 : memref<128x128xf32, #tpu.memory_space<vmem>>) dst(%dma_wait3A_97 : memref<10240x128xf32, #tpu.memory_space<vmem_shared>>)
      tpu.yield
    }) : () -> ()
    %barrier3A_84 = arith.constant 0 : index
    tpu.barrier barrier_id(%barrier3A_84)
    "tpu.region"() ({
      %run_scoped3A_85 = tpu.sem_alloc : memref<!tpu.dma_semaphore, #tpu.memory_space<semaphore_mem>>
      %dma_start3A_86 = arith.constant 0 : i32
      %dma_start3A_87 = tpu.memref_slice %arg5[%arg0, %mul3A_2, %dma_start3A_86] : memref<2x10240x128xf32, #tpu.memory_space<hbm>> -> memref<1x640x128xf32, #tpu.memory_space<hbm>>
      %dma_start3A_88 = tpu.memref_squeeze %dma_start3A_87 : memref<1x640x128xf32, #tpu.memory_space<hbm>> -> memref<640x128xf32, #tpu.memory_space<hbm>>
      %dma_start3A_89 = arith.constant 0 : i32
      %dma_start3A_90 = tpu.memref_slice %arg12[%mul3A_2, %dma_start3A_89] : memref<10240x128xf32, #tpu.memory_space<vmem_shared>> -> memref<640x128xf32, #tpu.memory_space<vmem_shared>>
      tpu.enqueue_dma source(%dma_start3A_90 : memref<640x128xf32, #tpu.memory_space<vmem_shared>>) target(%dma_start3A_88 : memref<640x128xf32, #tpu.memory_space<hbm>>) target_semaphore(%run_scoped3A_85 : memref<!tpu.dma_semaphore, #tpu.memory_space<semaphore_mem>>)
      %dma_wait3A_91 = arith.constant 0 : i32
      %dma_wait3A_92 = tpu.memref_slice %arg5[%arg0, %mul3A_2, %dma_wait3A_91] : memref<2x10240x128xf32, #tpu.memory_space<hbm>> -> memref<1x640x128xf32, #tpu.memory_space<hbm>>
      %dma_wait3A_93 = tpu.memref_squeeze %dma_wait3A_92 : memref<1x640x128xf32, #tpu.memory_space<hbm>> -> memref<640x128xf32, #tpu.memory_space<hbm>>
      %dma_wait3A_94 = arith.constant 0 : i32
      %dma_wait3A_95 = tpu.memref_slice %arg12[%mul3A_2, %dma_wait3A_94] : memref<10240x128xf32, #tpu.memory_space<vmem_shared>> -> memref<640x128xf32, #tpu.memory_space<vmem_shared>>
      tpu.wait_dma2 semaphore(%run_scoped3A_85 : memref<!tpu.dma_semaphore, #tpu.memory_space<semaphore_mem>>) src(%dma_wait3A_95 : memref<640x128xf32, #tpu.memory_space<vmem_shared>>) dst(%dma_wait3A_93 : memref<640x128xf32, #tpu.memory_space<hbm>>)
      tpu.yield
    }) : () -> ()
    return
  }
}

#map = affine_map<(d0, d1) -> (0, 0, 0)>
#map1 = affine_map<(d0, d1) -> (0, 0)>
module attributes {stable_mosaic.version = 14 : i64} {
  func.func @_agg_kernel(%arg0: i32, %arg1: i32, %arg2: memref<32x80x128xi32, #tpu.memory_space<hbm>>, %arg3: memref<32x80x128xi32, #tpu.memory_space<hbm>>, %arg4: memref<10000x128xf32, #tpu.memory_space<hbm>>, %arg5: memref<2x10240x128xf32, #tpu.memory_space<hbm>>, %arg6: memref<40x128xi32, #tpu.memory_space<vmem>>, %arg7: memref<40x128xi32, #tpu.memory_space<vmem>>, %arg8: memref<128x128xf32, #tpu.memory_space<vmem>>, %arg9: memref<128x128xf32, #tpu.memory_space<vmem>>, %arg10: memref<!tpu.dma_semaphore, #tpu.memory_space<semaphore_mem>>, %arg11: memref<!tpu.dma_semaphore, #tpu.memory_space<semaphore_mem>>, %arg12: memref<10240x128xf32, #tpu.memory_space<vmem_shared>>) attributes {dimension_semantics = [#tpu.dimension_semantics<core_parallel>, #tpu.dimension_semantics<subcore_parallel>], iteration_bounds = array<i64: 2, 16>, scalar_prefetch = 0 : i64, scratch_operands = 7 : i64, tpu.core_type = #tpu.core_type<sc_vector_subcore>, window_params = [{transform_indices = #map}, {transform_indices = #map}, {transform_indices = #map1}, {transform_indices = #map}]} {
    %mul3A = arith.constant 16 : i32
    %mul3A_0 = arith.muli %arg0, %mul3A : i32
    %add3A = arith.addi %mul3A_0, %arg1 : i32
    %mul3A_1 = arith.constant 640 : i32
    %mul3A_2 = arith.muli %arg1, %mul3A_1 : i32
    %broadcast_in_dim3A = arith.constant 0.000000e+00 : f32
    %broadcast_in_dim3A_3 = vector.broadcast %broadcast_in_dim3A : f32 to vector<16xf32>
    %scan3A = arith.constant 0 : i32
    %scan3A_4 = arith.constant 0 : i32
    %scan3A_5 = arith.constant 128 : i32
    %scan3A_6 = arith.addi %scan3A_4, %scan3A_5 : i32
    %scan3A_7 = arith.constant 1 : i32
    scf.for %scan3A_85 = %scan3A_4 to %scan3A_6 step %scan3A_7  : i32 {
      %swap3A = arith.index_cast %scan3A_85 : i32 to index
      %swap3A_86 = arith.constant 0 : index
      %swap3A_87 = tpu.vector_load %arg8[%swap3A, %swap3A_86] {strides = array<i32>} : memref<128x128xf32, #tpu.memory_space<vmem>>, vector<1x16xf32>,
      %swap3A_88 = vector.shape_cast %swap3A_87 : vector<1x16xf32> to vector<16xf32>
      %swap3A_89 = vector.shape_cast %broadcast_in_dim3A_3 : vector<16xf32> to vector<1x16xf32>
      tpu.vector_store %arg8[%swap3A, %swap3A_86], %swap3A_89 {strides = array<i32>} : memref<128x128xf32, #tpu.memory_space<vmem>>, vector<1x16xf32>,
      %swap3A_90 = arith.index_cast %scan3A_85 : i32 to index
      %swap3A_91 = arith.constant 16 : index
      %swap3A_92 = tpu.vector_load %arg8[%swap3A_90, %swap3A_91] {strides = array<i32>} : memref<128x128xf32, #tpu.memory_space<vmem>>, vector<1x16xf32>,
      %swap3A_93 = vector.shape_cast %swap3A_92 : vector<1x16xf32> to vector<16xf32>
      %swap3A_94 = vector.shape_cast %broadcast_in_dim3A_3 : vector<16xf32> to vector<1x16xf32>
      tpu.vector_store %arg8[%swap3A_90, %swap3A_91], %swap3A_94 {strides = array<i32>} : memref<128x128xf32, #tpu.memory_space<vmem>>, vector<1x16xf32>,
      %swap3A_95 = arith.index_cast %scan3A_85 : i32 to index
      %swap3A_96 = arith.constant 32 : index
      %swap3A_97 = tpu.vector_load %arg8[%swap3A_95, %swap3A_96] {strides = array<i32>} : memref<128x128xf32, #tpu.memory_space<vmem>>, vector<1x16xf32>,
      %swap3A_98 = vector.shape_cast %swap3A_97 : vector<1x16xf32> to vector<16xf32>
      %swap3A_99 = vector.shape_cast %broadcast_in_dim3A_3 : vector<16xf32> to vector<1x16xf32>
      tpu.vector_store %arg8[%swap3A_95, %swap3A_96], %swap3A_99 {strides = array<i32>} : memref<128x128xf32, #tpu.memory_space<vmem>>, vector<1x16xf32>,
      %swap3A_100 = arith.index_cast %scan3A_85 : i32 to index
      %swap3A_101 = arith.constant 48 : index
      %swap3A_102 = tpu.vector_load %arg8[%swap3A_100, %swap3A_101] {strides = array<i32>} : memref<128x128xf32, #tpu.memory_space<vmem>>, vector<1x16xf32>,
      %swap3A_103 = vector.shape_cast %swap3A_102 : vector<1x16xf32> to vector<16xf32>
      %swap3A_104 = vector.shape_cast %broadcast_in_dim3A_3 : vector<16xf32> to vector<1x16xf32>
      tpu.vector_store %arg8[%swap3A_100, %swap3A_101], %swap3A_104 {strides = array<i32>} : memref<128x128xf32, #tpu.memory_space<vmem>>, vector<1x16xf32>,
      %swap3A_105 = arith.index_cast %scan3A_85 : i32 to index
      %swap3A_106 = arith.constant 64 : index
      %swap3A_107 = tpu.vector_load %arg8[%swap3A_105, %swap3A_106] {strides = array<i32>} : memref<128x128xf32, #tpu.memory_space<vmem>>, vector<1x16xf32>,
      %swap3A_108 = vector.shape_cast %swap3A_107 : vector<1x16xf32> to vector<16xf32>
      %swap3A_109 = vector.shape_cast %broadcast_in_dim3A_3 : vector<16xf32> to vector<1x16xf32>
      tpu.vector_store %arg8[%swap3A_105, %swap3A_106], %swap3A_109 {strides = array<i32>} : memref<128x128xf32, #tpu.memory_space<vmem>>, vector<1x16xf32>,
      %swap3A_110 = arith.index_cast %scan3A_85 : i32 to index
      %swap3A_111 = arith.constant 80 : index
      %swap3A_112 = tpu.vector_load %arg8[%swap3A_110, %swap3A_111] {strides = array<i32>} : memref<128x128xf32, #tpu.memory_space<vmem>>, vector<1x16xf32>,
      %swap3A_113 = vector.shape_cast %swap3A_112 : vector<1x16xf32> to vector<16xf32>
      %swap3A_114 = vector.shape_cast %broadcast_in_dim3A_3 : vector<16xf32> to vector<1x16xf32>
      tpu.vector_store %arg8[%swap3A_110, %swap3A_111], %swap3A_114 {strides = array<i32>} : memref<128x128xf32, #tpu.memory_space<vmem>>, vector<1x16xf32>,
      %swap3A_115 = arith.index_cast %scan3A_85 : i32 to index
      %swap3A_116 = arith.constant 96 : index
      %swap3A_117 = tpu.vector_load %arg8[%swap3A_115, %swap3A_116] {strides = array<i32>} : memref<128x128xf32, #tpu.memory_space<vmem>>, vector<1x16xf32>,
      %swap3A_118 = vector.shape_cast %swap3A_117 : vector<1x16xf32> to vector<16xf32>
      %swap3A_119 = vector.shape_cast %broadcast_in_dim3A_3 : vector<16xf32> to vector<1x16xf32>
      tpu.vector_store %arg8[%swap3A_115, %swap3A_116], %swap3A_119 {strides = array<i32>} : memref<128x128xf32, #tpu.memory_space<vmem>>, vector<1x16xf32>,
      %swap3A_120 = arith.index_cast %scan3A_85 : i32 to index
      %swap3A_121 = arith.constant 112 : index
      %swap3A_122 = tpu.vector_load %arg8[%swap3A_120, %swap3A_121] {strides = array<i32>} : memref<128x128xf32, #tpu.memory_space<vmem>>, vector<1x16xf32>,
      %swap3A_123 = vector.shape_cast %swap3A_122 : vector<1x16xf32> to vector<16xf32>
      %swap3A_124 = vector.shape_cast %broadcast_in_dim3A_3 : vector<16xf32> to vector<1x16xf32>
      tpu.vector_store %arg8[%swap3A_120, %swap3A_121], %swap3A_124 {strides = array<i32>} : memref<128x128xf32, #tpu.memory_space<vmem>>, vector<1x16xf32>,
    }
    %scan3A_8 = arith.constant 128 : i32
    %add3A_9 = arith.constant 0 : i32
    %add3A_10 = arith.addi %mul3A_2, %add3A_9 : i32
    "tpu.region"() ({
      %run_scoped3A_85 = tpu.sem_alloc : memref<!tpu.dma_semaphore, #tpu.memory_space<semaphore_mem>>
      %dma_start3A_86 = arith.constant 0 : i32
      %dma_start3A_87 = tpu.memref_slice %arg12[%add3A_10, %dma_start3A_86] : memref<10240x128xf32, #tpu.memory_space<vmem_shared>> -> memref<128x128xf32, #tpu.memory_space<vmem_shared>>
      %dma_start3A_88 = arith.constant 0 : i32
      %dma_start3A_89 = tpu.memref_slice %arg12[%add3A_10, %dma_start3A_88] : memref<10240x128xf32, #tpu.memory_space<vmem_shared>> -> memref<128x128xf32, #tpu.memory_space<vmem_shared>>
      tpu.enqueue_dma source(%arg8 : memref<128x128xf32, #tpu.memory_space<vmem>>) target(%dma_start3A_89 : memref<128x128xf32, #tpu.memory_space<vmem_shared>>) target_semaphore(%run_scoped3A_85 : memref<!tpu.dma_semaphore, #tpu.memory_space<semaphore_mem>>)
      %dma_wait3A_90 = arith.constant 0 : i32
      %dma_wait3A_91 = tpu.memref_slice %arg12[%add3A_10, %dma_wait3A_90] : memref<10240x128xf32, #tpu.memory_space<vmem_shared>> -> memref<128x128xf32, #tpu.memory_space<vmem_shared>>
      %dma_wait3A_92 = arith.constant 0 : i32
      %dma_wait3A_93 = tpu.memref_slice %arg12[%add3A_10, %dma_wait3A_92] : memref<10240x128xf32, #tpu.memory_space<vmem_shared>> -> memref<128x128xf32, #tpu.memory_space<vmem_shared>>
      tpu.wait_dma2 semaphore(%run_scoped3A_85 : memref<!tpu.dma_semaphore, #tpu.memory_space<semaphore_mem>>) src(%arg8 : memref<128x128xf32, #tpu.memory_space<vmem>>) dst(%dma_wait3A_93 : memref<128x128xf32, #tpu.memory_space<vmem_shared>>)
      tpu.yield
    }) : () -> ()
    %add3A_11 = arith.constant 128 : i32
    %add3A_12 = arith.addi %mul3A_2, %add3A_11 : i32
    "tpu.region"() ({
      %run_scoped3A_85 = tpu.sem_alloc : memref<!tpu.dma_semaphore, #tpu.memory_space<semaphore_mem>>
      %dma_start3A_86 = arith.constant 0 : i32
      %dma_start3A_87 = tpu.memref_slice %arg12[%add3A_12, %dma_start3A_86] : memref<10240x128xf32, #tpu.memory_space<vmem_shared>> -> memref<128x128xf32, #tpu.memory_space<vmem_shared>>
      %dma_start3A_88 = arith.constant 0 : i32
      %dma_start3A_89 = tpu.memref_slice %arg12[%add3A_12, %dma_start3A_88] : memref<10240x128xf32, #tpu.memory_space<vmem_shared>> -> memref<128x128xf32, #tpu.memory_space<vmem_shared>>
      tpu.enqueue_dma source(%arg8 : memref<128x128xf32, #tpu.memory_space<vmem>>) target(%dma_start3A_89 : memref<128x128xf32, #tpu.memory_space<vmem_shared>>) target_semaphore(%run_scoped3A_85 : memref<!tpu.dma_semaphore, #tpu.memory_space<semaphore_mem>>)
      %dma_wait3A_90 = arith.constant 0 : i32
      %dma_wait3A_91 = tpu.memref_slice %arg12[%add3A_12, %dma_wait3A_90] : memref<10240x128xf32, #tpu.memory_space<vmem_shared>> -> memref<128x128xf32, #tpu.memory_space<vmem_shared>>
      %dma_wait3A_92 = arith.constant 0 : i32
      %dma_wait3A_93 = tpu.memref_slice %arg12[%add3A_12, %dma_wait3A_92] : memref<10240x128xf32, #tpu.memory_space<vmem_shared>> -> memref<128x128xf32, #tpu.memory_space<vmem_shared>>
      tpu.wait_dma2 semaphore(%run_scoped3A_85 : memref<!tpu.dma_semaphore, #tpu.memory_space<semaphore_mem>>) src(%arg8 : memref<128x128xf32, #tpu.memory_space<vmem>>) dst(%dma_wait3A_93 : memref<128x128xf32, #tpu.memory_space<vmem_shared>>)
      tpu.yield
    }) : () -> ()
    %add3A_13 = arith.constant 256 : i32
    %add3A_14 = arith.addi %mul3A_2, %add3A_13 : i32
    "tpu.region"() ({
      %run_scoped3A_85 = tpu.sem_alloc : memref<!tpu.dma_semaphore, #tpu.memory_space<semaphore_mem>>
      %dma_start3A_86 = arith.constant 0 : i32
      %dma_start3A_87 = tpu.memref_slice %arg12[%add3A_14, %dma_start3A_86] : memref<10240x128xf32, #tpu.memory_space<vmem_shared>> -> memref<128x128xf32, #tpu.memory_space<vmem_shared>>
      %dma_start3A_88 = arith.constant 0 : i32
      %dma_start3A_89 = tpu.memref_slice %arg12[%add3A_14, %dma_start3A_88] : memref<10240x128xf32, #tpu.memory_space<vmem_shared>> -> memref<128x128xf32, #tpu.memory_space<vmem_shared>>
      tpu.enqueue_dma source(%arg8 : memref<128x128xf32, #tpu.memory_space<vmem>>) target(%dma_start3A_89 : memref<128x128xf32, #tpu.memory_space<vmem_shared>>) target_semaphore(%run_scoped3A_85 : memref<!tpu.dma_semaphore, #tpu.memory_space<semaphore_mem>>)
      %dma_wait3A_90 = arith.constant 0 : i32
      %dma_wait3A_91 = tpu.memref_slice %arg12[%add3A_14, %dma_wait3A_90] : memref<10240x128xf32, #tpu.memory_space<vmem_shared>> -> memref<128x128xf32, #tpu.memory_space<vmem_shared>>
      %dma_wait3A_92 = arith.constant 0 : i32
      %dma_wait3A_93 = tpu.memref_slice %arg12[%add3A_14, %dma_wait3A_92] : memref<10240x128xf32, #tpu.memory_space<vmem_shared>> -> memref<128x128xf32, #tpu.memory_space<vmem_shared>>
      tpu.wait_dma2 semaphore(%run_scoped3A_85 : memref<!tpu.dma_semaphore, #tpu.memory_space<semaphore_mem>>) src(%arg8 : memref<128x128xf32, #tpu.memory_space<vmem>>) dst(%dma_wait3A_93 : memref<128x128xf32, #tpu.memory_space<vmem_shared>>)
      tpu.yield
    }) : () -> ()
    %add3A_15 = arith.constant 384 : i32
    %add3A_16 = arith.addi %mul3A_2, %add3A_15 : i32
    "tpu.region"() ({
      %run_scoped3A_85 = tpu.sem_alloc : memref<!tpu.dma_semaphore, #tpu.memory_space<semaphore_mem>>
      %dma_start3A_86 = arith.constant 0 : i32
      %dma_start3A_87 = tpu.memref_slice %arg12[%add3A_16, %dma_start3A_86] : memref<10240x128xf32, #tpu.memory_space<vmem_shared>> -> memref<128x128xf32, #tpu.memory_space<vmem_shared>>
      %dma_start3A_88 = arith.constant 0 : i32
      %dma_start3A_89 = tpu.memref_slice %arg12[%add3A_16, %dma_start3A_88] : memref<10240x128xf32, #tpu.memory_space<vmem_shared>> -> memref<128x128xf32, #tpu.memory_space<vmem_shared>>
      tpu.enqueue_dma source(%arg8 : memref<128x128xf32, #tpu.memory_space<vmem>>) target(%dma_start3A_89 : memref<128x128xf32, #tpu.memory_space<vmem_shared>>) target_semaphore(%run_scoped3A_85 : memref<!tpu.dma_semaphore, #tpu.memory_space<semaphore_mem>>)
      %dma_wait3A_90 = arith.constant 0 : i32
      %dma_wait3A_91 = tpu.memref_slice %arg12[%add3A_16, %dma_wait3A_90] : memref<10240x128xf32, #tpu.memory_space<vmem_shared>> -> memref<128x128xf32, #tpu.memory_space<vmem_shared>>
      %dma_wait3A_92 = arith.constant 0 : i32
      %dma_wait3A_93 = tpu.memref_slice %arg12[%add3A_16, %dma_wait3A_92] : memref<10240x128xf32, #tpu.memory_space<vmem_shared>> -> memref<128x128xf32, #tpu.memory_space<vmem_shared>>
      tpu.wait_dma2 semaphore(%run_scoped3A_85 : memref<!tpu.dma_semaphore, #tpu.memory_space<semaphore_mem>>) src(%arg8 : memref<128x128xf32, #tpu.memory_space<vmem>>) dst(%dma_wait3A_93 : memref<128x128xf32, #tpu.memory_space<vmem_shared>>)
      tpu.yield
    }) : () -> ()
    %add3A_17 = arith.constant 512 : i32
    %add3A_18 = arith.addi %mul3A_2, %add3A_17 : i32
    "tpu.region"() ({
      %run_scoped3A_85 = tpu.sem_alloc : memref<!tpu.dma_semaphore, #tpu.memory_space<semaphore_mem>>
      %dma_start3A_86 = arith.constant 0 : i32
      %dma_start3A_87 = tpu.memref_slice %arg12[%add3A_18, %dma_start3A_86] : memref<10240x128xf32, #tpu.memory_space<vmem_shared>> -> memref<128x128xf32, #tpu.memory_space<vmem_shared>>
      %dma_start3A_88 = arith.constant 0 : i32
      %dma_start3A_89 = tpu.memref_slice %arg12[%add3A_18, %dma_start3A_88] : memref<10240x128xf32, #tpu.memory_space<vmem_shared>> -> memref<128x128xf32, #tpu.memory_space<vmem_shared>>
      tpu.enqueue_dma source(%arg8 : memref<128x128xf32, #tpu.memory_space<vmem>>) target(%dma_start3A_89 : memref<128x128xf32, #tpu.memory_space<vmem_shared>>) target_semaphore(%run_scoped3A_85 : memref<!tpu.dma_semaphore, #tpu.memory_space<semaphore_mem>>)
      %dma_wait3A_90 = arith.constant 0 : i32
      %dma_wait3A_91 = tpu.memref_slice %arg12[%add3A_18, %dma_wait3A_90] : memref<10240x128xf32, #tpu.memory_space<vmem_shared>> -> memref<128x128xf32, #tpu.memory_space<vmem_shared>>
      %dma_wait3A_92 = arith.constant 0 : i32
      %dma_wait3A_93 = tpu.memref_slice %arg12[%add3A_18, %dma_wait3A_92] : memref<10240x128xf32, #tpu.memory_space<vmem_shared>> -> memref<128x128xf32, #tpu.memory_space<vmem_shared>>
      tpu.wait_dma2 semaphore(%run_scoped3A_85 : memref<!tpu.dma_semaphore, #tpu.memory_space<semaphore_mem>>) src(%arg8 : memref<128x128xf32, #tpu.memory_space<vmem>>) dst(%dma_wait3A_93 : memref<128x128xf32, #tpu.memory_space<vmem_shared>>)
      tpu.yield
    }) : () -> ()
    %barrier3A = arith.constant 0 : index
    tpu.barrier barrier_id(%barrier3A)
    "tpu.region"() ({
      %run_scoped3A_85 = tpu.sem_alloc : memref<!tpu.dma_semaphore, #tpu.memory_space<semaphore_mem>>
      %dma_start3A_86 = arith.constant 0 : i32
      %dma_start3A_87 = arith.constant 0 : i32
      %dma_start3A_88 = tpu.memref_slice %arg2[%add3A, %dma_start3A_86, %dma_start3A_87] : memref<32x80x128xi32, #tpu.memory_space<hbm>> -> memref<1x40x128xi32, #tpu.memory_space<hbm>>
      %dma_start3A_89 = tpu.memref_squeeze %dma_start3A_88 : memref<1x40x128xi32, #tpu.memory_space<hbm>> -> memref<40x128xi32, #tpu.memory_space<hbm>>
      %dma_start3A_90 = arith.constant 0 : i32
      %dma_start3A_91 = arith.constant 0 : i32
      %dma_start3A_92 = tpu.memref_slice %arg2[%add3A, %dma_start3A_90, %dma_start3A_91] : memref<32x80x128xi32, #tpu.memory_space<hbm>> -> memref<1x40x128xi32, #tpu.memory_space<hbm>>
      %dma_start3A_93 = tpu.memref_squeeze %dma_start3A_92 : memref<1x40x128xi32, #tpu.memory_space<hbm>> -> memref<40x128xi32, #tpu.memory_space<hbm>>
      tpu.enqueue_dma source(%dma_start3A_93 : memref<40x128xi32, #tpu.memory_space<hbm>>) target(%arg6 : memref<40x128xi32, #tpu.memory_space<vmem>>) target_semaphore(%run_scoped3A_85 : memref<!tpu.dma_semaphore, #tpu.memory_space<semaphore_mem>>)
      %dma_wait3A_94 = arith.constant 0 : i32
      %dma_wait3A_95 = arith.constant 0 : i32
      %dma_wait3A_96 = tpu.memref_slice %arg2[%add3A, %dma_wait3A_94, %dma_wait3A_95] : memref<32x80x128xi32, #tpu.memory_space<hbm>> -> memref<1x40x128xi32, #tpu.memory_space<hbm>>
      %dma_wait3A_97 = tpu.memref_squeeze %dma_wait3A_96 : memref<1x40x128xi32, #tpu.memory_space<hbm>> -> memref<40x128xi32, #tpu.memory_space<hbm>>
      %dma_wait3A_98 = arith.constant 0 : i32
      %dma_wait3A_99 = arith.constant 0 : i32
      %dma_wait3A_100 = tpu.memref_slice %arg2[%add3A, %dma_wait3A_98, %dma_wait3A_99] : memref<32x80x128xi32, #tpu.memory_space<hbm>> -> memref<1x40x128xi32, #tpu.memory_space<hbm>>
      %dma_wait3A_101 = tpu.memref_squeeze %dma_wait3A_100 : memref<1x40x128xi32, #tpu.memory_space<hbm>> -> memref<40x128xi32, #tpu.memory_space<hbm>>
      tpu.wait_dma2 semaphore(%run_scoped3A_85 : memref<!tpu.dma_semaphore, #tpu.memory_space<semaphore_mem>>) src(%dma_wait3A_101 : memref<40x128xi32, #tpu.memory_space<hbm>>) dst(%arg6 : memref<40x128xi32, #tpu.memory_space<vmem>>)
      tpu.yield
    }) : () -> ()
    "tpu.region"() ({
      %run_scoped3A_85 = tpu.sem_alloc : memref<!tpu.dma_semaphore, #tpu.memory_space<semaphore_mem>>
      %dma_start3A_86 = arith.constant 0 : i32
      %dma_start3A_87 = arith.constant 0 : i32
      %dma_start3A_88 = tpu.memref_slice %arg3[%add3A, %dma_start3A_86, %dma_start3A_87] : memref<32x80x128xi32, #tpu.memory_space<hbm>> -> memref<1x40x128xi32, #tpu.memory_space<hbm>>
      %dma_start3A_89 = tpu.memref_squeeze %dma_start3A_88 : memref<1x40x128xi32, #tpu.memory_space<hbm>> -> memref<40x128xi32, #tpu.memory_space<hbm>>
      %dma_start3A_90 = arith.constant 0 : i32
      %dma_start3A_91 = arith.constant 0 : i32
      %dma_start3A_92 = tpu.memref_slice %arg3[%add3A, %dma_start3A_90, %dma_start3A_91] : memref<32x80x128xi32, #tpu.memory_space<hbm>> -> memref<1x40x128xi32, #tpu.memory_space<hbm>>
      %dma_start3A_93 = tpu.memref_squeeze %dma_start3A_92 : memref<1x40x128xi32, #tpu.memory_space<hbm>> -> memref<40x128xi32, #tpu.memory_space<hbm>>
      tpu.enqueue_dma source(%dma_start3A_93 : memref<40x128xi32, #tpu.memory_space<hbm>>) target(%arg7 : memref<40x128xi32, #tpu.memory_space<vmem>>) target_semaphore(%run_scoped3A_85 : memref<!tpu.dma_semaphore, #tpu.memory_space<semaphore_mem>>)
      %dma_wait3A_94 = arith.constant 0 : i32
      %dma_wait3A_95 = arith.constant 0 : i32
      %dma_wait3A_96 = tpu.memref_slice %arg3[%add3A, %dma_wait3A_94, %dma_wait3A_95] : memref<32x80x128xi32, #tpu.memory_space<hbm>> -> memref<1x40x128xi32, #tpu.memory_space<hbm>>
      %dma_wait3A_97 = tpu.memref_squeeze %dma_wait3A_96 : memref<1x40x128xi32, #tpu.memory_space<hbm>> -> memref<40x128xi32, #tpu.memory_space<hbm>>
      %dma_wait3A_98 = arith.constant 0 : i32
      %dma_wait3A_99 = arith.constant 0 : i32
      %dma_wait3A_100 = tpu.memref_slice %arg3[%add3A, %dma_wait3A_98, %dma_wait3A_99] : memref<32x80x128xi32, #tpu.memory_space<hbm>> -> memref<1x40x128xi32, #tpu.memory_space<hbm>>
      %dma_wait3A_101 = tpu.memref_squeeze %dma_wait3A_100 : memref<1x40x128xi32, #tpu.memory_space<hbm>> -> memref<40x128xi32, #tpu.memory_space<hbm>>
      tpu.wait_dma2 semaphore(%run_scoped3A_85 : memref<!tpu.dma_semaphore, #tpu.memory_space<semaphore_mem>>) src(%dma_wait3A_101 : memref<40x128xi32, #tpu.memory_space<hbm>>) dst(%arg7 : memref<40x128xi32, #tpu.memory_space<vmem>>)
      tpu.yield
    }) : () -> ()
    %dma_start3A = arith.constant 0 : i32
    %dma_start3A_19 = arith.constant 0 : i32
    %dma_start3A_20 = tpu.memref_slice %arg6[%dma_start3A, %dma_start3A_19] : memref<40x128xi32, #tpu.memory_space<vmem>> -> memref<1x128xi32, #tpu.memory_space<vmem>>
    %dma_start3A_21 = tpu.memref_squeeze %dma_start3A_20 : memref<1x128xi32, #tpu.memory_space<vmem>> -> memref<128xi32, #tpu.memory_space<vmem>>
    %dma_start3A_22 = arith.constant 0 : i32
    %dma_start3A_23 = arith.constant 0 : i32
    %dma_start3A_24 = tpu.memref_slice %arg4[%dma_start3A_22, %dma_start3A_23] : memref<10000x128xf32, #tpu.memory_space<hbm>> -> memref<10000x128xf32, #tpu.memory_space<hbm>>
    tpu.enqueue_indirect_dma source(%dma_start3A_24 : memref<10000x128xf32, #tpu.memory_space<hbm>>) target(%arg8 : memref<128x128xf32, #tpu.memory_space<vmem>>) offsets(%dma_start3A_21 : memref<128xi32, #tpu.memory_space<vmem>>) semaphore(%arg10 : memref<!tpu.dma_semaphore, #tpu.memory_space<semaphore_mem>>)
    %dma_start3A_25 = arith.constant 1 : i32
    %dma_start3A_26 = arith.constant 0 : i32
    %dma_start3A_27 = tpu.memref_slice %arg6[%dma_start3A_25, %dma_start3A_26] : memref<40x128xi32, #tpu.memory_space<vmem>> -> memref<1x128xi32, #tpu.memory_space<vmem>>
    %dma_start3A_28 = tpu.memref_squeeze %dma_start3A_27 : memref<1x128xi32, #tpu.memory_space<vmem>> -> memref<128xi32, #tpu.memory_space<vmem>>
    %dma_start3A_29 = arith.constant 0 : i32
    %dma_start3A_30 = arith.constant 0 : i32
    %dma_start3A_31 = tpu.memref_slice %arg4[%dma_start3A_29, %dma_start3A_30] : memref<10000x128xf32, #tpu.memory_space<hbm>> -> memref<10000x128xf32, #tpu.memory_space<hbm>>
    tpu.enqueue_indirect_dma source(%dma_start3A_31 : memref<10000x128xf32, #tpu.memory_space<hbm>>) target(%arg9 : memref<128x128xf32, #tpu.memory_space<vmem>>) offsets(%dma_start3A_28 : memref<128xi32, #tpu.memory_space<vmem>>) semaphore(%arg11 : memref<!tpu.dma_semaphore, #tpu.memory_space<semaphore_mem>>)
    %scan3A_32 = arith.constant 0 : i32
    %scan3A_33 = arith.constant 0 : i32
    %scan3A_34 = arith.constant 19 : i32
    %scan3A_35 = arith.addi %scan3A_33, %scan3A_34 : i32
    %scan3A_36 = arith.constant 1 : i32
    scf.for %scan3A_85 = %scan3A_33 to %scan3A_35 step %scan3A_36  : i32 {
      %mul3A_86 = arith.constant 2 : i32
      %mul3A_87 = arith.muli %mul3A_86, %scan3A_85 : i32
      %dma_wait3A_88 = arith.constant 0 : i32
      %dma_wait3A_89 = arith.constant 0 : i32
      %dma_wait3A_90 = tpu.memref_slice %arg4[%dma_wait3A_88, %dma_wait3A_89] : memref<10000x128xf32, #tpu.memory_space<hbm>> -> memref<128x128xf32, #tpu.memory_space<hbm>>
      %dma_wait3A_91 = arith.constant 0 : i32
      %dma_wait3A_92 = arith.constant 0 : i32
      %dma_wait3A_93 = tpu.memref_slice %arg4[%dma_wait3A_91, %dma_wait3A_92] : memref<10000x128xf32, #tpu.memory_space<hbm>> -> memref<128x128xf32, #tpu.memory_space<hbm>>
      tpu.wait_dma2 semaphore(%arg10 : memref<!tpu.dma_semaphore, #tpu.memory_space<semaphore_mem>>) src(%dma_wait3A_93 : memref<128x128xf32, #tpu.memory_space<hbm>>) dst(%arg8 : memref<128x128xf32, #tpu.memory_space<vmem>>)
      "tpu.region"() ({
        %run_scoped3A_118 = tpu.sem_alloc : memref<!tpu.dma_semaphore, #tpu.memory_space<semaphore_mem>>
        %dma_start3A_119 = arith.constant 0 : i32
        %dma_start3A_120 = tpu.memref_slice %arg7[%mul3A_87, %dma_start3A_119] : memref<40x128xi32, #tpu.memory_space<vmem>> -> memref<1x128xi32, #tpu.memory_space<vmem>>
        %dma_start3A_121 = tpu.memref_squeeze %dma_start3A_120 : memref<1x128xi32, #tpu.memory_space<vmem>> -> memref<128xi32, #tpu.memory_space<vmem>>
        %dma_start3A_122 = arith.constant 0 : i32
        %dma_start3A_123 = arith.constant 0 : i32
        %dma_start3A_124 = tpu.memref_slice %arg12[%dma_start3A_122, %dma_start3A_123] : memref<10240x128xf32, #tpu.memory_space<vmem_shared>> -> memref<10240x128xf32, #tpu.memory_space<vmem_shared>>
        tpu.enqueue_indirect_dma source(%arg8 : memref<128x128xf32, #tpu.memory_space<vmem>>) target(%dma_start3A_124 : memref<10240x128xf32, #tpu.memory_space<vmem_shared>>) offsets(%dma_start3A_121 : memref<128xi32, #tpu.memory_space<vmem>>) semaphore(%run_scoped3A_118 : memref<!tpu.dma_semaphore, #tpu.memory_space<semaphore_mem>>) {add = true}
        %dma_wait3A_125 = arith.constant 0 : i32
        %dma_wait3A_126 = tpu.memref_slice %arg7[%mul3A_87, %dma_wait3A_125] : memref<40x128xi32, #tpu.memory_space<vmem>> -> memref<1x128xi32, #tpu.memory_space<vmem>>
        %dma_wait3A_127 = tpu.memref_squeeze %dma_wait3A_126 : memref<1x128xi32, #tpu.memory_space<vmem>> -> memref<128xi32, #tpu.memory_space<vmem>>
        %dma_wait3A_128 = arith.constant 0 : i32
        %dma_wait3A_129 = arith.constant 0 : i32
        %dma_wait3A_130 = tpu.memref_slice %arg12[%dma_wait3A_128, %dma_wait3A_129] : memref<10240x128xf32, #tpu.memory_space<vmem_shared>> -> memref<10240x128xf32, #tpu.memory_space<vmem_shared>>
        tpu.wait_indirect_dma semaphore(%run_scoped3A_118 : memref<!tpu.dma_semaphore, #tpu.memory_space<semaphore_mem>>) src(%arg8 : memref<128x128xf32, #tpu.memory_space<vmem>>) dst(%dma_wait3A_130 : memref<10240x128xf32, #tpu.memory_space<vmem_shared>>)
        tpu.yield
      }) : () -> ()
      %add3A_94 = arith.constant 2 : i32
      %add3A_95 = arith.addi %mul3A_87, %add3A_94 : i32
      %dma_start3A_96 = arith.constant 0 : i32
      %dma_start3A_97 = tpu.memref_slice %arg6[%add3A_95, %dma_start3A_96] : memref<40x128xi32, #tpu.memory_space<vmem>> -> memref<1x128xi32, #tpu.memory_space<vmem>>
      %dma_start3A_98 = tpu.memref_squeeze %dma_start3A_97 : memref<1x128xi32, #tpu.memory_space<vmem>> -> memref<128xi32, #tpu.memory_space<vmem>>
      %dma_start3A_99 = arith.constant 0 : i32
      %dma_start3A_100 = arith.constant 0 : i32
      %dma_start3A_101 = tpu.memref_slice %arg4[%dma_start3A_99, %dma_start3A_100] : memref<10000x128xf32, #tpu.memory_space<hbm>> -> memref<10000x128xf32, #tpu.memory_space<hbm>>
      tpu.enqueue_indirect_dma source(%dma_start3A_101 : memref<10000x128xf32, #tpu.memory_space<hbm>>) target(%arg8 : memref<128x128xf32, #tpu.memory_space<vmem>>) offsets(%dma_start3A_98 : memref<128xi32, #tpu.memory_space<vmem>>) semaphore(%arg10 : memref<!tpu.dma_semaphore, #tpu.memory_space<semaphore_mem>>)
      %dma_wait3A_102 = arith.constant 0 : i32
      %dma_wait3A_103 = arith.constant 0 : i32
      %dma_wait3A_104 = tpu.memref_slice %arg4[%dma_wait3A_102, %dma_wait3A_103] : memref<10000x128xf32, #tpu.memory_space<hbm>> -> memref<128x128xf32, #tpu.memory_space<hbm>>
      %dma_wait3A_105 = arith.constant 0 : i32
      %dma_wait3A_106 = arith.constant 0 : i32
      %dma_wait3A_107 = tpu.memref_slice %arg4[%dma_wait3A_105, %dma_wait3A_106] : memref<10000x128xf32, #tpu.memory_space<hbm>> -> memref<128x128xf32, #tpu.memory_space<hbm>>
      tpu.wait_dma2 semaphore(%arg11 : memref<!tpu.dma_semaphore, #tpu.memory_space<semaphore_mem>>) src(%dma_wait3A_107 : memref<128x128xf32, #tpu.memory_space<hbm>>) dst(%arg9 : memref<128x128xf32, #tpu.memory_space<vmem>>)
      %add3A_108 = arith.constant 1 : i32
      %add3A_109 = arith.addi %mul3A_87, %add3A_108 : i32
      "tpu.region"() ({
        %run_scoped3A_118 = tpu.sem_alloc : memref<!tpu.dma_semaphore, #tpu.memory_space<semaphore_mem>>
        %dma_start3A_119 = arith.constant 0 : i32
        %dma_start3A_120 = tpu.memref_slice %arg7[%add3A_109, %dma_start3A_119] : memref<40x128xi32, #tpu.memory_space<vmem>> -> memref<1x128xi32, #tpu.memory_space<vmem>>
        %dma_start3A_121 = tpu.memref_squeeze %dma_start3A_120 : memref<1x128xi32, #tpu.memory_space<vmem>> -> memref<128xi32, #tpu.memory_space<vmem>>
        %dma_start3A_122 = arith.constant 0 : i32
        %dma_start3A_123 = arith.constant 0 : i32
        %dma_start3A_124 = tpu.memref_slice %arg12[%dma_start3A_122, %dma_start3A_123] : memref<10240x128xf32, #tpu.memory_space<vmem_shared>> -> memref<10240x128xf32, #tpu.memory_space<vmem_shared>>
        tpu.enqueue_indirect_dma source(%arg9 : memref<128x128xf32, #tpu.memory_space<vmem>>) target(%dma_start3A_124 : memref<10240x128xf32, #tpu.memory_space<vmem_shared>>) offsets(%dma_start3A_121 : memref<128xi32, #tpu.memory_space<vmem>>) semaphore(%run_scoped3A_118 : memref<!tpu.dma_semaphore, #tpu.memory_space<semaphore_mem>>) {add = true}
        %dma_wait3A_125 = arith.constant 0 : i32
        %dma_wait3A_126 = tpu.memref_slice %arg7[%add3A_109, %dma_wait3A_125] : memref<40x128xi32, #tpu.memory_space<vmem>> -> memref<1x128xi32, #tpu.memory_space<vmem>>
        %dma_wait3A_127 = tpu.memref_squeeze %dma_wait3A_126 : memref<1x128xi32, #tpu.memory_space<vmem>> -> memref<128xi32, #tpu.memory_space<vmem>>
        %dma_wait3A_128 = arith.constant 0 : i32
        %dma_wait3A_129 = arith.constant 0 : i32
        %dma_wait3A_130 = tpu.memref_slice %arg12[%dma_wait3A_128, %dma_wait3A_129] : memref<10240x128xf32, #tpu.memory_space<vmem_shared>> -> memref<10240x128xf32, #tpu.memory_space<vmem_shared>>
        tpu.wait_indirect_dma semaphore(%run_scoped3A_118 : memref<!tpu.dma_semaphore, #tpu.memory_space<semaphore_mem>>) src(%arg9 : memref<128x128xf32, #tpu.memory_space<vmem>>) dst(%dma_wait3A_130 : memref<10240x128xf32, #tpu.memory_space<vmem_shared>>)
        tpu.yield
      }) : () -> ()
      %add3A_110 = arith.constant 3 : i32
      %add3A_111 = arith.addi %mul3A_87, %add3A_110 : i32
      %dma_start3A_112 = arith.constant 0 : i32
      %dma_start3A_113 = tpu.memref_slice %arg6[%add3A_111, %dma_start3A_112] : memref<40x128xi32, #tpu.memory_space<vmem>> -> memref<1x128xi32, #tpu.memory_space<vmem>>
      %dma_start3A_114 = tpu.memref_squeeze %dma_start3A_113 : memref<1x128xi32, #tpu.memory_space<vmem>> -> memref<128xi32, #tpu.memory_space<vmem>>
      %dma_start3A_115 = arith.constant 0 : i32
      %dma_start3A_116 = arith.constant 0 : i32
      %dma_start3A_117 = tpu.memref_slice %arg4[%dma_start3A_115, %dma_start3A_116] : memref<10000x128xf32, #tpu.memory_space<hbm>> -> memref<10000x128xf32, #tpu.memory_space<hbm>>
      tpu.enqueue_indirect_dma source(%dma_start3A_117 : memref<10000x128xf32, #tpu.memory_space<hbm>>) target(%arg9 : memref<128x128xf32, #tpu.memory_space<vmem>>) offsets(%dma_start3A_114 : memref<128xi32, #tpu.memory_space<vmem>>) semaphore(%arg11 : memref<!tpu.dma_semaphore, #tpu.memory_space<semaphore_mem>>)
    }
    %scan3A_37 = arith.constant 19 : i32
    %dma_wait3A = arith.constant 0 : i32
    %dma_wait3A_38 = arith.constant 0 : i32
    %dma_wait3A_39 = tpu.memref_slice %arg4[%dma_wait3A, %dma_wait3A_38] : memref<10000x128xf32, #tpu.memory_space<hbm>> -> memref<128x128xf32, #tpu.memory_space<hbm>>
    %dma_wait3A_40 = arith.constant 0 : i32
    %dma_wait3A_41 = arith.constant 0 : i32
    %dma_wait3A_42 = tpu.memref_slice %arg4[%dma_wait3A_40, %dma_wait3A_41] : memref<10000x128xf32, #tpu.memory_space<hbm>> -> memref<128x128xf32, #tpu.memory_space<hbm>>
    tpu.wait_dma2 semaphore(%arg10 : memref<!tpu.dma_semaphore, #tpu.memory_space<semaphore_mem>>) src(%dma_wait3A_42 : memref<128x128xf32, #tpu.memory_space<hbm>>) dst(%arg8 : memref<128x128xf32, #tpu.memory_space<vmem>>)
    %run_scoped3A = arith.constant 38 : i32
    "tpu.region"() ({
      %run_scoped3A_85 = tpu.sem_alloc : memref<!tpu.dma_semaphore, #tpu.memory_space<semaphore_mem>>
      %dma_start3A_86 = arith.constant 0 : i32
      %dma_start3A_87 = tpu.memref_slice %arg7[%run_scoped3A, %dma_start3A_86] : memref<40x128xi32, #tpu.memory_space<vmem>> -> memref<1x128xi32, #tpu.memory_space<vmem>>
      %dma_start3A_88 = tpu.memref_squeeze %dma_start3A_87 : memref<1x128xi32, #tpu.memory_space<vmem>> -> memref<128xi32, #tpu.memory_space<vmem>>
      %dma_start3A_89 = arith.constant 0 : i32
      %dma_start3A_90 = arith.constant 0 : i32
      %dma_start3A_91 = tpu.memref_slice %arg12[%dma_start3A_89, %dma_start3A_90] : memref<10240x128xf32, #tpu.memory_space<vmem_shared>> -> memref<10240x128xf32, #tpu.memory_space<vmem_shared>>
      tpu.enqueue_indirect_dma source(%arg8 : memref<128x128xf32, #tpu.memory_space<vmem>>) target(%dma_start3A_91 : memref<10240x128xf32, #tpu.memory_space<vmem_shared>>) offsets(%dma_start3A_88 : memref<128xi32, #tpu.memory_space<vmem>>) semaphore(%run_scoped3A_85 : memref<!tpu.dma_semaphore, #tpu.memory_space<semaphore_mem>>) {add = true}
      %dma_wait3A_92 = arith.constant 0 : i32
      %dma_wait3A_93 = tpu.memref_slice %arg7[%run_scoped3A, %dma_wait3A_92] : memref<40x128xi32, #tpu.memory_space<vmem>> -> memref<1x128xi32, #tpu.memory_space<vmem>>
      %dma_wait3A_94 = tpu.memref_squeeze %dma_wait3A_93 : memref<1x128xi32, #tpu.memory_space<vmem>> -> memref<128xi32, #tpu.memory_space<vmem>>
      %dma_wait3A_95 = arith.constant 0 : i32
      %dma_wait3A_96 = arith.constant 0 : i32
      %dma_wait3A_97 = tpu.memref_slice %arg12[%dma_wait3A_95, %dma_wait3A_96] : memref<10240x128xf32, #tpu.memory_space<vmem_shared>> -> memref<10240x128xf32, #tpu.memory_space<vmem_shared>>
      tpu.wait_indirect_dma semaphore(%run_scoped3A_85 : memref<!tpu.dma_semaphore, #tpu.memory_space<semaphore_mem>>) src(%arg8 : memref<128x128xf32, #tpu.memory_space<vmem>>) dst(%dma_wait3A_97 : memref<10240x128xf32, #tpu.memory_space<vmem_shared>>)
      tpu.yield
    }) : () -> ()
    %dma_wait3A_43 = arith.constant 0 : i32
    %dma_wait3A_44 = arith.constant 0 : i32
    %dma_wait3A_45 = tpu.memref_slice %arg4[%dma_wait3A_43, %dma_wait3A_44] : memref<10000x128xf32, #tpu.memory_space<hbm>> -> memref<128x128xf32, #tpu.memory_space<hbm>>
    %dma_wait3A_46 = arith.constant 0 : i32
    %dma_wait3A_47 = arith.constant 0 : i32
    %dma_wait3A_48 = tpu.memref_slice %arg4[%dma_wait3A_46, %dma_wait3A_47] : memref<10000x128xf32, #tpu.memory_space<hbm>> -> memref<128x128xf32, #tpu.memory_space<hbm>>
    tpu.wait_dma2 semaphore(%arg11 : memref<!tpu.dma_semaphore, #tpu.memory_space<semaphore_mem>>) src(%dma_wait3A_48 : memref<128x128xf32, #tpu.memory_space<hbm>>) dst(%arg9 : memref<128x128xf32, #tpu.memory_space<vmem>>)
    %run_scoped3A_49 = arith.constant 39 : i32
    "tpu.region"() ({
      %run_scoped3A_85 = tpu.sem_alloc : memref<!tpu.dma_semaphore, #tpu.memory_space<semaphore_mem>>
      %dma_start3A_86 = arith.constant 0 : i32
      %dma_start3A_87 = tpu.memref_slice %arg7[%run_scoped3A_49, %dma_start3A_86] : memref<40x128xi32, #tpu.memory_space<vmem>> -> memref<1x128xi32, #tpu.memory_space<vmem>>
      %dma_start3A_88 = tpu.memref_squeeze %dma_start3A_87 : memref<1x128xi32, #tpu.memory_space<vmem>> -> memref<128xi32, #tpu.memory_space<vmem>>
      %dma_start3A_89 = arith.constant 0 : i32
      %dma_start3A_90 = arith.constant 0 : i32
      %dma_start3A_91 = tpu.memref_slice %arg12[%dma_start3A_89, %dma_start3A_90] : memref<10240x128xf32, #tpu.memory_space<vmem_shared>> -> memref<10240x128xf32, #tpu.memory_space<vmem_shared>>
      tpu.enqueue_indirect_dma source(%arg9 : memref<128x128xf32, #tpu.memory_space<vmem>>) target(%dma_start3A_91 : memref<10240x128xf32, #tpu.memory_space<vmem_shared>>) offsets(%dma_start3A_88 : memref<128xi32, #tpu.memory_space<vmem>>) semaphore(%run_scoped3A_85 : memref<!tpu.dma_semaphore, #tpu.memory_space<semaphore_mem>>) {add = true}
      %dma_wait3A_92 = arith.constant 0 : i32
      %dma_wait3A_93 = tpu.memref_slice %arg7[%run_scoped3A_49, %dma_wait3A_92] : memref<40x128xi32, #tpu.memory_space<vmem>> -> memref<1x128xi32, #tpu.memory_space<vmem>>
      %dma_wait3A_94 = tpu.memref_squeeze %dma_wait3A_93 : memref<1x128xi32, #tpu.memory_space<vmem>> -> memref<128xi32, #tpu.memory_space<vmem>>
      %dma_wait3A_95 = arith.constant 0 : i32
      %dma_wait3A_96 = arith.constant 0 : i32
      %dma_wait3A_97 = tpu.memref_slice %arg12[%dma_wait3A_95, %dma_wait3A_96] : memref<10240x128xf32, #tpu.memory_space<vmem_shared>> -> memref<10240x128xf32, #tpu.memory_space<vmem_shared>>
      tpu.wait_indirect_dma semaphore(%run_scoped3A_85 : memref<!tpu.dma_semaphore, #tpu.memory_space<semaphore_mem>>) src(%arg9 : memref<128x128xf32, #tpu.memory_space<vmem>>) dst(%dma_wait3A_97 : memref<10240x128xf32, #tpu.memory_space<vmem_shared>>)
      tpu.yield
    }) : () -> ()
    "tpu.region"() ({
      %run_scoped3A_85 = tpu.sem_alloc : memref<!tpu.dma_semaphore, #tpu.memory_space<semaphore_mem>>
      %dma_start3A_86 = arith.constant 40 : i32
      %dma_start3A_87 = arith.constant 0 : i32
      %dma_start3A_88 = tpu.memref_slice %arg2[%add3A, %dma_start3A_86, %dma_start3A_87] : memref<32x80x128xi32, #tpu.memory_space<hbm>> -> memref<1x40x128xi32, #tpu.memory_space<hbm>>
      %dma_start3A_89 = tpu.memref_squeeze %dma_start3A_88 : memref<1x40x128xi32, #tpu.memory_space<hbm>> -> memref<40x128xi32, #tpu.memory_space<hbm>>
      %dma_start3A_90 = arith.constant 40 : i32
      %dma_start3A_91 = arith.constant 0 : i32
      %dma_start3A_92 = tpu.memref_slice %arg2[%add3A, %dma_start3A_90, %dma_start3A_91] : memref<32x80x128xi32, #tpu.memory_space<hbm>> -> memref<1x40x128xi32, #tpu.memory_space<hbm>>
      %dma_start3A_93 = tpu.memref_squeeze %dma_start3A_92 : memref<1x40x128xi32, #tpu.memory_space<hbm>> -> memref<40x128xi32, #tpu.memory_space<hbm>>
      tpu.enqueue_dma source(%dma_start3A_93 : memref<40x128xi32, #tpu.memory_space<hbm>>) target(%arg6 : memref<40x128xi32, #tpu.memory_space<vmem>>) target_semaphore(%run_scoped3A_85 : memref<!tpu.dma_semaphore, #tpu.memory_space<semaphore_mem>>)
      %dma_wait3A_94 = arith.constant 40 : i32
      %dma_wait3A_95 = arith.constant 0 : i32
      %dma_wait3A_96 = tpu.memref_slice %arg2[%add3A, %dma_wait3A_94, %dma_wait3A_95] : memref<32x80x128xi32, #tpu.memory_space<hbm>> -> memref<1x40x128xi32, #tpu.memory_space<hbm>>
      %dma_wait3A_97 = tpu.memref_squeeze %dma_wait3A_96 : memref<1x40x128xi32, #tpu.memory_space<hbm>> -> memref<40x128xi32, #tpu.memory_space<hbm>>
      %dma_wait3A_98 = arith.constant 40 : i32
      %dma_wait3A_99 = arith.constant 0 : i32
      %dma_wait3A_100 = tpu.memref_slice %arg2[%add3A, %dma_wait3A_98, %dma_wait3A_99] : memref<32x80x128xi32, #tpu.memory_space<hbm>> -> memref<1x40x128xi32, #tpu.memory_space<hbm>>
      %dma_wait3A_101 = tpu.memref_squeeze %dma_wait3A_100 : memref<1x40x128xi32, #tpu.memory_space<hbm>> -> memref<40x128xi32, #tpu.memory_space<hbm>>
      tpu.wait_dma2 semaphore(%run_scoped3A_85 : memref<!tpu.dma_semaphore, #tpu.memory_space<semaphore_mem>>) src(%dma_wait3A_101 : memref<40x128xi32, #tpu.memory_space<hbm>>) dst(%arg6 : memref<40x128xi32, #tpu.memory_space<vmem>>)
      tpu.yield
    }) : () -> ()
    "tpu.region"() ({
      %run_scoped3A_85 = tpu.sem_alloc : memref<!tpu.dma_semaphore, #tpu.memory_space<semaphore_mem>>
      %dma_start3A_86 = arith.constant 40 : i32
      %dma_start3A_87 = arith.constant 0 : i32
      %dma_start3A_88 = tpu.memref_slice %arg3[%add3A, %dma_start3A_86, %dma_start3A_87] : memref<32x80x128xi32, #tpu.memory_space<hbm>> -> memref<1x40x128xi32, #tpu.memory_space<hbm>>
      %dma_start3A_89 = tpu.memref_squeeze %dma_start3A_88 : memref<1x40x128xi32, #tpu.memory_space<hbm>> -> memref<40x128xi32, #tpu.memory_space<hbm>>
      %dma_start3A_90 = arith.constant 40 : i32
      %dma_start3A_91 = arith.constant 0 : i32
      %dma_start3A_92 = tpu.memref_slice %arg3[%add3A, %dma_start3A_90, %dma_start3A_91] : memref<32x80x128xi32, #tpu.memory_space<hbm>> -> memref<1x40x128xi32, #tpu.memory_space<hbm>>
      %dma_start3A_93 = tpu.memref_squeeze %dma_start3A_92 : memref<1x40x128xi32, #tpu.memory_space<hbm>> -> memref<40x128xi32, #tpu.memory_space<hbm>>
      tpu.enqueue_dma source(%dma_start3A_93 : memref<40x128xi32, #tpu.memory_space<hbm>>) target(%arg7 : memref<40x128xi32, #tpu.memory_space<vmem>>) target_semaphore(%run_scoped3A_85 : memref<!tpu.dma_semaphore, #tpu.memory_space<semaphore_mem>>)
      %dma_wait3A_94 = arith.constant 40 : i32
      %dma_wait3A_95 = arith.constant 0 : i32
      %dma_wait3A_96 = tpu.memref_slice %arg3[%add3A, %dma_wait3A_94, %dma_wait3A_95] : memref<32x80x128xi32, #tpu.memory_space<hbm>> -> memref<1x40x128xi32, #tpu.memory_space<hbm>>
      %dma_wait3A_97 = tpu.memref_squeeze %dma_wait3A_96 : memref<1x40x128xi32, #tpu.memory_space<hbm>> -> memref<40x128xi32, #tpu.memory_space<hbm>>
      %dma_wait3A_98 = arith.constant 40 : i32
      %dma_wait3A_99 = arith.constant 0 : i32
      %dma_wait3A_100 = tpu.memref_slice %arg3[%add3A, %dma_wait3A_98, %dma_wait3A_99] : memref<32x80x128xi32, #tpu.memory_space<hbm>> -> memref<1x40x128xi32, #tpu.memory_space<hbm>>
      %dma_wait3A_101 = tpu.memref_squeeze %dma_wait3A_100 : memref<1x40x128xi32, #tpu.memory_space<hbm>> -> memref<40x128xi32, #tpu.memory_space<hbm>>
      tpu.wait_dma2 semaphore(%run_scoped3A_85 : memref<!tpu.dma_semaphore, #tpu.memory_space<semaphore_mem>>) src(%dma_wait3A_101 : memref<40x128xi32, #tpu.memory_space<hbm>>) dst(%arg7 : memref<40x128xi32, #tpu.memory_space<vmem>>)
      tpu.yield
    }) : () -> ()
    %dma_start3A_50 = arith.constant 0 : i32
    %dma_start3A_51 = arith.constant 0 : i32
    %dma_start3A_52 = tpu.memref_slice %arg6[%dma_start3A_50, %dma_start3A_51] : memref<40x128xi32, #tpu.memory_space<vmem>> -> memref<1x128xi32, #tpu.memory_space<vmem>>
    %dma_start3A_53 = tpu.memref_squeeze %dma_start3A_52 : memref<1x128xi32, #tpu.memory_space<vmem>> -> memref<128xi32, #tpu.memory_space<vmem>>
    %dma_start3A_54 = arith.constant 0 : i32
    %dma_start3A_55 = arith.constant 0 : i32
    %dma_start3A_56 = tpu.memref_slice %arg4[%dma_start3A_54, %dma_start3A_55] : memref<10000x128xf32, #tpu.memory_space<hbm>> -> memref<10000x128xf32, #tpu.memory_space<hbm>>
    tpu.enqueue_indirect_dma source(%dma_start3A_56 : memref<10000x128xf32, #tpu.memory_space<hbm>>) target(%arg8 : memref<128x128xf32, #tpu.memory_space<vmem>>) offsets(%dma_start3A_53 : memref<128xi32, #tpu.memory_space<vmem>>) semaphore(%arg10 : memref<!tpu.dma_semaphore, #tpu.memory_space<semaphore_mem>>)
    %dma_start3A_57 = arith.constant 1 : i32
    %dma_start3A_58 = arith.constant 0 : i32
    %dma_start3A_59 = tpu.memref_slice %arg6[%dma_start3A_57, %dma_start3A_58] : memref<40x128xi32, #tpu.memory_space<vmem>> -> memref<1x128xi32, #tpu.memory_space<vmem>>
    %dma_start3A_60 = tpu.memref_squeeze %dma_start3A_59 : memref<1x128xi32, #tpu.memory_space<vmem>> -> memref<128xi32, #tpu.memory_space<vmem>>
    %dma_start3A_61 = arith.constant 0 : i32
    %dma_start3A_62 = arith.constant 0 : i32
    %dma_start3A_63 = tpu.memref_slice %arg4[%dma_start3A_61, %dma_start3A_62] : memref<10000x128xf32, #tpu.memory_space<hbm>> -> memref<10000x128xf32, #tpu.memory_space<hbm>>
    tpu.enqueue_indirect_dma source(%dma_start3A_63 : memref<10000x128xf32, #tpu.memory_space<hbm>>) target(%arg9 : memref<128x128xf32, #tpu.memory_space<vmem>>) offsets(%dma_start3A_60 : memref<128xi32, #tpu.memory_space<vmem>>) semaphore(%arg11 : memref<!tpu.dma_semaphore, #tpu.memory_space<semaphore_mem>>)
    %scan3A_64 = arith.constant 0 : i32
    %scan3A_65 = arith.constant 0 : i32
    %scan3A_66 = arith.constant 19 : i32
    %scan3A_67 = arith.addi %scan3A_65, %scan3A_66 : i32
    %scan3A_68 = arith.constant 1 : i32
    scf.for %scan3A_85 = %scan3A_65 to %scan3A_67 step %scan3A_68  : i32 {
      %mul3A_86 = arith.constant 2 : i32
      %mul3A_87 = arith.muli %mul3A_86, %scan3A_85 : i32
      %dma_wait3A_88 = arith.constant 0 : i32
      %dma_wait3A_89 = arith.constant 0 : i32
      %dma_wait3A_90 = tpu.memref_slice %arg4[%dma_wait3A_88, %dma_wait3A_89] : memref<10000x128xf32, #tpu.memory_space<hbm>> -> memref<128x128xf32, #tpu.memory_space<hbm>>
      %dma_wait3A_91 = arith.constant 0 : i32
      %dma_wait3A_92 = arith.constant 0 : i32
      %dma_wait3A_93 = tpu.memref_slice %arg4[%dma_wait3A_91, %dma_wait3A_92] : memref<10000x128xf32, #tpu.memory_space<hbm>> -> memref<128x128xf32, #tpu.memory_space<hbm>>
      tpu.wait_dma2 semaphore(%arg10 : memref<!tpu.dma_semaphore, #tpu.memory_space<semaphore_mem>>) src(%dma_wait3A_93 : memref<128x128xf32, #tpu.memory_space<hbm>>) dst(%arg8 : memref<128x128xf32, #tpu.memory_space<vmem>>)
      "tpu.region"() ({
        %run_scoped3A_118 = tpu.sem_alloc : memref<!tpu.dma_semaphore, #tpu.memory_space<semaphore_mem>>
        %dma_start3A_119 = arith.constant 0 : i32
        %dma_start3A_120 = tpu.memref_slice %arg7[%mul3A_87, %dma_start3A_119] : memref<40x128xi32, #tpu.memory_space<vmem>> -> memref<1x128xi32, #tpu.memory_space<vmem>>
        %dma_start3A_121 = tpu.memref_squeeze %dma_start3A_120 : memref<1x128xi32, #tpu.memory_space<vmem>> -> memref<128xi32, #tpu.memory_space<vmem>>
        %dma_start3A_122 = arith.constant 0 : i32
        %dma_start3A_123 = arith.constant 0 : i32
        %dma_start3A_124 = tpu.memref_slice %arg12[%dma_start3A_122, %dma_start3A_123] : memref<10240x128xf32, #tpu.memory_space<vmem_shared>> -> memref<10240x128xf32, #tpu.memory_space<vmem_shared>>
        tpu.enqueue_indirect_dma source(%arg8 : memref<128x128xf32, #tpu.memory_space<vmem>>) target(%dma_start3A_124 : memref<10240x128xf32, #tpu.memory_space<vmem_shared>>) offsets(%dma_start3A_121 : memref<128xi32, #tpu.memory_space<vmem>>) semaphore(%run_scoped3A_118 : memref<!tpu.dma_semaphore, #tpu.memory_space<semaphore_mem>>) {add = true}
        %dma_wait3A_125 = arith.constant 0 : i32
        %dma_wait3A_126 = tpu.memref_slice %arg7[%mul3A_87, %dma_wait3A_125] : memref<40x128xi32, #tpu.memory_space<vmem>> -> memref<1x128xi32, #tpu.memory_space<vmem>>
        %dma_wait3A_127 = tpu.memref_squeeze %dma_wait3A_126 : memref<1x128xi32, #tpu.memory_space<vmem>> -> memref<128xi32, #tpu.memory_space<vmem>>
        %dma_wait3A_128 = arith.constant 0 : i32
        %dma_wait3A_129 = arith.constant 0 : i32
        %dma_wait3A_130 = tpu.memref_slice %arg12[%dma_wait3A_128, %dma_wait3A_129] : memref<10240x128xf32, #tpu.memory_space<vmem_shared>> -> memref<10240x128xf32, #tpu.memory_space<vmem_shared>>
        tpu.wait_indirect_dma semaphore(%run_scoped3A_118 : memref<!tpu.dma_semaphore, #tpu.memory_space<semaphore_mem>>) src(%arg8 : memref<128x128xf32, #tpu.memory_space<vmem>>) dst(%dma_wait3A_130 : memref<10240x128xf32, #tpu.memory_space<vmem_shared>>)
        tpu.yield
      }) : () -> ()
      %add3A_94 = arith.constant 2 : i32
      %add3A_95 = arith.addi %mul3A_87, %add3A_94 : i32
      %dma_start3A_96 = arith.constant 0 : i32
      %dma_start3A_97 = tpu.memref_slice %arg6[%add3A_95, %dma_start3A_96] : memref<40x128xi32, #tpu.memory_space<vmem>> -> memref<1x128xi32, #tpu.memory_space<vmem>>
      %dma_start3A_98 = tpu.memref_squeeze %dma_start3A_97 : memref<1x128xi32, #tpu.memory_space<vmem>> -> memref<128xi32, #tpu.memory_space<vmem>>
      %dma_start3A_99 = arith.constant 0 : i32
      %dma_start3A_100 = arith.constant 0 : i32
      %dma_start3A_101 = tpu.memref_slice %arg4[%dma_start3A_99, %dma_start3A_100] : memref<10000x128xf32, #tpu.memory_space<hbm>> -> memref<10000x128xf32, #tpu.memory_space<hbm>>
      tpu.enqueue_indirect_dma source(%dma_start3A_101 : memref<10000x128xf32, #tpu.memory_space<hbm>>) target(%arg8 : memref<128x128xf32, #tpu.memory_space<vmem>>) offsets(%dma_start3A_98 : memref<128xi32, #tpu.memory_space<vmem>>) semaphore(%arg10 : memref<!tpu.dma_semaphore, #tpu.memory_space<semaphore_mem>>)
      %dma_wait3A_102 = arith.constant 0 : i32
      %dma_wait3A_103 = arith.constant 0 : i32
      %dma_wait3A_104 = tpu.memref_slice %arg4[%dma_wait3A_102, %dma_wait3A_103] : memref<10000x128xf32, #tpu.memory_space<hbm>> -> memref<128x128xf32, #tpu.memory_space<hbm>>
      %dma_wait3A_105 = arith.constant 0 : i32
      %dma_wait3A_106 = arith.constant 0 : i32
      %dma_wait3A_107 = tpu.memref_slice %arg4[%dma_wait3A_105, %dma_wait3A_106] : memref<10000x128xf32, #tpu.memory_space<hbm>> -> memref<128x128xf32, #tpu.memory_space<hbm>>
      tpu.wait_dma2 semaphore(%arg11 : memref<!tpu.dma_semaphore, #tpu.memory_space<semaphore_mem>>) src(%dma_wait3A_107 : memref<128x128xf32, #tpu.memory_space<hbm>>) dst(%arg9 : memref<128x128xf32, #tpu.memory_space<vmem>>)
      %add3A_108 = arith.constant 1 : i32
      %add3A_109 = arith.addi %mul3A_87, %add3A_108 : i32
      "tpu.region"() ({
        %run_scoped3A_118 = tpu.sem_alloc : memref<!tpu.dma_semaphore, #tpu.memory_space<semaphore_mem>>
        %dma_start3A_119 = arith.constant 0 : i32
        %dma_start3A_120 = tpu.memref_slice %arg7[%add3A_109, %dma_start3A_119] : memref<40x128xi32, #tpu.memory_space<vmem>> -> memref<1x128xi32, #tpu.memory_space<vmem>>
        %dma_start3A_121 = tpu.memref_squeeze %dma_start3A_120 : memref<1x128xi32, #tpu.memory_space<vmem>> -> memref<128xi32, #tpu.memory_space<vmem>>
        %dma_start3A_122 = arith.constant 0 : i32
        %dma_start3A_123 = arith.constant 0 : i32
        %dma_start3A_124 = tpu.memref_slice %arg12[%dma_start3A_122, %dma_start3A_123] : memref<10240x128xf32, #tpu.memory_space<vmem_shared>> -> memref<10240x128xf32, #tpu.memory_space<vmem_shared>>
        tpu.enqueue_indirect_dma source(%arg9 : memref<128x128xf32, #tpu.memory_space<vmem>>) target(%dma_start3A_124 : memref<10240x128xf32, #tpu.memory_space<vmem_shared>>) offsets(%dma_start3A_121 : memref<128xi32, #tpu.memory_space<vmem>>) semaphore(%run_scoped3A_118 : memref<!tpu.dma_semaphore, #tpu.memory_space<semaphore_mem>>) {add = true}
        %dma_wait3A_125 = arith.constant 0 : i32
        %dma_wait3A_126 = tpu.memref_slice %arg7[%add3A_109, %dma_wait3A_125] : memref<40x128xi32, #tpu.memory_space<vmem>> -> memref<1x128xi32, #tpu.memory_space<vmem>>
        %dma_wait3A_127 = tpu.memref_squeeze %dma_wait3A_126 : memref<1x128xi32, #tpu.memory_space<vmem>> -> memref<128xi32, #tpu.memory_space<vmem>>
        %dma_wait3A_128 = arith.constant 0 : i32
        %dma_wait3A_129 = arith.constant 0 : i32
        %dma_wait3A_130 = tpu.memref_slice %arg12[%dma_wait3A_128, %dma_wait3A_129] : memref<10240x128xf32, #tpu.memory_space<vmem_shared>> -> memref<10240x128xf32, #tpu.memory_space<vmem_shared>>
        tpu.wait_indirect_dma semaphore(%run_scoped3A_118 : memref<!tpu.dma_semaphore, #tpu.memory_space<semaphore_mem>>) src(%arg9 : memref<128x128xf32, #tpu.memory_space<vmem>>) dst(%dma_wait3A_130 : memref<10240x128xf32, #tpu.memory_space<vmem_shared>>)
        tpu.yield
      }) : () -> ()
      %add3A_110 = arith.constant 3 : i32
      %add3A_111 = arith.addi %mul3A_87, %add3A_110 : i32
      %dma_start3A_112 = arith.constant 0 : i32
      %dma_start3A_113 = tpu.memref_slice %arg6[%add3A_111, %dma_start3A_112] : memref<40x128xi32, #tpu.memory_space<vmem>> -> memref<1x128xi32, #tpu.memory_space<vmem>>
      %dma_start3A_114 = tpu.memref_squeeze %dma_start3A_113 : memref<1x128xi32, #tpu.memory_space<vmem>> -> memref<128xi32, #tpu.memory_space<vmem>>
      %dma_start3A_115 = arith.constant 0 : i32
      %dma_start3A_116 = arith.constant 0 : i32
      %dma_start3A_117 = tpu.memref_slice %arg4[%dma_start3A_115, %dma_start3A_116] : memref<10000x128xf32, #tpu.memory_space<hbm>> -> memref<10000x128xf32, #tpu.memory_space<hbm>>
      tpu.enqueue_indirect_dma source(%dma_start3A_117 : memref<10000x128xf32, #tpu.memory_space<hbm>>) target(%arg9 : memref<128x128xf32, #tpu.memory_space<vmem>>) offsets(%dma_start3A_114 : memref<128xi32, #tpu.memory_space<vmem>>) semaphore(%arg11 : memref<!tpu.dma_semaphore, #tpu.memory_space<semaphore_mem>>)
    }
    %scan3A_69 = arith.constant 19 : i32
    %dma_wait3A_70 = arith.constant 0 : i32
    %dma_wait3A_71 = arith.constant 0 : i32
    %dma_wait3A_72 = tpu.memref_slice %arg4[%dma_wait3A_70, %dma_wait3A_71] : memref<10000x128xf32, #tpu.memory_space<hbm>> -> memref<128x128xf32, #tpu.memory_space<hbm>>
    %dma_wait3A_73 = arith.constant 0 : i32
    %dma_wait3A_74 = arith.constant 0 : i32
    %dma_wait3A_75 = tpu.memref_slice %arg4[%dma_wait3A_73, %dma_wait3A_74] : memref<10000x128xf32, #tpu.memory_space<hbm>> -> memref<128x128xf32, #tpu.memory_space<hbm>>
    tpu.wait_dma2 semaphore(%arg10 : memref<!tpu.dma_semaphore, #tpu.memory_space<semaphore_mem>>) src(%dma_wait3A_75 : memref<128x128xf32, #tpu.memory_space<hbm>>) dst(%arg8 : memref<128x128xf32, #tpu.memory_space<vmem>>)
    %run_scoped3A_76 = arith.constant 38 : i32
    "tpu.region"() ({
      %run_scoped3A_85 = tpu.sem_alloc : memref<!tpu.dma_semaphore, #tpu.memory_space<semaphore_mem>>
      %dma_start3A_86 = arith.constant 0 : i32
      %dma_start3A_87 = tpu.memref_slice %arg7[%run_scoped3A_76, %dma_start3A_86] : memref<40x128xi32, #tpu.memory_space<vmem>> -> memref<1x128xi32, #tpu.memory_space<vmem>>
      %dma_start3A_88 = tpu.memref_squeeze %dma_start3A_87 : memref<1x128xi32, #tpu.memory_space<vmem>> -> memref<128xi32, #tpu.memory_space<vmem>>
      %dma_start3A_89 = arith.constant 0 : i32
      %dma_start3A_90 = arith.constant 0 : i32
      %dma_start3A_91 = tpu.memref_slice %arg12[%dma_start3A_89, %dma_start3A_90] : memref<10240x128xf32, #tpu.memory_space<vmem_shared>> -> memref<10240x128xf32, #tpu.memory_space<vmem_shared>>
      tpu.enqueue_indirect_dma source(%arg8 : memref<128x128xf32, #tpu.memory_space<vmem>>) target(%dma_start3A_91 : memref<10240x128xf32, #tpu.memory_space<vmem_shared>>) offsets(%dma_start3A_88 : memref<128xi32, #tpu.memory_space<vmem>>) semaphore(%run_scoped3A_85 : memref<!tpu.dma_semaphore, #tpu.memory_space<semaphore_mem>>) {add = true}
      %dma_wait3A_92 = arith.constant 0 : i32
      %dma_wait3A_93 = tpu.memref_slice %arg7[%run_scoped3A_76, %dma_wait3A_92] : memref<40x128xi32, #tpu.memory_space<vmem>> -> memref<1x128xi32, #tpu.memory_space<vmem>>
      %dma_wait3A_94 = tpu.memref_squeeze %dma_wait3A_93 : memref<1x128xi32, #tpu.memory_space<vmem>> -> memref<128xi32, #tpu.memory_space<vmem>>
      %dma_wait3A_95 = arith.constant 0 : i32
      %dma_wait3A_96 = arith.constant 0 : i32
      %dma_wait3A_97 = tpu.memref_slice %arg12[%dma_wait3A_95, %dma_wait3A_96] : memref<10240x128xf32, #tpu.memory_space<vmem_shared>> -> memref<10240x128xf32, #tpu.memory_space<vmem_shared>>
      tpu.wait_indirect_dma semaphore(%run_scoped3A_85 : memref<!tpu.dma_semaphore, #tpu.memory_space<semaphore_mem>>) src(%arg8 : memref<128x128xf32, #tpu.memory_space<vmem>>) dst(%dma_wait3A_97 : memref<10240x128xf32, #tpu.memory_space<vmem_shared>>)
      tpu.yield
    }) : () -> ()
    %dma_wait3A_77 = arith.constant 0 : i32
    %dma_wait3A_78 = arith.constant 0 : i32
    %dma_wait3A_79 = tpu.memref_slice %arg4[%dma_wait3A_77, %dma_wait3A_78] : memref<10000x128xf32, #tpu.memory_space<hbm>> -> memref<128x128xf32, #tpu.memory_space<hbm>>
    %dma_wait3A_80 = arith.constant 0 : i32
    %dma_wait3A_81 = arith.constant 0 : i32
    %dma_wait3A_82 = tpu.memref_slice %arg4[%dma_wait3A_80, %dma_wait3A_81] : memref<10000x128xf32, #tpu.memory_space<hbm>> -> memref<128x128xf32, #tpu.memory_space<hbm>>
    tpu.wait_dma2 semaphore(%arg11 : memref<!tpu.dma_semaphore, #tpu.memory_space<semaphore_mem>>) src(%dma_wait3A_82 : memref<128x128xf32, #tpu.memory_space<hbm>>) dst(%arg9 : memref<128x128xf32, #tpu.memory_space<vmem>>)
    %run_scoped3A_83 = arith.constant 39 : i32
    "tpu.region"() ({
      %run_scoped3A_85 = tpu.sem_alloc : memref<!tpu.dma_semaphore, #tpu.memory_space<semaphore_mem>>
      %dma_start3A_86 = arith.constant 0 : i32
      %dma_start3A_87 = tpu.memref_slice %arg7[%run_scoped3A_83, %dma_start3A_86] : memref<40x128xi32, #tpu.memory_space<vmem>> -> memref<1x128xi32, #tpu.memory_space<vmem>>
      %dma_start3A_88 = tpu.memref_squeeze %dma_start3A_87 : memref<1x128xi32, #tpu.memory_space<vmem>> -> memref<128xi32, #tpu.memory_space<vmem>>
      %dma_start3A_89 = arith.constant 0 : i32
      %dma_start3A_90 = arith.constant 0 : i32
      %dma_start3A_91 = tpu.memref_slice %arg12[%dma_start3A_89, %dma_start3A_90] : memref<10240x128xf32, #tpu.memory_space<vmem_shared>> -> memref<10240x128xf32, #tpu.memory_space<vmem_shared>>
      tpu.enqueue_indirect_dma source(%arg9 : memref<128x128xf32, #tpu.memory_space<vmem>>) target(%dma_start3A_91 : memref<10240x128xf32, #tpu.memory_space<vmem_shared>>) offsets(%dma_start3A_88 : memref<128xi32, #tpu.memory_space<vmem>>) semaphore(%run_scoped3A_85 : memref<!tpu.dma_semaphore, #tpu.memory_space<semaphore_mem>>) {add = true}
      %dma_wait3A_92 = arith.constant 0 : i32
      %dma_wait3A_93 = tpu.memref_slice %arg7[%run_scoped3A_83, %dma_wait3A_92] : memref<40x128xi32, #tpu.memory_space<vmem>> -> memref<1x128xi32, #tpu.memory_space<vmem>>
      %dma_wait3A_94 = tpu.memref_squeeze %dma_wait3A_93 : memref<1x128xi32, #tpu.memory_space<vmem>> -> memref<128xi32, #tpu.memory_space<vmem>>
      %dma_wait3A_95 = arith.constant 0 : i32
      %dma_wait3A_96 = arith.constant 0 : i32
      %dma_wait3A_97 = tpu.memref_slice %arg12[%dma_wait3A_95, %dma_wait3A_96] : memref<10240x128xf32, #tpu.memory_space<vmem_shared>> -> memref<10240x128xf32, #tpu.memory_space<vmem_shared>>
      tpu.wait_indirect_dma semaphore(%run_scoped3A_85 : memref<!tpu.dma_semaphore, #tpu.memory_space<semaphore_mem>>) src(%arg9 : memref<128x128xf32, #tpu.memory_space<vmem>>) dst(%dma_wait3A_97 : memref<10240x128xf32, #tpu.memory_space<vmem_shared>>)
      tpu.yield
    }) : () -> ()
    %barrier3A_84 = arith.constant 0 : index
    tpu.barrier barrier_id(%barrier3A_84)
    "tpu.region"() ({
      %run_scoped3A_85 = tpu.sem_alloc : memref<!tpu.dma_semaphore, #tpu.memory_space<semaphore_mem>>
      %dma_start3A_86 = arith.constant 0 : i32
      %dma_start3A_87 = tpu.memref_slice %arg5[%arg0, %mul3A_2, %dma_start3A_86] : memref<2x10240x128xf32, #tpu.memory_space<hbm>> -> memref<1x640x128xf32, #tpu.memory_space<hbm>>
      %dma_start3A_88 = tpu.memref_squeeze %dma_start3A_87 : memref<1x640x128xf32, #tpu.memory_space<hbm>> -> memref<640x128xf32, #tpu.memory_space<hbm>>
      %dma_start3A_89 = arith.constant 0 : i32
      %dma_start3A_90 = tpu.memref_slice %arg12[%mul3A_2, %dma_start3A_89] : memref<10240x128xf32, #tpu.memory_space<vmem_shared>> -> memref<640x128xf32, #tpu.memory_space<vmem_shared>>
      tpu.enqueue_dma source(%dma_start3A_90 : memref<640x128xf32, #tpu.memory_space<vmem_shared>>) target(%dma_start3A_88 : memref<640x128xf32, #tpu.memory_space<hbm>>) target_semaphore(%run_scoped3A_85 : memref<!tpu.dma_semaphore, #tpu.memory_space<semaphore_mem>>)
      %dma_wait3A_91 = arith.constant 0 : i32
      %dma_wait3A_92 = tpu.memref_slice %arg5[%arg0, %mul3A_2, %dma_wait3A_91] : memref<2x10240x128xf32, #tpu.memory_space<hbm>> -> memref<1x640x128xf32, #tpu.memory_space<hbm>>
      %dma_wait3A_93 = tpu.memref_squeeze %dma_wait3A_92 : memref<1x640x128xf32, #tpu.memory_space<hbm>> -> memref<640x128xf32, #tpu.memory_space<hbm>>
      %dma_wait3A_94 = arith.constant 0 : i32
      %dma_wait3A_95 = tpu.memref_slice %arg12[%mul3A_2, %dma_wait3A_94] : memref<10240x128xf32, #tpu.memory_space<vmem_shared>> -> memref<640x128xf32, #tpu.memory_space<vmem_shared>>
      tpu.wait_dma2 semaphore(%run_scoped3A_85 : memref<!tpu.dma_semaphore, #tpu.memory_space<semaphore_mem>>) src(%dma_wait3A_95 : memref<640x128xf32, #tpu.memory_space<vmem_shared>>) dst(%dma_wait3A_93 : memref<640x128xf32, #tpu.memory_space<hbm>>)
      tpu.yield
    }) : () -> ()
    return
  }
}

module attributes {stable_mosaic.version = 14 : i64} {
  func.func @_k2_body(%arg0: i32, %arg1: memref<2000x128xf32, #tpu.memory_space<vmem>>, %arg2: memref<128x128xf32, #tpu.memory_space<vmem>>, %arg3: memref<2x2000x128xf32, #tpu.memory_space<vmem>>, %arg4: memref<2000x128xf32, #tpu.memory_space<vmem>>, %arg5: memref<2000x1xf32, #tpu.memory_space<vmem>>, %arg6: memref<2000x1xf32, #tpu.memory_space<vmem>>) attributes {dimension_semantics = [#tpu.dimension_semantics<arbitrary>], iteration_bounds = array<i64: 5>, scalar_prefetch = 0 : i64, scratch_operands = 0 : i64, tpu.core_type = #tpu.core_type<tc>, window_params = [{transform_indices = @transform_0, window_bounds = array<i64: 2000, 128>}, {pipeline_mode = #tpu.pipeline_mode<synchronous>, transform_indices = @transform_1, window_bounds = array<i64: 128, 128>}, {transform_indices = @transform_2, window_bounds = array<i64: 2, 2000, 128>}, {transform_indices = @transform_3, window_bounds = array<i64: 2000, 128>}, {transform_indices = @transform_4, window_bounds = array<i64: 2000, 1>}, {transform_indices = @transform_5, window_bounds = array<i64: 2000, 1>}]} {
    %get3A = arith.constant 0 : index
    %get3A_0 = arith.constant 0 : index
    %get3A_1 = arith.constant 0 : index
    %get3A_2 = vector.load %arg3[%get3A, %get3A_0, %get3A_1] : memref<2x2000x128xf32, #tpu.memory_space<vmem>>, vector<1x2000x1xf32>
    %get3A_3 = vector.shape_cast %get3A_2 : vector<1x2000x1xf32> to vector<2000x1xf32>
    %get3A_4 = arith.constant 1 : index
    %get3A_5 = arith.constant 0 : index
    %get3A_6 = arith.constant 0 : index
    %get3A_7 = vector.load %arg3[%get3A_4, %get3A_5, %get3A_6] : memref<2x2000x128xf32, #tpu.memory_space<vmem>>, vector<1x2000x1xf32>
    %get3A_8 = vector.shape_cast %get3A_7 : vector<1x2000x1xf32> to vector<2000x1xf32>
    %add3A = arith.addf %get3A_3, %get3A_8 : vector<2000x1xf32>
    %add3A_9 = arith.constant 1.000000e+00 : f32
    %add3A_10 = vector.broadcast %add3A_9 : f32 to vector<2000x1xf32>
    %add3A_11 = arith.addf %add3A, %add3A_10 : vector<2000x1xf32>
    %rsqrt3A = math.rsqrt %add3A_11 : vector<2000x1xf32>
    %get3A_12 = arith.constant 0 : index
    %get3A_13 = arith.constant 0 : index
    %get3A_14 = vector.load %arg1[%get3A_12, %get3A_13] : memref<2000x128xf32, #tpu.memory_space<vmem>>, vector<2000x128xf32>
    %get3A_15 = arith.constant 0 : index
    %get3A_16 = arith.constant 0 : index
    %get3A_17 = vector.load %arg2[%get3A_15, %get3A_16] : memref<128x128xf32, #tpu.memory_space<vmem>>, vector<128x128xf32>
    %dot_general3A = arith.constant dense<0.000000e+00> : vector<2000x128xf32>
    %dot_general3A_18 = tpu.matmul %get3A_14, %get3A_17, %dot_general3A {dimension_numbers = #tpu.dot_dimension_numbers<[1], [0], [0], [1], [0, 0, 1, 1], [], []>, transpose_lhs_hint = false} : vector<2000x128xf32>, vector<128x128xf32>, vector<2000x128xf32> -> vector<2000x128xf32>
    %mul3A = vector.broadcast %rsqrt3A : vector<2000x1xf32> to vector<2000x128xf32>
    %mul3A_19 = arith.mulf %dot_general3A_18, %mul3A : vector<2000x128xf32>
    %swap3A = arith.constant 0 : index
    %swap3A_20 = arith.constant 0 : index
    %swap3A_21 = vector.load %arg4[%swap3A, %swap3A_20] : memref<2000x128xf32, #tpu.memory_space<vmem>>, vector<2000x128xf32>
    tpu.vector_store %arg4[%swap3A, %swap3A_20], %mul3A_19 {strides = array<i32>} : memref<2000x128xf32, #tpu.memory_space<vmem>>, vector<2000x128xf32>,
    %swap3A_22 = arith.constant 0 : index
    %swap3A_23 = arith.constant 0 : index
    %swap3A_24 = vector.load %arg5[%swap3A_22, %swap3A_23] : memref<2000x1xf32, #tpu.memory_space<vmem>>, vector<2000x1xf32>
    tpu.vector_store %arg5[%swap3A_22, %swap3A_23], %rsqrt3A {strides = array<i32>} : memref<2000x1xf32, #tpu.memory_space<vmem>>, vector<2000x1xf32>,
    %max3A = arith.constant 1.000000e+00 : f32
    %max3A_25 = vector.broadcast %max3A : f32 to vector<2000x1xf32>
    %max3A_26 = arith.maximumf %add3A, %max3A_25 : vector<2000x1xf32>
    %div3A = arith.constant 1.000000e+00 : f32
    %div3A_27 = vector.broadcast %div3A : f32 to vector<2000x1xf32>
    %div3A_28 = arith.divf %div3A_27, %max3A_26 : vector<2000x1xf32>
    %swap3A_29 = arith.constant 0 : index
    %swap3A_30 = arith.constant 0 : index
    %swap3A_31 = vector.load %arg6[%swap3A_29, %swap3A_30] : memref<2000x1xf32, #tpu.memory_space<vmem>>, vector<2000x1xf32>
    tpu.vector_store %arg6[%swap3A_29, %swap3A_30], %div3A_28 {strides = array<i32>} : memref<2000x1xf32, #tpu.memory_space<vmem>>, vector<2000x1xf32>,
    return
  }
  func.func @transform_0(%arg0: i32) -> (i32, i32) {
    %c0_i32 = arith.constant 0 : i32
    %c0_i32_0 = arith.constant 0 : i32
    return %arg0, %c0_i32 : i32, i32
  }
  func.func @transform_1(%arg0: i32) -> (i32, i32) {
    %c0_i32 = arith.constant 0 : i32
    %c0_i32_0 = arith.constant 0 : i32
    %c0_i32_1 = arith.constant 0 : i32
    return %c0_i32, %c0_i32_0 : i32, i32
  }
  func.func @transform_2(%arg0: i32) -> (i32, i32, i32) {
    %c0_i32 = arith.constant 0 : i32
    %c0_i32_0 = arith.constant 0 : i32
    %c0_i32_1 = arith.constant 0 : i32
    return %c0_i32, %arg0, %c0_i32_0 : i32, i32, i32
  }
  func.func @transform_3(%arg0: i32) -> (i32, i32) {
    %c0_i32 = arith.constant 0 : i32
    %c0_i32_0 = arith.constant 0 : i32
    return %arg0, %c0_i32 : i32, i32
  }
  func.func @transform_4(%arg0: i32) -> (i32, i32) {
    %c0_i32 = arith.constant 0 : i32
    %c0_i32_0 = arith.constant 0 : i32
    return %arg0, %c0_i32 : i32, i32
  }
  func.func @transform_5(%arg0: i32) -> (i32, i32) {
    %c0_i32 = arith.constant 0 : i32
    %c0_i32_0 = arith.constant 0 : i32
    return %arg0, %c0_i32 : i32, i32
  }
}

module attributes {stable_mosaic.version = 14 : i64} {
  func.func @_k4_body(%arg0: i32, %arg1: memref<2x2000x128xf32, #tpu.memory_space<vmem>>, %arg2: memref<2000x128xf32, #tpu.memory_space<vmem>>, %arg3: memref<2000x1xf32, #tpu.memory_space<vmem>>, %arg4: memref<1x128xf32, #tpu.memory_space<vmem>>, %arg5: memref<128x128xf32, #tpu.memory_space<vmem>>, %arg6: memref<1x128xf32, #tpu.memory_space<vmem>>, %arg7: memref<2000x128xf32, #tpu.memory_space<vmem>>, %arg8: memref<2000x128xf32, #tpu.memory_space<vmem>>) attributes {dimension_semantics = [#tpu.dimension_semantics<arbitrary>], iteration_bounds = array<i64: 5>, scalar_prefetch = 0 : i64, scratch_operands = 0 : i64, tpu.core_type = #tpu.core_type<tc>, window_params = [{transform_indices = @transform_0, window_bounds = array<i64: 2, 2000, 128>}, {transform_indices = @transform_1, window_bounds = array<i64: 2000, 128>}, {transform_indices = @transform_2, window_bounds = array<i64: 2000, 1>}, {pipeline_mode = #tpu.pipeline_mode<synchronous>, transform_indices = @transform_3, window_bounds = array<i64: 1, 128>}, {pipeline_mode = #tpu.pipeline_mode<synchronous>, transform_indices = @transform_4, window_bounds = array<i64: 128, 128>}, {pipeline_mode = #tpu.pipeline_mode<synchronous>, transform_indices = @transform_5, window_bounds = array<i64: 1, 128>}, {transform_indices = @transform_6, window_bounds = array<i64: 2000, 128>}, {transform_indices = @transform_7, window_bounds = array<i64: 2000, 128>}]} {
    %get3A = arith.constant 0 : index
    %get3A_0 = arith.constant 0 : index
    %get3A_1 = arith.constant 0 : index
    %get3A_2 = vector.load %arg1[%get3A, %get3A_0, %get3A_1] : memref<2x2000x128xf32, #tpu.memory_space<vmem>>, vector<1x2000x128xf32>
    %get3A_3 = vector.shape_cast %get3A_2 : vector<1x2000x128xf32> to vector<2000x128xf32>
    %get3A_4 = arith.constant 1 : index
    %get3A_5 = arith.constant 0 : index
    %get3A_6 = arith.constant 0 : index
    %get3A_7 = vector.load %arg1[%get3A_4, %get3A_5, %get3A_6] : memref<2x2000x128xf32, #tpu.memory_space<vmem>>, vector<1x2000x128xf32>
    %get3A_8 = vector.shape_cast %get3A_7 : vector<1x2000x128xf32> to vector<2000x128xf32>
    %add3A = arith.addf %get3A_3, %get3A_8 : vector<2000x128xf32>
    %get3A_9 = arith.constant 0 : index
    %get3A_10 = arith.constant 0 : index
    %get3A_11 = vector.load %arg2[%get3A_9, %get3A_10] : memref<2000x128xf32, #tpu.memory_space<vmem>>, vector<2000x128xf32>
    %add3A_12 = arith.addf %add3A, %get3A_11 : vector<2000x128xf32>
    %get3A_13 = arith.constant 0 : index
    %get3A_14 = arith.constant 0 : index
    %get3A_15 = vector.load %arg3[%get3A_13, %get3A_14] : memref<2000x1xf32, #tpu.memory_space<vmem>>, vector<2000x1xf32>
    %mul3A = vector.broadcast %get3A_15 : vector<2000x1xf32> to vector<2000x128xf32>
    %mul3A_16 = arith.mulf %add3A_12, %mul3A : vector<2000x128xf32>
    %get3A_17 = arith.constant 0 : index
    %get3A_18 = arith.constant 0 : index
    %get3A_19 = vector.load %arg4[%get3A_17, %get3A_18] : memref<1x128xf32, #tpu.memory_space<vmem>>, vector<1x128xf32>
    %add3A_20 = vector.broadcast %get3A_19 : vector<1x128xf32> to vector<2000x128xf32>
    %add3A_21 = arith.addf %mul3A_16, %add3A_20 : vector<2000x128xf32>
    %max3A = arith.constant 0.000000e+00 : f32
    %max3A_22 = vector.broadcast %max3A : f32 to vector<2000x128xf32>
    %max3A_23 = arith.maximumf %add3A_21, %max3A_22 : vector<2000x128xf32>
    %swap3A = arith.constant 0 : index
    %swap3A_24 = arith.constant 0 : index
    %swap3A_25 = vector.load %arg7[%swap3A, %swap3A_24] : memref<2000x128xf32, #tpu.memory_space<vmem>>, vector<2000x128xf32>
    tpu.vector_store %arg7[%swap3A, %swap3A_24], %max3A_23 {strides = array<i32>} : memref<2000x128xf32, #tpu.memory_space<vmem>>, vector<2000x128xf32>,
    %get3A_26 = arith.constant 0 : index
    %get3A_27 = arith.constant 0 : index
    %get3A_28 = vector.load %arg5[%get3A_26, %get3A_27] : memref<128x128xf32, #tpu.memory_space<vmem>>, vector<128x128xf32>
    %dot_general3A = arith.constant dense<0.000000e+00> : vector<2000x128xf32>
    %dot_general3A_29 = tpu.matmul %max3A_23, %get3A_28, %dot_general3A {dimension_numbers = #tpu.dot_dimension_numbers<[1], [0], [0], [1], [0, 0, 1, 1], [], []>, transpose_lhs_hint = false} : vector<2000x128xf32>, vector<128x128xf32>, vector<2000x128xf32> -> vector<2000x128xf32>
    %get3A_30 = arith.constant 0 : index
    %get3A_31 = arith.constant 0 : index
    %get3A_32 = vector.load %arg6[%get3A_30, %get3A_31] : memref<1x128xf32, #tpu.memory_space<vmem>>, vector<1x128xf32>
    %add3A_33 = vector.broadcast %get3A_32 : vector<1x128xf32> to vector<2000x128xf32>
    %add3A_34 = arith.addf %dot_general3A_29, %add3A_33 : vector<2000x128xf32>
    %swap3A_35 = arith.constant 0 : index
    %swap3A_36 = arith.constant 0 : index
    %swap3A_37 = vector.load %arg8[%swap3A_35, %swap3A_36] : memref<2000x128xf32, #tpu.memory_space<vmem>>, vector<2000x128xf32>
    tpu.vector_store %arg8[%swap3A_35, %swap3A_36], %add3A_34 {strides = array<i32>} : memref<2000x128xf32, #tpu.memory_space<vmem>>, vector<2000x128xf32>,
    return
  }
  func.func @transform_0(%arg0: i32) -> (i32, i32, i32) {
    %c0_i32 = arith.constant 0 : i32
    %c0_i32_0 = arith.constant 0 : i32
    %c0_i32_1 = arith.constant 0 : i32
    return %c0_i32, %arg0, %c0_i32_0 : i32, i32, i32
  }
  func.func @transform_1(%arg0: i32) -> (i32, i32) {
    %c0_i32 = arith.constant 0 : i32
    %c0_i32_0 = arith.constant 0 : i32
    return %arg0, %c0_i32 : i32, i32
  }
  func.func @transform_2(%arg0: i32) -> (i32, i32) {
    %c0_i32 = arith.constant 0 : i32
    %c0_i32_0 = arith.constant 0 : i32
    return %arg0, %c0_i32 : i32, i32
  }
  func.func @transform_3(%arg0: i32) -> (i32, i32) {
    %c0_i32 = arith.constant 0 : i32
    %c0_i32_0 = arith.constant 0 : i32
    %c0_i32_1 = arith.constant 0 : i32
    return %c0_i32, %c0_i32_0 : i32, i32
  }
  func.func @transform_4(%arg0: i32) -> (i32, i32) {
    %c0_i32 = arith.constant 0 : i32
    %c0_i32_0 = arith.constant 0 : i32
    %c0_i32_1 = arith.constant 0 : i32
    return %c0_i32, %c0_i32_0 : i32, i32
  }
  func.func @transform_5(%arg0: i32) -> (i32, i32) {
    %c0_i32 = arith.constant 0 : i32
    %c0_i32_0 = arith.constant 0 : i32
    %c0_i32_1 = arith.constant 0 : i32
    return %c0_i32, %c0_i32_0 : i32, i32
  }
  func.func @transform_6(%arg0: i32) -> (i32, i32) {
    %c0_i32 = arith.constant 0 : i32
    %c0_i32_0 = arith.constant 0 : i32
    return %arg0, %c0_i32 : i32, i32
  }
  func.func @transform_7(%arg0: i32) -> (i32, i32) {
    %c0_i32 = arith.constant 0 : i32
    %c0_i32_0 = arith.constant 0 : i32
    return %arg0, %c0_i32 : i32, i32
  }
}

module attributes {stable_mosaic.version = 14 : i64} {
  func.func @_k6_body(%arg0: i32, %arg1: memref<2x2000x128xf32, #tpu.memory_space<vmem>>, %arg2: memref<2000x1xf32, #tpu.memory_space<vmem>>, %arg3: memref<2000x128xf32, #tpu.memory_space<vmem>>, %arg4: memref<128x128xf32, #tpu.memory_space<vmem>>, %arg5: memref<1x1x2000xi32, #tpu.memory_space<vmem>>, %arg6: memref<128x128xf32, #tpu.memory_space<vmem>>, %arg7: memref<1x128xf32, #tpu.memory_space<vmem>>, %arg8: memref<128x3xf32, #tpu.memory_space<vmem>>, %arg9: memref<1x3xf32, #tpu.memory_space<vmem>>, %arg10: memref<32x3xf32, #tpu.memory_space<vmem>>, %arg11: memref<32x128xf32, #tpu.memory_space<vmem>>) attributes {dimension_semantics = [#tpu.dimension_semantics<arbitrary>], iteration_bounds = array<i64: 5>, scalar_prefetch = 0 : i64, scratch_operands = 1 : i64, tpu.core_type = #tpu.core_type<tc>, window_params = [{transform_indices = @transform_0, window_bounds = array<i64: 2, 2000, 128>}, {transform_indices = @transform_1, window_bounds = array<i64: 2000, 1>}, {transform_indices = @transform_2, window_bounds = array<i64: 2000, 128>}, {pipeline_mode = #tpu.pipeline_mode<synchronous>, transform_indices = @transform_3, window_bounds = array<i64: 128, 128>}, {transform_indices = @transform_4, window_bounds = array<i64: 1, 1, 2000>}, {pipeline_mode = #tpu.pipeline_mode<synchronous>, transform_indices = @transform_5, window_bounds = array<i64: 128, 128>}, {pipeline_mode = #tpu.pipeline_mode<synchronous>, transform_indices = @transform_6, window_bounds = array<i64: 1, 128>}, {pipeline_mode = #tpu.pipeline_mode<synchronous>, transform_indices = @transform_7, window_bounds = array<i64: 128, 3>}, {pipeline_mode = #tpu.pipeline_mode<synchronous>, transform_indices = @transform_8, window_bounds = array<i64: 1, 3>}, {pipeline_mode = #tpu.pipeline_mode<synchronous>, transform_indices = @transform_9, window_bounds = array<i64: 32, 3>}]} {
    %get3A = arith.constant 0 : index
    %get3A_0 = arith.constant 0 : index
    %get3A_1 = arith.constant 0 : index
    %get3A_2 = vector.load %arg1[%get3A, %get3A_0, %get3A_1] : memref<2x2000x128xf32, #tpu.memory_space<vmem>>, vector<1x2000x128xf32>
    %get3A_3 = vector.shape_cast %get3A_2 : vector<1x2000x128xf32> to vector<2000x128xf32>
    %get3A_4 = arith.constant 1 : index
    %get3A_5 = arith.constant 0 : index
    %get3A_6 = arith.constant 0 : index
    %get3A_7 = vector.load %arg1[%get3A_4, %get3A_5, %get3A_6] : memref<2x2000x128xf32, #tpu.memory_space<vmem>>, vector<1x2000x128xf32>
    %get3A_8 = vector.shape_cast %get3A_7 : vector<1x2000x128xf32> to vector<2000x128xf32>
    %add3A = arith.addf %get3A_3, %get3A_8 : vector<2000x128xf32>
    %get3A_9 = arith.constant 0 : index
    %get3A_10 = arith.constant 0 : index
    %get3A_11 = vector.load %arg2[%get3A_9, %get3A_10] : memref<2000x1xf32, #tpu.memory_space<vmem>>, vector<2000x1xf32>
    %mul3A = vector.broadcast %get3A_11 : vector<2000x1xf32> to vector<2000x128xf32>
    %mul3A_12 = arith.mulf %add3A, %mul3A : vector<2000x128xf32>
    %get3A_13 = arith.constant 0 : index
    %get3A_14 = arith.constant 0 : index
    %get3A_15 = vector.load %arg4[%get3A_13, %get3A_14] : memref<128x128xf32, #tpu.memory_space<vmem>>, vector<128x128xf32>
    %dot_general3A = arith.constant dense<0.000000e+00> : vector<2000x128xf32>
    %dot_general3A_16 = tpu.matmul %mul3A_12, %get3A_15, %dot_general3A {dimension_numbers = #tpu.dot_dimension_numbers<[1], [0], [0], [1], [0, 0, 1, 1], [], []>, transpose_lhs_hint = false} : vector<2000x128xf32>, vector<128x128xf32>, vector<2000x128xf32> -> vector<2000x128xf32>
    %get3A_17 = arith.constant 0 : index
    %get3A_18 = arith.constant 0 : index
    %get3A_19 = vector.load %arg3[%get3A_17, %get3A_18] : memref<2000x128xf32, #tpu.memory_space<vmem>>, vector<2000x128xf32>
    %add3A_20 = arith.addf %dot_general3A_16, %get3A_19 : vector<2000x128xf32>
    %max3A = arith.constant 0.000000e+00 : f32
    %max3A_21 = vector.broadcast %max3A : f32 to vector<2000x128xf32>
    %max3A_22 = arith.maximumf %add3A_20, %max3A_21 : vector<2000x128xf32>
    %get3A_23 = arith.constant 0 : index
    %get3A_24 = arith.constant 0 : index
    %get3A_25 = arith.constant 0 : index
    %get3A_26 = vector.load %arg5[%get3A_23, %get3A_24, %get3A_25] : memref<1x1x2000xi32, #tpu.memory_space<vmem>>, vector<1x1x2000xi32>
    %get3A_27 = vector.shape_cast %get3A_26 : vector<1x1x2000xi32> to vector<1x2000xi32>
    %iota3A = tpu.iota {dimensions = array<i32: 0>} : vector<32x2000xi32>
    %eq3A = vector.broadcast %get3A_27 : vector<1x2000xi32> to vector<32x2000xi32>
    %eq3A_28 = arith.cmpi eq, %iota3A, %eq3A : vector<32x2000xi32>
    %convert_element_type3A = arith.extui %eq3A_28 : vector<32x2000xi1> to vector<32x2000xi32>
    %convert_element_type3A_29 = arith.sitofp %convert_element_type3A : vector<32x2000xi32> to vector<32x2000xf32>
    %dot_general3A_30 = arith.constant dense<0.000000e+00> : vector<32x128xf32>
    %dot_general3A_31 = tpu.matmul %convert_element_type3A_29, %max3A_22, %dot_general3A_30 {dimension_numbers = #tpu.dot_dimension_numbers<[1], [0], [0], [1], [0, 0, 1, 1], [], []>, transpose_lhs_hint = false} : vector<32x2000xf32>, vector<2000x128xf32>, vector<32x128xf32> -> vector<32x128xf32>
    %eq3A_32 = arith.constant 0 : i32
    %eq3A_33 = arith.cmpi eq, %arg0, %eq3A_32 : i32
    %convert_element_type3A_34 = arith.extui %eq3A_33 : i1 to i32
    %cond3A = arith.constant 0 : i32
    %cond3A_35 = arith.cmpi ne, %convert_element_type3A_34, %cond3A : i32
    scf.if %cond3A_35 {
      %broadcast_in_dim3A = arith.constant 0.000000e+00 : f32
      %broadcast_in_dim3A_47 = vector.broadcast %broadcast_in_dim3A : f32 to vector<32x128xf32>
      %swap3A_48 = arith.constant 0 : index
      %swap3A_49 = arith.constant 0 : index
      %swap3A_50 = vector.load %arg11[%swap3A_48, %swap3A_49] : memref<32x128xf32, #tpu.memory_space<vmem>>, vector<32x128xf32>
      tpu.vector_store %arg11[%swap3A_48, %swap3A_49], %broadcast_in_dim3A_47 {strides = array<i32>} : memref<32x128xf32, #tpu.memory_space<vmem>>, vector<32x128xf32>,
    } else {
    }
    %get3A_36 = arith.constant 0 : index
    %get3A_37 = arith.constant 0 : index
    %get3A_38 = vector.load %arg11[%get3A_36, %get3A_37] : memref<32x128xf32, #tpu.memory_space<vmem>>, vector<32x128xf32>
    %add3A_39 = arith.addf %get3A_38, %dot_general3A_31 : vector<32x128xf32>
    %swap3A = arith.constant 0 : index
    %swap3A_40 = arith.constant 0 : index
    %swap3A_41 = vector.load %arg11[%swap3A, %swap3A_40] : memref<32x128xf32, #tpu.memory_space<vmem>>, vector<32x128xf32>
    tpu.vector_store %arg11[%swap3A, %swap3A_40], %add3A_39 {strides = array<i32>} : memref<32x128xf32, #tpu.memory_space<vmem>>, vector<32x128xf32>,
    %eq3A_42 = arith.constant 4 : i32
    %eq3A_43 = arith.cmpi eq, %arg0, %eq3A_42 : i32
    %convert_element_type3A_44 = arith.extui %eq3A_43 : i1 to i32
    %cond3A_45 = arith.constant 0 : i32
    %cond3A_46 = arith.cmpi ne, %convert_element_type3A_44, %cond3A_45 : i32
    scf.if %cond3A_46 {
      %get3A_47 = arith.constant 0 : index
      %get3A_48 = arith.constant 0 : index
      %get3A_49 = vector.load %arg11[%get3A_47, %get3A_48] : memref<32x128xf32, #tpu.memory_space<vmem>>, vector<32x128xf32>
      %get3A_50 = arith.constant 0 : index
      %get3A_51 = arith.constant 0 : index
      %get3A_52 = vector.load %arg6[%get3A_50, %get3A_51] : memref<128x128xf32, #tpu.memory_space<vmem>>, vector<128x128xf32>
      %dot_general3A_53 = arith.constant dense<0.000000e+00> : vector<32x128xf32>
      %dot_general3A_54 = tpu.matmul %get3A_49, %get3A_52, %dot_general3A_53 {dimension_numbers = #tpu.dot_dimension_numbers<[1], [0], [0], [1], [0, 0, 1, 1], [], []>, transpose_lhs_hint = false} : vector<32x128xf32>, vector<128x128xf32>, vector<32x128xf32> -> vector<32x128xf32>
      %get3A_55 = arith.constant 0 : index
      %get3A_56 = arith.constant 0 : index
      %get3A_57 = vector.load %arg7[%get3A_55, %get3A_56] : memref<1x128xf32, #tpu.memory_space<vmem>>, vector<1x128xf32>
      %add3A_58 = vector.broadcast %get3A_57 : vector<1x128xf32> to vector<32x128xf32>
      %add3A_59 = arith.addf %dot_general3A_54, %add3A_58 : vector<32x128xf32>
      %max3A_60 = arith.constant 0.000000e+00 : f32
      %max3A_61 = vector.broadcast %max3A_60 : f32 to vector<32x128xf32>
      %max3A_62 = arith.maximumf %add3A_59, %max3A_61 : vector<32x128xf32>
      %get3A_63 = arith.constant 0 : index
      %get3A_64 = arith.constant 0 : index
      %get3A_65 = vector.load %arg8[%get3A_63, %get3A_64] : memref<128x3xf32, #tpu.memory_space<vmem>>, vector<128x3xf32>
      %dot_general3A_66 = arith.constant dense<0.000000e+00> : vector<32x3xf32>
      %dot_general3A_67 = tpu.matmul %max3A_62, %get3A_65, %dot_general3A_66 {dimension_numbers = #tpu.dot_dimension_numbers<[1], [0], [0], [1], [0, 0, 1, 1], [], []>, transpose_lhs_hint = false} : vector<32x128xf32>, vector<128x3xf32>, vector<32x3xf32> -> vector<32x3xf32>
      %get3A_68 = arith.constant 0 : index
      %get3A_69 = arith.constant 0 : index
      %get3A_70 = vector.load %arg9[%get3A_68, %get3A_69] : memref<1x3xf32, #tpu.memory_space<vmem>>, vector<1x3xf32>
      %add3A_71 = vector.broadcast %get3A_70 : vector<1x3xf32> to vector<32x3xf32>
      %add3A_72 = arith.addf %dot_general3A_67, %add3A_71 : vector<32x3xf32>
      %swap3A_73 = arith.constant 0 : index
      %swap3A_74 = arith.constant 0 : index
      %swap3A_75 = vector.load %arg10[%swap3A_73, %swap3A_74] : memref<32x3xf32, #tpu.memory_space<vmem>>, vector<32x3xf32>
      tpu.vector_store %arg10[%swap3A_73, %swap3A_74], %add3A_72 {strides = array<i32>} : memref<32x3xf32, #tpu.memory_space<vmem>>, vector<32x3xf32>,
    } else {
    }
    return
  }
  func.func @transform_0(%arg0: i32) -> (i32, i32, i32) {
    %c0_i32 = arith.constant 0 : i32
    %c0_i32_0 = arith.constant 0 : i32
    %c0_i32_1 = arith.constant 0 : i32
    return %c0_i32, %arg0, %c0_i32_0 : i32, i32, i32
  }
  func.func @transform_1(%arg0: i32) -> (i32, i32) {
    %c0_i32 = arith.constant 0 : i32
    %c0_i32_0 = arith.constant 0 : i32
    return %arg0, %c0_i32 : i32, i32
  }
  func.func @transform_2(%arg0: i32) -> (i32, i32) {
    %c0_i32 = arith.constant 0 : i32
    %c0_i32_0 = arith.constant 0 : i32
    return %arg0, %c0_i32 : i32, i32
  }
  func.func @transform_3(%arg0: i32) -> (i32, i32) {
    %c0_i32 = arith.constant 0 : i32
    %c0_i32_0 = arith.constant 0 : i32
    %c0_i32_1 = arith.constant 0 : i32
    return %c0_i32, %c0_i32_0 : i32, i32
  }
  func.func @transform_4(%arg0: i32) -> (i32, i32, i32) {
    %c0_i32 = arith.constant 0 : i32
    %c0_i32_0 = arith.constant 0 : i32
    %c0_i32_1 = arith.constant 0 : i32
    return %arg0, %c0_i32, %c0_i32_0 : i32, i32, i32
  }
  func.func @transform_5(%arg0: i32) -> (i32, i32) {
    %c0_i32 = arith.constant 0 : i32
    %c0_i32_0 = arith.constant 0 : i32
    %c0_i32_1 = arith.constant 0 : i32
    return %c0_i32, %c0_i32_0 : i32, i32
  }
  func.func @transform_6(%arg0: i32) -> (i32, i32) {
    %c0_i32 = arith.constant 0 : i32
    %c0_i32_0 = arith.constant 0 : i32
    %c0_i32_1 = arith.constant 0 : i32
    return %c0_i32, %c0_i32_0 : i32, i32
  }
  func.func @transform_7(%arg0: i32) -> (i32, i32) {
    %c0_i32 = arith.constant 0 : i32
    %c0_i32_0 = arith.constant 0 : i32
    %c0_i32_1 = arith.constant 0 : i32
    return %c0_i32, %c0_i32_0 : i32, i32
  }
  func.func @transform_8(%arg0: i32) -> (i32, i32) {
    %c0_i32 = arith.constant 0 : i32
    %c0_i32_0 = arith.constant 0 : i32
    %c0_i32_1 = arith.constant 0 : i32
    return %c0_i32, %c0_i32_0 : i32, i32
  }
  func.func @transform_9(%arg0: i32) -> (i32, i32) {
    %c0_i32 = arith.constant 0 : i32
    %c0_i32_0 = arith.constant 0 : i32
    %c0_i32_1 = arith.constant 0 : i32
    return %c0_i32, %c0_i32_0 : i32, i32
  }
}

</mosaic_0001>

<sc_bundles>
// kernel: kernel.11.cloned.1.call-start
scs
__scs_entry_jumppad:
0x0: {  	(pc) =	sbr.rel $0x88, $3  }
0x1: {  	(tag) =	ssettag $0x0;
	lr =	simm.s32 $0x1  }
0x2: {  	[smem:$0x3F95] =	sst lr;
	_ =	strace $0xD0000000  }
0x3: {  	_ = 	snop  }
0x4: {  	_ = 	snop  }
0x5: {  	_ = 	snop  }
0x6: {  	_ = 	snop  }
0x7: {  	_ = 	snop  }
__scs_overlays_trampoline_lowered:
0x8: {  	[smem:$0x3FA4] =	sst s0  }
0x9: {  	[smem:$0x3FA5] =	sst s1  }
0xa: {  	[smem:$0x3FA6] =	sst s2  }
0xb: {  	[smem:$0x3FA7] =	sst s3  }
0xc: {  	[smem:$0x3FA8] =	sst s4  }
0xd: {  	[smem:$0x3FA9] =	sst s5  }
0xe: {  	[smem:$0x3FAA] =	sst s6  }
0xf: {  	[smem:$0x3FAB] =	sst s7  }
0x10: {  	[smem:$0x3FAC] =	sst s8  }
0x11: {  	[smem:$0x3FAD] =	sst s9;
	s0 =	simm.s32 @!p0 $0x0  }
0x12: {  	s1 =	sld [smem:$0x3F93];
	s0 =	simm.s32 @p0 $0x1  }
0x13: {  	[smem:$0x3FAE] =	sst s0;
	s0 =	simm.s32 @!p1 $0x0  }
0x14: {  	s2 =	sld [smem:$0x3F92];
	s0 =	simm.s32 @p1 $0x1  }
0x15: {  	[smem:$0x3FAF] =	sst s0;
	s0 =	simm.s32 @!p2 $0x0  }
0x16: {  	s3 =	sld [smem:$0x3FDB];
	s0 =	simm.s32 @p2 $0x1  }
0x17: {  	s4 =	simm.s32 $0x1BF5;
	[smem:$0x3FB1] =	sst s0  }
0x18: {  	s0 =	sld [smem:$0x3F94];
	_ =	swait.ge [sflag:s4], $0x0  }
0x19: {  	s7 =	sld [smem:$0x3F95]  }
0x1a: {  	s8 =	sadd.s32 $0xFFFFE003, lr  }
0x1b: {  	s9 =	sadd.s32 $0xFFFFFEF7, lr;
	s5 =	simm.s32 $0xFFFFFFFF;
	p2 =	slt.u32 s8, $0xFFFFF086  }
0x1c: {  	p1 =	slt.u32 s9, $0xF7A;
	s5 =	simm.s32 @!p2 $0x0  }
0x1d: {  	s5 =	simm.s32 @p1 $0x1;
	p0 =	seq.s32 s7, s2  }
0x1e: {  	s7 =	smul.u32 @!p0 $0xF7A, s2;
	p2 =	seq.s32 @!p0 s5, $0x0  }
0x1f: {  	s9 =	smul.u32 $0xF7A, s1;
	s8 =	simm.s32 @!p0 $0x1BF5;
	p2 =	por !p2, p0  }
0x20: {  	[sflag:s8] =	ssyncset.s32 @!p0 $0xFFFFF086;
	s6 =	sadd.s32 @!p0 s3, s7;
	s7 =	simm.s32 @!p0 $0x108  }
0x21: {  	s3 =	sadd.s32 s3, s9;
	s6 =	sadd.s32 @!p0 $0x88, s6;
	s7 =	simm.s32 @p2 $0x1082  }
0x22: {  	[simem:s7], [sflag:s8] =	dma.local @!p0 [hbm:s6], $0xF7A  }
0x23: {  	s9 =	sor.u32 $0xD0000000, s2;
	s6 =	simm.s32 $0x108;
	_ =	swait.ge @!p0 [sflag:s8], $0x0  }
0x24: {  	s3 =	sadd.s32 $0x88, s3;
	s6 =	simm.s32 @!p1 $0x1082;
	[sflag:s4] =	ssyncset.s32 $0xFFFFF086  }
0x25: {  	[simem:s6], [sflag:s4] =	dma.local [hbm:s3], $0xF7A  }
0x26: {  	[smem:$0x3F95] =	sst s1;
	(tag) =	ssettag s2;
	_ =	strace s9  }
0x27: {  	s1 =	sld [smem:$0x3FA5]  }
0x28: {  	s2 =	sld [smem:$0x3FA6]  }
0x29: {  	s4 =	sld [smem:$0x3FA8]  }
0x2a: {  	p0 =	seq.s32 s5, $0x0;
	s5 =	sld [smem:$0x3FA9]  }
0x2b: {  	s6 =	sld [smem:$0x3FAA]  }
0x2c: {  	s7 =	sld [smem:$0x3FAB]  }
0x2d: {  	s3 =	simm.s32 $0x108;
	s8 =	sld [smem:$0x3FAC]  }
0x2e: {  	s3 =	simm.s32 @!p0 $0x1082;
	s9 =	sld [smem:$0x3FAD]  }
0x2f: {  	lr =	sadd.s32 s0, s3;
	s0 =	sld [smem:$0x3FA4]  }
0x30: {  	s3 =	sld [smem:$0x3FA7]  }
0x31: {  	[smem:$0x3FB0] =	sst s10  }
0x32: {  	s10 =	sld [smem:$0x3FAE];
	_ =	sdelay $0x3  }
0x33: {  	p0 =	seq.s32 s10, $0x1;
	s10 =	sld [smem:$0x3FB0];
	_ =	sdelay $0x3  }
0x34: {  	[smem:$0x3FB0] =	sst s10  }
0x35: {  	s10 =	sld [smem:$0x3FAF];
	_ =	sdelay $0x3  }
0x36: {  	p1 =	seq.s32 s10, $0x1;
	s10 =	sld [smem:$0x3FB0];
	_ =	sdelay $0x3  }
0x37: {  	[smem:$0x3FB0] =	sst s10  }
0x38: {  	s10 =	sld [smem:$0x3FB1]  }
0x39: {  	_ = 	snop;
	(pc) =	sbr.ind lr, $3  }
0x3a: {  	_ = 	snop  }
0x3b: {  	_ = 	snop  }
0x3c: {  	p2 =	seq.s32 s10, $0x1;
	s10 =	sld [smem:$0x3FB0]  }
0x3d: {  	_ =	shalt  }
0x3e: {  	_ =	shalt  }
0x3f: {  	_ =	shalt  }
0x40: {  	_ =	shalt  }
0x41: {  	_ =	shalt  }
0x42: {  	_ =	shalt  }
0x43: {  	_ =	shalt  }
0x44: {  	_ =	shalt  }
0x45: {  	_ =	shalt  }
0x46: {  	_ =	shalt  }
0x47: {  	_ =	shalt  }
0x48: {  	_ =	shalt  }
0x49: {  	_ =	shalt  }
0x4a: {  	_ =	shalt  }
0x4b: {  	_ =	shalt  }
0x4c: {  	_ =	shalt  }
0x4d: {  	_ =	shalt  }
0x4e: {  	_ =	shalt  }
0x4f: {  	_ =	shalt  }
0x50: {  	_ =	shalt  }
0x51: {  	_ =	shalt  }
0x52: {  	_ =	shalt  }
0x53: {  	_ =	shalt  }
0x54: {  	_ =	shalt  }
0x55: {  	_ =	shalt  }
0x56: {  	_ =	shalt  }
0x57: {  	_ =	shalt  }
0x58: {  	_ =	shalt  }
0x59: {  	_ =	shalt  }
0x5a: {  	_ =	shalt  }
0x5b: {  	_ =	shalt  }
0x5c: {  	_ =	shalt  }
0x5d: {  	_ =	shalt  }
0x5e: {  	_ =	shalt  }
0x5f: {  	_ =	shalt  }
0x60: {  	_ =	shalt  }
0x61: {  	_ =	shalt  }
0x62: {  	_ =	shalt  }
0x63: {  	_ =	shalt  }
0x64: {  	_ =	shalt  }
0x65: {  	_ =	shalt  }
0x66: {  	_ =	shalt  }
0x67: {  	_ =	shalt  }
0x68: {  	_ =	shalt  }
0x69: {  	_ =	shalt  }
0x6a: {  	_ =	shalt  }
0x6b: {  	_ =	shalt  }
0x6c: {  	_ =	shalt  }
0x6d: {  	_ =	shalt  }
0x6e: {  	_ =	shalt  }
0x6f: {  	_ =	shalt  }
0x70: {  	_ =	shalt  }
0x71: {  	_ =	shalt  }
0x72: {  	_ =	shalt  }
0x73: {  	_ =	shalt  }
0x74: {  	_ =	shalt  }
0x75: {  	_ =	shalt  }
0x76: {  	_ =	shalt  }
0x77: {  	_ =	shalt  }
0x78: {  	_ =	shalt  }
0x79: {  	_ =	shalt  }
0x7a: {  	_ =	shalt  }
0x7b: {  	_ =	shalt  }
0x7c: {  	_ =	shalt  }
0x7d: {  	_ =	shalt  }
0x7e: {  	_ =	shalt  }
0x7f: {  	_ =	shalt  }
0x80: {  	_ =	shalt  }
0x81: {  	_ =	shalt  }
0x82: {  	_ =	shalt  }
0x83: {  	_ =	shalt  }
0x84: {  	_ =	shalt  }
0x85: {  	_ =	shalt  }
0x86: {  	_ =	shalt  }
0x87: {  	_ =	shalt  }
.Lfunc_end0:
.L_simem_size_0:
called_computation.1_lowered:
.L_overlay_start_0:
0x88: {  	s2 =	sld [smem:$0x3FD9]  }
0x89: {  	s3 =	sld [smem:$0x3FFE];
	_ =	sdelay $0x1  }
0x8a: {  	s1 =	srdreg.scid  }
0x8b: {  	s0 =	sand.u32 $0x1, s1  }
0x8c: {  	s16 =	sshll.u32 s0, $0xA;
	s2 =	sadd.s32 s3, s2  }
0x8d: {  	s2 =	sadd.s32 s2, s16  }
0x8e: {  	[smem:$0x3FBC] =	sst s2  }
0x8f: {  	_ = 	snop  }
0x90: {  	(tm) =	ssettm $0x1  }
0x91: {  	s17 =	sld [smem:$0x3FFB];
	_ =	sdelay $0x3  }
0x92: {  	_ =	strace s17  }
0x93: {  	s2 =	sld [smem:$0x3FFC];
	_ =	sdelay $0x3  }
0x94: {  	_ =	strace s2  }
0x95: {  	s2 =	sld [smem:$0x3FFD];
	_ =	sdelay $0x3  }
0x96: {  	_ =	strace s2  }
0x97: {  	_ =	strace $0x8FFFFFFF  }
0x98: {  	s18 =	sld [smem:$0x3FDB];
	_ =	sdelay $0x1  }
0x99: {  	s19 =	simm.s32 $_scs_section_size  }
0x9a: {  	s4 =	simm.s32 $_size__tile_overlayer_lowered;
	s5 =	simm.s32 $_tile_overlayer_lowered  }
0x9b: {  	s22 =	simm.s32 $0x1BFF;
	s21 =	sshll.u32 s5, $0x1;
	s2 =	sadd.s32 s19, s18  }
0x9c: {  	s6 =	simm.s32 $0x0;
	s20 =	sshll.u32 s4, $0x1;
	s4 =	sadd.s32 s21, s2  }
0x9d: {  	[timem:s6], [sflag:s22] =	dma.local [hbm:s4], s20  }
0x9e: {  	_ =	swait.ge [sflag:s22], s20  }
0x9f: {  	s3 =	ssub.s32 $0x0, s20;
	[sflag:s22] =	ssyncset.done $0x0  }
0xa0: {  	[sflag:s22] =	ssyncadd.s32 s3;
	_ =	sdelay $0x1  }
0xa1: {  	s23 =	simm.s32 $0x1B8B  }
0xa2: {  	_ =	swait.ge [sflag:s23], $0x1  }
0xa3: {  	[sflag:s23] =	ssyncset.done $0x0  }
0xa4: {  	s25 =	simm.s32 $0x1B8E;
	s24 =	sld [smem:$0x3FFE];
	[sflag:s23] =	ssyncadd.s32 $0xFFFFFFFF  }
0xa5: {  	s26 =	simm.s32 $execute0_lowered;
	[smem:$0x3FD2] =	sst s25  }
0xa6: {  	s4 =	sshll.u32 s26, $0x1;
	_ =	strace $0x80000049;
	[dreg:$0x1] =	wrdreg $0xFFFFFFFF  }
0xa7: {  	s28 =	simm.s32 $_size_execute0_lowered;
	s2 =	sadd.s32 s2, s4;
	[dreg:$0x0] =	wrdreg $0x0  }
0xa8: {  	s4 =	sshll.u32 s28, $0x1;
	[dreg:$0x2] =	wrdreg s2  }
0xa9: {  	[dreg:$0x3] =	wrdreg s4  }
0xaa: {  	[dreg:$0x4] =	wrdreg $0xC0  }
0xab: {  	_ =	task [dreg:s6], $0x5FFFF  }
0xac: {  	[dreg:$0x1] =	wrdreg $0xFFFFFFFF  }
0xad: {  	[dreg:$0x0] =	wrdreg $0x60  }
0xae: {  	[dreg:$0x2] =	wrdreg s24  }
0xaf: {  	[dreg:$0x3] =	wrdreg $0xA8000  }
0xb0: {  	[dreg:$0x4] =	wrdreg $0x9  }
0xb1: {  	_ =	task.clear_ibuf [dreg:s6], $0x5FFFF;
	_ =	strace $0x90000049  }
0xb2: {  	s29 =	simm.s32 $0x9;
	_ =	strace $0x8000004B  }
0xb3: {  	_ =	swait.ge [sflag:s29], $0x1  }
0xb4: {  	[sflag:s29] =	ssyncadd.s32 $0xFFFFFFFF  }
0xb5: {  	_ =	strace $0x9000004B  }
0xb6: {  	_ =	sfence  }
0xb7: {  	s30 =	sld [smem:$0x0];
	_ =	sdelay $0x2  }
0xb8: {  	s31 =	sshll.u32 s1, $0xD;
	s1 =	sshrl.u32 s1, $0x2  }
0xb9: {  	s3 =	sand.u32 $0x4000, s31;
	s1 =	sadd.s32 s1, s30  }
0xba: {  	s0 =	sor.u32 s3, s0;
	s1 =	sshll.u32 s1, $0x11  }
0xbb: {  	s0 =	sor.u32 s1, s0  }
0xbc: {  	s0 =	sadd.s32 $0x8F2B, s0  }
0xbd: {  	[sflag:s0] =	ssyncadd.remote.s32 $0x1  }
0xbe: {  	_ =	sfence.sel $0xFFFF  }
0xbf: {  	[dreg:$0x0] =	wrdreg $0xFFFFFFFF;
	(pc) =	sbr.abs _section_cstart, $3  }
0xc0: {  	[dreg:$0x1] =	wrdreg $0xFFFFFFFF  }
0xc1: {  	_ =	task.clear_ibuf [dreg:s6], $0x2FFFF;
	_ =	strace $0x9FFFFFFF  }
0xc2: {  	(tm) =	ssettm $0x7FFFFFFF  }
0xc3: {  	_ =	shalt  }
tec
execute0_lowered:
.L_overlay_start_1:
0x0: {  	(tag) =	ssettag $0x1  }
0x1: {  	s5 =	rddreg [dreg:$0x0]  }
0x2: {  	s1 =	rddreg [dreg:$0x1]  }
0x3: {  	s0 =	rddreg [dreg:$0x2];
	s3 =	simm.s32 $0x0;
	s2 =	srdreg.scid  }
0x4: {  	s17 =	simm.s32 $0x3;
	s18 =	simm.s32 $0x1400;
	s19 =	simm.s32 $0x80  }
0x5: {  	s20 =	simm.s32 $0x6800;
	s21 =	simm.s32 $0x1;
	s22 =	simm.s32 $0x2  }
0x6: {  	s23 =	simm.s32 $0x2700;
	[smem:$0x7FF] =	sst s3;
	s6 =	sand.u32 $0x1, s2  }
0x7: {  	s24 =	simm.s32 $0x2780;
	s2 =	stileid.u32;
	s7 =	smul.u32 $0x140000, s6  }
0x8: {  	s12 =	sadd.s32 $0x5DA00, s5;
	s13 =	sadd.s32 $0x3A00, s5;
	s8 =	smul.u32 $0x14000, s2  }
0x9: {  	s31 =	sshll.u32 s6, $0x4;
	s9 =	smul.u32 $0x50000, s2;
	s6 =	ssub.s32 $0x2, s6  }
0xa: {  	s4 =	sadd.s32 $0xDA00, s5;
	_ =	strace $0x8000004A;
	s10 =	sshrl.u32 s6, $0x1  }
0xb: {  	s7 =	sadd.s32 s8, s7;
	s8 =	sor.u32 s2, s31;
	s9 =	sshrl.u32 s9, $0x2  }
0xc: {  	s15 =	ssub.s32 s6, s10;
	s7 =	sshrl.u32 s7, $0x3;
	s8 =	smul.u32 $0x2800, s8  }
0xd: {  	s15 =	smax.u32 s15, $0x1;
	s14 =	sadd.s32 s7, s5;
	s5 =	sadd.s32 s9, s1  }
0xe: {  	s6 =	sadd.s32 $0x4000, s5;
	s7 =	sadd.s32 $0x8000, s5;
	s11 =	sshrl.u32 s8, $0x3  }
0xf: {  	s8 =	sadd.s32 $0xC000, s5;
	s9 =	sadd.s32 $0x10000, s5;
	s14 =	sadd.s32 $0x67A00, s14  }
0x10: {  	s16 =	sadd.s32 $0x280, s11;
	s10 =	sadd.s32 s12, s11;
	s11 =	sadd.s32 s13, s11  }
0x11: {  	v0 =	vimm.f32 $0.0e+00;
	s12 =	sadd.s32 s12, s16;
	s13 =	sadd.s32 s13, s16;
	s16 =	simm.s32 $0x2800  }
.LBB2_1:
0x12: {  	s25 =	simm.s32 $0x0;
	s26 =	simm.s32 $0x200  }
.LBB2_2:
0x13: {  	p0 =	sne.s32 s26, $0xFE00;
	[tilespmem:s25+$0x2870] =	vst v0  }
0x14: {  	[tilespmem:s25+$0x2800] =	vst v0  }
0x15: {  	[tilespmem:s25+$0x2810] =	vst v0  }
.Ltmp0:
0x16: {  	[tilespmem:s25+$0x2820] =	vst v0;
	(pc) =	sbr.rel @p0 .LBB2_2-.Ltmp0, $4  }
0x17: {  	[tilespmem:s25+$0x2830] =	vst v0  }
0x18: {  	[tilespmem:s25+$0x2840] =	vst v0  }
0x19: {  	[tilespmem:s25+$0x2850] =	vst v0  }
0x1a: {  	[tilespmem:s25+$0x2860] =	vst v0;
	s25 =	sshra.s32 s26, $0x2;
	s26 =	sadd.s32 $0x200, s26  }
0x1b: {  	[tilespmem:s25+$0x2870] =	vst v0  }
0x1c: {  	[tilespmem:s25+$0x2800] =	vst v0  }
0x1d: {  	[tilespmem:s25+$0x2810] =	vst v0  }
0x1e: {  	[tilespmem:s25+$0x2820] =	vst v0  }
0x1f: {  	[tilespmem:s25+$0x2830] =	vst v0  }
0x20: {  	[tilespmem:s25+$0x2840] =	vst v0  }
0x21: {  	[tilespmem:s25+$0x2850] =	vst v0  }
0x22: {  	[tilespmem:s25+$0x2860] =	vst v0  }
0x23: {  	[spmem:s5] =	stream.linear.scatter [tilespmem:s16], [sflag:$0x3], $0x4000, $0x38;
	[tilespmem:$0x1E800] =	vst v63  }
0x24: {  	_ =	swait.ge [sflag:s17], $0x4000  }
0x25: {  	[sflag:s17] =	ssyncset.done $0x0  }
0x26: {  	[sflag:s17] =	ssyncadd.s32 $0xFFFFC000  }
0x27: {  	[spmem:s6] =	stream.linear.scatter [tilespmem:s16], [sflag:$0x3], $0x4000, $0x38;
	[tilespmem:$0x1E800] =	vst v63  }
0x28: {  	_ =	swait.ge [sflag:s17], $0x4000  }
0x29: {  	[sflag:s17] =	ssyncset.done $0x0  }
0x2a: {  	[sflag:s17] =	ssyncadd.s32 $0xFFFFC000  }
0x2b: {  	[spmem:s7] =	stream.linear.scatter [tilespmem:s16], [sflag:$0x3], $0x4000, $0x38;
	[tilespmem:$0x1E800] =	vst v63  }
0x2c: {  	_ =	swait.ge [sflag:s17], $0x4000  }
0x2d: {  	[sflag:s17] =	ssyncset.done $0x0  }
0x2e: {  	[sflag:s17] =	ssyncadd.s32 $0xFFFFC000  }
0x2f: {  	[spmem:s8] =	stream.linear.scatter [tilespmem:s16], [sflag:$0x3], $0x4000, $0x38;
	[tilespmem:$0x1E800] =	vst v63  }
0x30: {  	_ =	swait.ge [sflag:s17], $0x4000  }
0x31: {  	[sflag:s17] =	ssyncset.done $0x0  }
0x32: {  	[sflag:s17] =	ssyncadd.s32 $0xFFFFC000  }
0x33: {  	[spmem:s9] =	stream.linear.scatter [tilespmem:s16], [sflag:$0x3], $0x4000, $0x38;
	[tilespmem:$0x1E800] =	vst v63  }
0x34: {  	_ =	swait.ge [sflag:s17], $0x4000  }
0x35: {  	[sflag:s17] =	ssyncset.done $0x0  }
0x36: {  	[sflag:s17] =	ssyncadd.s32 $0xFFFFC000  }
0x37: {  	s28 =	simm.s32 $0x0;
	[bflag:$0x0] =	sbarrier.arrive $0xFFFF  }
0x38: {  	[tilespmem:s28], [sflag:$0x3] =	stream.linear.gather [hbm4b:s10+s28], $0x1400, $0x38;
	[tilespmem:$0x1E800] =	vst v63  }
0x39: {  	_ =	swait.ge [sflag:s17], $0x1400  }
0x3a: {  	[sflag:s17] =	ssyncset.done $0x0  }
0x3b: {  	[sflag:s17] =	ssyncadd.s32 $0xFFFFEC00  }
0x3c: {  	[tilespmem:s18], [sflag:$0x3] =	stream.linear.gather [hbm4b:s11+s28], $0x1400, $0x38;
	[tilespmem:$0x1E800] =	vst v63  }
0x3d: {  	_ =	swait.ge [sflag:s17], $0x1400  }
0x3e: {  	[sflag:s17] =	ssyncset.done $0x0  }
0x3f: {  	[sflag:s17] =	ssyncadd.s32 $0xFFFFEC00  }
0x40: {  	[tilespmem:s16], [sflag:$0x1] =	stream.indirect.gather [hbm4b:s4+s19], $0x80, s28, s19, $0xb8;
	[tilespmem:$0x1E800] =	vst v63  }
0x41: {  	_ = 	snop  }
0x42: {  	[tilespmem:s20], [sflag:$0x2] =	stream.indirect.gather [hbm4b:s4+s19], $0x80, s19, s19, $0xb8;
	[tilespmem:$0x1E800] =	vst v63  }
0x43: {  	_ =	swait.ge [sflag:s21], $0x4000  }
0x44: {  	[sflag:s21] =	ssyncset.done $0x0  }
0x45: {  	s29 =	simm.s32 $0x1400;
	[sflag:s21] =	ssyncadd.s32 $0xFFFFC000  }
0x46: {  	[spmem:s1] =	stream.indirect.scatter.add.f32 [tilespmem:s16], [sflag:$0x3], $0x80, s29, s19, $0xb8;
	[tilespmem:$0x1E800] =	vst v63  }
0x47: {  	_ =	swait.ge [sflag:s17], $0x4000  }
0x48: {  	[sflag:s17] =	ssyncset.done $0x0  }
0x49: {  	s30 =	simm.s32 $0x100;
	[sflag:s17] =	ssyncadd.s32 $0xFFFFC000  }
0x4a: {  	[tilespmem:s16], [sflag:$0x1] =	stream.indirect.gather [hbm4b:s4+s19], $0x80, s30, s19, $0xb8;
	[tilespmem:$0x1E800] =	vst v63  }
0x4b: {  	_ =	swait.ge [sflag:s22], $0x4000  }
0x4c: {  	[sflag:s22] =	ssyncset.done $0x0  }
0x4d: {  	s31 =	simm.s32 $0x1480;
	[sflag:s22] =	ssyncadd.s32 $0xFFFFC000  }
0x4e: {  	[spmem:s1] =	stream.indirect.scatter.add.f32 [tilespmem:s20], [sflag:$0x3], $0x80, s31, s19, $0xb8;
	[tilespmem:$0x1E800] =	vst v63  }
0x4f: {  	_ =	swait.ge [sflag:s17], $0x4000  }
0x50: {  	[sflag:s17] =	ssyncset.done $0x0  }
0x51: {  	s25 =	simm.s32 $0x400;
	s26 =	simm.s32 $0x180;
	[sflag:s17] =	ssyncadd.s32 $0xFFFFC000  }
.LBB2_4:
0x52: {  	[tilespmem:s20], [sflag:$0x2] =	stream.indirect.gather [hbm4b:s4+s19], $0x80, s26, s19, $0xb8;
	[tilespmem:$0x1E800] =	vst v63  }
0x53: {  	s26 =	smov.u32 s25  }
0x54: {  	p0 =	sne.s32 s25, $0x4800;
	s25 =	sadd.s32 $0x400, s25;
	_ =	swait.ge [sflag:s21], $0x4000  }
0x55: {  	s26 =	sshra.s32 s26, $0x2;
	[sflag:s21] =	ssyncset.done $0x0  }
0x56: {  	s28 =	sadd.s32 $0x1400, s26;
	[sflag:s21] =	ssyncadd.s32 $0xFFFFC000  }
0x57: {  	[spmem:s1] =	stream.indirect.scatter.add.f32 [tilespmem:s16], [sflag:$0x3], $0x80, s28, s19, $0xb8;
	[tilespmem:$0x1E800] =	vst v63  }
0x58: {  	_ =	swait.ge [sflag:s17], $0x4000  }
0x59: {  	[sflag:s17] =	ssyncset.done $0x0  }
0x5a: {  	s28 =	sadd.s32 $0x100, s26;
	[sflag:s17] =	ssyncadd.s32 $0xFFFFC000  }
0x5b: {  	[tilespmem:s16], [sflag:$0x1] =	stream.indirect.gather [hbm4b:s4+s19], $0x80, s28, s19, $0xb8;
	[tilespmem:$0x1E800] =	vst v63  }
0x5c: {  	_ =	swait.ge [sflag:s22], $0x4000  }
0x5d: {  	[sflag:s22] =	ssyncset.done $0x0  }
.Ltmp1:
0x5e: {  	s28 =	sadd.s32 $0x1480, s26;
	[sflag:s22] =	ssyncadd.s32 $0xFFFFC000;
	(pc) =	sbr.rel @p0 .LBB2_4-.Ltmp1, $4  }
0x5f: {  	[spmem:s1] =	stream.indirect.scatter.add.f32 [tilespmem:s20], [sflag:$0x3], $0x80, s28, s19, $0xb8;
	[tilespmem:$0x1E800] =	vst v63  }
0x60: {  	_ =	swait.ge [sflag:s17], $0x4000  }
0x61: {  	[sflag:s17] =	ssyncset.done $0x0  }
0x62: {  	s26 =	sadd.s32 $0x180, s26;
	[sflag:s17] =	ssyncadd.s32 $0xFFFFC000  }
0x63: {  	[tilespmem:s20], [sflag:$0x2] =	stream.indirect.gather [hbm4b:s4+s19], $0x80, s26, s19, $0xb8;
	[tilespmem:$0x1E800] =	vst v63  }
0x64: {  	_ =	swait.ge [sflag:s21], $0x4000  }
0x65: {  	[sflag:s21] =	ssyncset.done $0x0  }
0x66: {  	[sflag:s21] =	ssyncadd.s32 $0xFFFFC000  }
0x67: {  	[spmem:s1] =	stream.indirect.scatter.add.f32 [tilespmem:s16], [sflag:$0x3], $0x80, s23, s19, $0xb8;
	[tilespmem:$0x1E800] =	vst v63  }
0x68: {  	_ =	swait.ge [sflag:s17], $0x4000  }
0x69: {  	[sflag:s17] =	ssyncset.done $0x0  }
0x6a: {  	[sflag:s17] =	ssyncadd.s32 $0xFFFFC000  }
0x6b: {  	_ =	swait.ge [sflag:s22], $0x4000  }
0x6c: {  	[sflag:s22] =	ssyncset.done $0x0  }
0x6d: {  	[sflag:s22] =	ssyncadd.s32 $0xFFFFC000  }
0x6e: {  	[spmem:s1] =	stream.indirect.scatter.add.f32 [tilespmem:s20], [sflag:$0x3], $0x80, s24, s19, $0xb8;
	[tilespmem:$0x1E800] =	vst v63  }
0x6f: {  	_ =	swait.ge [sflag:s17], $0x4000  }
0x70: {  	[sflag:s17] =	ssyncset.done $0x0  }
0x71: {  	s25 =	simm.s32 $0x0;
	[sflag:s17] =	ssyncadd.s32 $0xFFFFC000  }
0x72: {  	[tilespmem:s25], [sflag:$0x3] =	stream.linear.gather [hbm4b:s12+s25], $0x1400, $0x38;
	[tilespmem:$0x1E800] =	vst v63  }
0x73: {  	_ =	swait.ge [sflag:s17], $0x1400  }
0x74: {  	[sflag:s17] =	ssyncset.done $0x0  }
0x75: {  	[sflag:s17] =	ssyncadd.s32 $0xFFFFEC00  }
0x76: {  	[tilespmem:s18], [sflag:$0x3] =	stream.linear.gather [hbm4b:s13+s25], $0x1400, $0x38;
	[tilespmem:$0x1E800] =	vst v63  }
0x77: {  	_ =	swait.ge [sflag:s17], $0x1400  }
0x78: {  	[sflag:s17] =	ssyncset.done $0x0  }
0x79: {  	[sflag:s17] =	ssyncadd.s32 $0xFFFFEC00  }
0x7a: {  	[tilespmem:s16], [sflag:$0x1] =	stream.indirect.gather [hbm4b:s4+s19], $0x80, s25, s19, $0xb8;
	[tilespmem:$0x1E800] =	vst v63  }
0x7b: {  	_ = 	snop  }
0x7c: {  	[tilespmem:s20], [sflag:$0x2] =	stream.indirect.gather [hbm4b:s4+s19], $0x80, s19, s19, $0xb8;
	[tilespmem:$0x1E800] =	vst v63  }
0x7d: {  	_ =	swait.ge [sflag:s21], $0x4000  }
0x7e: {  	[sflag:s21] =	ssyncset.done $0x0  }
0x7f: {  	s29 =	simm.s32 $0x1400;
	[sflag:s21] =	ssyncadd.s32 $0xFFFFC000  }
0x80: {  	[spmem:s1] =	stream.indirect.scatter.add.f32 [tilespmem:s16], [sflag:$0x3], $0x80, s29, s19, $0xb8;
	[tilespmem:$0x1E800] =	vst v63  }
0x81: {  	_ =	swait.ge [sflag:s17], $0x4000  }
0x82: {  	[sflag:s17] =	ssyncset.done $0x0  }
0x83: {  	s30 =	simm.s32 $0x100;
	[sflag:s17] =	ssyncadd.s32 $0xFFFFC000  }
0x84: {  	[tilespmem:s16], [sflag:$0x1] =	stream.indirect.gather [hbm4b:s4+s19], $0x80, s30, s19, $0xb8;
	[tilespmem:$0x1E800] =	vst v63  }
0x85: {  	_ =	swait.ge [sflag:s22], $0x4000  }
0x86: {  	[sflag:s22] =	ssyncset.done $0x0  }
0x87: {  	s31 =	simm.s32 $0x1480;
	[sflag:s22] =	ssyncadd.s32 $0xFFFFC000  }
0x88: {  	[spmem:s1] =	stream.indirect.scatter.add.f32 [tilespmem:s20], [sflag:$0x3], $0x80, s31, s19, $0xb8;
	[tilespmem:$0x1E800] =	vst v63  }
0x89: {  	_ =	swait.ge [sflag:s17], $0x4000  }
0x8a: {  	[sflag:s17] =	ssyncset.done $0x0  }
0x8b: {  	s26 =	simm.s32 $0x180;
	s25 =	simm.s32 $0x400;
	[sflag:s17] =	ssyncadd.s32 $0xFFFFC000  }
.LBB2_6:
0x8c: {  	[tilespmem:s20], [sflag:$0x2] =	stream.indirect.gather [hbm4b:s4+s19], $0x80, s26, s19, $0xb8;
	[tilespmem:$0x1E800] =	vst v63  }
0x8d: {  	s26 =	smov.u32 s25  }
0x8e: {  	p0 =	sne.s32 s25, $0x4800;
	s25 =	sadd.s32 $0x400, s25;
	_ =	swait.ge [sflag:s21], $0x4000  }
0x8f: {  	s26 =	sshra.s32 s26, $0x2;
	[sflag:s21] =	ssyncset.done $0x0  }
0x90: {  	s28 =	sadd.s32 $0x1400, s26;
	[sflag:s21] =	ssyncadd.s32 $0xFFFFC000  }
0x91: {  	[spmem:s1] =	stream.indirect.scatter.add.f32 [tilespmem:s16], [sflag:$0x3], $0x80, s28, s19, $0xb8;
	[tilespmem:$0x1E800] =	vst v63  }
0x92: {  	_ =	swait.ge [sflag:s17], $0x4000  }
0x93: {  	[sflag:s17] =	ssyncset.done $0x0  }
0x94: {  	s28 =	sadd.s32 $0x100, s26;
	[sflag:s17] =	ssyncadd.s32 $0xFFFFC000  }
0x95: {  	[tilespmem:s16], [sflag:$0x1] =	stream.indirect.gather [hbm4b:s4+s19], $0x80, s28, s19, $0xb8;
	[tilespmem:$0x1E800] =	vst v63  }
0x96: {  	_ =	swait.ge [sflag:s22], $0x4000  }
0x97: {  	[sflag:s22] =	ssyncset.done $0x0  }
.Ltmp2:
0x98: {  	s28 =	sadd.s32 $0x1480, s26;
	[sflag:s22] =	ssyncadd.s32 $0xFFFFC000;
	(pc) =	sbr.rel @p0 .LBB2_6-.Ltmp2, $4  }
0x99: {  	[spmem:s1] =	stream.indirect.scatter.add.f32 [tilespmem:s20], [sflag:$0x3], $0x80, s28, s19, $0xb8;
	[tilespmem:$0x1E800] =	vst v63  }
0x9a: {  	_ =	swait.ge [sflag:s17], $0x4000  }
0x9b: {  	[sflag:s17] =	ssyncset.done $0x0  }
0x9c: {  	s26 =	sadd.s32 $0x180, s26;
	[sflag:s17] =	ssyncadd.s32 $0xFFFFC000  }
0x9d: {  	[tilespmem:s20], [sflag:$0x2] =	stream.indirect.gather [hbm4b:s4+s19], $0x80, s26, s19, $0xb8;
	[tilespmem:$0x1E800] =	vst v63  }
0x9e: {  	_ =	swait.ge [sflag:s21], $0x4000  }
0x9f: {  	[sflag:s21] =	ssyncset.done $0x0  }
0xa0: {  	[sflag:s21] =	ssyncadd.s32 $0xFFFFC000  }
0xa1: {  	[spmem:s1] =	stream.indirect.scatter.add.f32 [tilespmem:s16], [sflag:$0x3], $0x80, s23, s19, $0xb8;
	[tilespmem:$0x1E800] =	vst v63  }
0xa2: {  	_ =	swait.ge [sflag:s17], $0x4000  }
0xa3: {  	[sflag:s17] =	ssyncset.done $0x0  }
0xa4: {  	[sflag:s17] =	ssyncadd.s32 $0xFFFFC000  }
0xa5: {  	_ =	swait.ge [sflag:s22], $0x4000  }
0xa6: {  	[sflag:s22] =	ssyncset.done $0x0  }
0xa7: {  	[sflag:s22] =	ssyncadd.s32 $0xFFFFC000  }
0xa8: {  	[spmem:s1] =	stream.indirect.scatter.add.f32 [tilespmem:s20], [sflag:$0x3], $0x80, s24, s19, $0xb8;
	[tilespmem:$0x1E800] =	vst v63  }
0xa9: {  	_ =	swait.ge [sflag:s17], $0x4000  }
0xaa: {  	s25 =	sshll.u32 s2, $0x6;
	s3 =	sadd.s32 $0x1, s3;
	[sflag:s17] =	ssyncset.done $0x0  }
0xab: {  	s31 =	sshrl.u32 s5, $0x3;
	p0 =	sne.s32 s3, s15;
	[sflag:s17] =	ssyncadd.s32 $0xFFFFC000  }
.Ltmp3:
0xac: {  	s25 =	sor.u32 $0x1C03, s25;
	[bflag:$0x0] =	sbarrier.arrive $0xFFFF;
	(pc) =	sbr.rel @p0 .LBB2_1-.Ltmp3, $4  }
0xad: {  	[hbm:s14], [sflag:s25] =	dma.local [spmem:s31], $0x2800  }
0xae: {  	_ =	swait.ge [sflag:s17], $0x2800  }
0xaf: {  	[sflag:s17] =	ssyncset.done $0x0  }
0xb0: {  	[sflag:s17] =	ssyncadd.s32 $0xFFFFD800  }
0xb1: {  	_ =	sfence.sel $0x180000  }
0xb2: {  	[bflag:$0x0] =	sbarrier.arrive $0xFFFF  }
0xb3: {  	p0 =	sne.s32 s2, $0x0;
	_ =	strace $0x9000004A  }
0xb4: {  	s0 =	sadd.s32 @!p0 $0x100000, s0;
	[bflag:$0x2] =	sbarrier.arrive $0xFFFF  }
0xb5: {  	[sflag:s0] =	ssyncadd.tile.s32 @!p0 $0x1;
	_ =	shalt  }
.Lfunc_end2:
_tile_overlayer_lowered:
.L_overlay_start_2:
0xb6: {  	(tag) =	ssettag $0x2  }
0xb7: {  	s0 =	rddreg [dreg:$0x0];
	s2 =	stileid.u32  }
0xb8: {  	s1 =	rddreg [dreg:$0x1];
	p0 =	sne.s32 s2, $0x0  }
0xb9: {  	s3 =	rddreg [dreg:$0x2];
	[bflag:$0x3] =	sbarrier.arrive $0xFFFF;
	s2 =	simm.s32 @!p0 $0x1C03  }
0xba: {  	[timem:s3], [sflag:s2] =	dma.local @!p0 [hbm:s0], s1  }
0xbb: {  	s0 =	simm.s32 @!p0 $0x3  }
0xbc: {  	_ =	swait.ge @!p0 [sflag:s0], s1  }
0xbd: {  	s1 =	ssub.s32 @!p0 $0x0, s1;
	[sflag:s0] =	ssyncset.done @!p0 $0x0  }
0xbe: {  	[sflag:s0] =	ssyncadd.s32 @!p0 s1  }
0xbf: {  	[bflag:$0x3] =	sbarrier.arrive $0xFFFF  }
0xc0: {  	_ =	shalt  }

// kernel: kernel.14.cloned.1.call-start
scs
__scs_entry_jumppad:
0x0: {  	(pc) =	sbr.rel $0x88, $3  }
0x1: {  	(tag) =	ssettag $0x0;
	lr =	simm.s32 $0x1  }
0x2: {  	[smem:$0x3F95] =	sst lr;
	_ =	strace $0xD0000000  }
0x3: {  	_ = 	snop  }
0x4: {  	_ = 	snop  }
0x5: {  	_ = 	snop  }
0x6: {  	_ = 	snop  }
0x7: {  	_ = 	snop  }
__scs_overlays_trampoline_lowered:
0x8: {  	[smem:$0x3FA4] =	sst s0  }
0x9: {  	[smem:$0x3FA5] =	sst s1  }
0xa: {  	[smem:$0x3FA6] =	sst s2  }
0xb: {  	[smem:$0x3FA7] =	sst s3  }
0xc: {  	[smem:$0x3FA8] =	sst s4  }
0xd: {  	[smem:$0x3FA9] =	sst s5  }
0xe: {  	[smem:$0x3FAA] =	sst s6  }
0xf: {  	[smem:$0x3FAB] =	sst s7  }
0x10: {  	[smem:$0x3FAC] =	sst s8  }
0x11: {  	[smem:$0x3FAD] =	sst s9;
	s0 =	simm.s32 @!p0 $0x0  }
0x12: {  	s1 =	sld [smem:$0x3F93];
	s0 =	simm.s32 @p0 $0x1  }
0x13: {  	[smem:$0x3FAE] =	sst s0;
	s0 =	simm.s32 @!p1 $0x0  }
0x14: {  	s2 =	sld [smem:$0x3F92];
	s0 =	simm.s32 @p1 $0x1  }
0x15: {  	[smem:$0x3FAF] =	sst s0;
	s0 =	simm.s32 @!p2 $0x0  }
0x16: {  	s3 =	sld [smem:$0x3FDB];
	s0 =	simm.s32 @p2 $0x1  }
0x17: {  	s4 =	simm.s32 $0x1BF5;
	[smem:$0x3FB1] =	sst s0  }
0x18: {  	s0 =	sld [smem:$0x3F94];
	_ =	swait.ge [sflag:s4], $0x0  }
0x19: {  	s7 =	sld [smem:$0x3F95]  }
0x1a: {  	s8 =	sadd.s32 $0xFFFFE003, lr  }
0x1b: {  	s9 =	sadd.s32 $0xFFFFFEF7, lr;
	s5 =	simm.s32 $0xFFFFFFFF;
	p2 =	slt.u32 s8, $0xFFFFF086  }
0x1c: {  	p1 =	slt.u32 s9, $0xF7A;
	s5 =	simm.s32 @!p2 $0x0  }
0x1d: {  	s5 =	simm.s32 @p1 $0x1;
	p0 =	seq.s32 s7, s2  }
0x1e: {  	s7 =	smul.u32 @!p0 $0xF7A, s2;
	p2 =	seq.s32 @!p0 s5, $0x0  }
0x1f: {  	s9 =	smul.u32 $0xF7A, s1;
	s8 =	simm.s32 @!p0 $0x1BF5;
	p2 =	por !p2, p0  }
0x20: {  	[sflag:s8] =	ssyncset.s32 @!p0 $0xFFFFF086;
	s6 =	sadd.s32 @!p0 s3, s7;
	s7 =	simm.s32 @!p0 $0x108  }
0x21: {  	s3 =	sadd.s32 s3, s9;
	s6 =	sadd.s32 @!p0 $0x88, s6;
	s7 =	simm.s32 @p2 $0x1082  }
0x22: {  	[simem:s7], [sflag:s8] =	dma.local @!p0 [hbm:s6], $0xF7A  }
0x23: {  	s9 =	sor.u32 $0xD0000000, s2;
	s6 =	simm.s32 $0x108;
	_ =	swait.ge @!p0 [sflag:s8], $0x0  }
0x24: {  	s3 =	sadd.s32 $0x88, s3;
	s6 =	simm.s32 @!p1 $0x1082;
	[sflag:s4] =	ssyncset.s32 $0xFFFFF086  }
0x25: {  	[simem:s6], [sflag:s4] =	dma.local [hbm:s3], $0xF7A  }
0x26: {  	[smem:$0x3F95] =	sst s1;
	(tag) =	ssettag s2;
	_ =	strace s9  }
0x27: {  	s1 =	sld [smem:$0x3FA5]  }
0x28: {  	s2 =	sld [smem:$0x3FA6]  }
0x29: {  	s4 =	sld [smem:$0x3FA8]  }
0x2a: {  	p0 =	seq.s32 s5, $0x0;
	s5 =	sld [smem:$0x3FA9]  }
0x2b: {  	s6 =	sld [smem:$0x3FAA]  }
0x2c: {  	s7 =	sld [smem:$0x3FAB]  }
0x2d: {  	s3 =	simm.s32 $0x108;
	s8 =	sld [smem:$0x3FAC]  }
0x2e: {  	s3 =	simm.s32 @!p0 $0x1082;
	s9 =	sld [smem:$0x3FAD]  }
0x2f: {  	lr =	sadd.s32 s0, s3;
	s0 =	sld [smem:$0x3FA4]  }
0x30: {  	s3 =	sld [smem:$0x3FA7]  }
0x31: {  	[smem:$0x3FB0] =	sst s10  }
0x32: {  	s10 =	sld [smem:$0x3FAE];
	_ =	sdelay $0x3  }
0x33: {  	p0 =	seq.s32 s10, $0x1;
	s10 =	sld [smem:$0x3FB0];
	_ =	sdelay $0x3  }
0x34: {  	[smem:$0x3FB0] =	sst s10  }
0x35: {  	s10 =	sld [smem:$0x3FAF];
	_ =	sdelay $0x3  }
0x36: {  	p1 =	seq.s32 s10, $0x1;
	s10 =	sld [smem:$0x3FB0];
	_ =	sdelay $0x3  }
0x37: {  	[smem:$0x3FB0] =	sst s10  }
0x38: {  	s10 =	sld [smem:$0x3FB1]  }
0x39: {  	_ = 	snop;
	(pc) =	sbr.ind lr, $3  }
0x3a: {  	_ = 	snop  }
0x3b: {  	_ = 	snop  }
0x3c: {  	p2 =	seq.s32 s10, $0x1;
	s10 =	sld [smem:$0x3FB0]  }
0x3d: {  	_ =	shalt  }
0x3e: {  	_ =	shalt  }
0x3f: {  	_ =	shalt  }
0x40: {  	_ =	shalt  }
0x41: {  	_ =	shalt  }
0x42: {  	_ =	shalt  }
0x43: {  	_ =	shalt  }
0x44: {  	_ =	shalt  }
0x45: {  	_ =	shalt  }
0x46: {  	_ =	shalt  }
0x47: {  	_ =	shalt  }
0x48: {  	_ =	shalt  }
0x49: {  	_ =	shalt  }
0x4a: {  	_ =	shalt  }
0x4b: {  	_ =	shalt  }
0x4c: {  	_ =	shalt  }
0x4d: {  	_ =	shalt  }
0x4e: {  	_ =	shalt  }
0x4f: {  	_ =	shalt  }
0x50: {  	_ =	shalt  }
0x51: {  	_ =	shalt  }
0x52: {  	_ =	shalt  }
0x53: {  	_ =	shalt  }
0x54: {  	_ =	shalt  }
0x55: {  	_ =	shalt  }
0x56: {  	_ =	shalt  }
0x57: {  	_ =	shalt  }
0x58: {  	_ =	shalt  }
0x59: {  	_ =	shalt  }
0x5a: {  	_ =	shalt  }
0x5b: {  	_ =	shalt  }
0x5c: {  	_ =	shalt  }
0x5d: {  	_ =	shalt  }
0x5e: {  	_ =	shalt  }
0x5f: {  	_ =	shalt  }
0x60: {  	_ =	shalt  }
0x61: {  	_ =	shalt  }
0x62: {  	_ =	shalt  }
0x63: {  	_ =	shalt  }
0x64: {  	_ =	shalt  }
0x65: {  	_ =	shalt  }
0x66: {  	_ =	shalt  }
0x67: {  	_ =	shalt  }
0x68: {  	_ =	shalt  }
0x69: {  	_ =	shalt  }
0x6a: {  	_ =	shalt  }
0x6b: {  	_ =	shalt  }
0x6c: {  	_ =	shalt  }
0x6d: {  	_ =	shalt  }
0x6e: {  	_ =	shalt  }
0x6f: {  	_ =	shalt  }
0x70: {  	_ =	shalt  }
0x71: {  	_ =	shalt  }
0x72: {  	_ =	shalt  }
0x73: {  	_ =	shalt  }
0x74: {  	_ =	shalt  }
0x75: {  	_ =	shalt  }
0x76: {  	_ =	shalt  }
0x77: {  	_ =	shalt  }
0x78: {  	_ =	shalt  }
0x79: {  	_ =	shalt  }
0x7a: {  	_ =	shalt  }
0x7b: {  	_ =	shalt  }
0x7c: {  	_ =	shalt  }
0x7d: {  	_ =	shalt  }
0x7e: {  	_ =	shalt  }
0x7f: {  	_ =	shalt  }
0x80: {  	_ =	shalt  }
0x81: {  	_ =	shalt  }
0x82: {  	_ =	shalt  }
0x83: {  	_ =	shalt  }
0x84: {  	_ =	shalt  }
0x85: {  	_ =	shalt  }
0x86: {  	_ =	shalt  }
0x87: {  	_ =	shalt  }
.Lfunc_end0:
.L_simem_size_0:
called_computation.2_lowered:
.L_overlay_start_0:
0x88: {  	s2 =	sld [smem:$0x3FD9]  }
0x89: {  	s3 =	sld [smem:$0x3FFE];
	_ =	sdelay $0x1  }
0x8a: {  	s1 =	srdreg.scid  }
0x8b: {  	s0 =	sand.u32 $0x1, s1  }
0x8c: {  	s16 =	sshll.u32 s0, $0xA;
	s2 =	sadd.s32 s3, s2  }
0x8d: {  	s2 =	sadd.s32 s2, s16  }
0x8e: {  	[smem:$0x3FBC] =	sst s2  }
0x8f: {  	_ = 	snop  }
0x90: {  	(tm) =	ssettm $0x1  }
0x91: {  	s17 =	sld [smem:$0x3FFB];
	_ =	sdelay $0x3  }
0x92: {  	_ =	strace s17  }
0x93: {  	s2 =	sld [smem:$0x3FFC];
	_ =	sdelay $0x3  }
0x94: {  	_ =	strace s2  }
0x95: {  	s2 =	sld [smem:$0x3FFD];
	_ =	sdelay $0x3  }
0x96: {  	_ =	strace s2  }
0x97: {  	_ =	strace $0x8FFFFFFF  }
0x98: {  	s18 =	sld [smem:$0x3FDB];
	_ =	sdelay $0x1  }
0x99: {  	s19 =	simm.s32 $_scs_section_size  }
0x9a: {  	s4 =	simm.s32 $_size__tile_overlayer_lowered;
	s5 =	simm.s32 $_tile_overlayer_lowered  }
0x9b: {  	s22 =	simm.s32 $0x1BFF;
	s21 =	sshll.u32 s5, $0x1;
	s2 =	sadd.s32 s19, s18  }
0x9c: {  	s6 =	simm.s32 $0x0;
	s20 =	sshll.u32 s4, $0x1;
	s4 =	sadd.s32 s21, s2  }
0x9d: {  	[timem:s6], [sflag:s22] =	dma.local [hbm:s4], s20  }
0x9e: {  	_ =	swait.ge [sflag:s22], s20  }
0x9f: {  	s3 =	ssub.s32 $0x0, s20;
	[sflag:s22] =	ssyncset.done $0x0  }
0xa0: {  	[sflag:s22] =	ssyncadd.s32 s3;
	_ =	sdelay $0x1  }
0xa1: {  	s23 =	simm.s32 $0x1B8B  }
0xa2: {  	_ =	swait.ge [sflag:s23], $0x1  }
0xa3: {  	[sflag:s23] =	ssyncset.done $0x0  }
0xa4: {  	s25 =	simm.s32 $0x1B8E;
	s24 =	sld [smem:$0x3FFE];
	[sflag:s23] =	ssyncadd.s32 $0xFFFFFFFF  }
0xa5: {  	s26 =	simm.s32 $execute0_lowered;
	[smem:$0x3FD2] =	sst s25  }
0xa6: {  	s4 =	sshll.u32 s26, $0x1;
	_ =	strace $0x8000004C;
	[dreg:$0x1] =	wrdreg $0xFFFFFFFF  }
0xa7: {  	s28 =	simm.s32 $_size_execute0_lowered;
	s2 =	sadd.s32 s2, s4;
	[dreg:$0x0] =	wrdreg $0x0  }
0xa8: {  	s4 =	sshll.u32 s28, $0x1;
	[dreg:$0x2] =	wrdreg s2  }
0xa9: {  	[dreg:$0x3] =	wrdreg s4  }
0xaa: {  	[dreg:$0x4] =	wrdreg $0xC0  }
0xab: {  	_ =	task [dreg:s6], $0x5FFFF  }
0xac: {  	[dreg:$0x1] =	wrdreg $0xFFFFFFFF  }
0xad: {  	[dreg:$0x0] =	wrdreg $0x60  }
0xae: {  	[dreg:$0x2] =	wrdreg s24  }
0xaf: {  	[dreg:$0x3] =	wrdreg $0xA8000  }
0xb0: {  	[dreg:$0x4] =	wrdreg $0x9  }
0xb1: {  	_ =	task.clear_ibuf [dreg:s6], $0x5FFFF;
	_ =	strace $0x9000004C  }
0xb2: {  	s29 =	simm.s32 $0x9;
	_ =	strace $0x8000004E  }
0xb3: {  	_ =	swait.ge [sflag:s29], $0x1  }
0xb4: {  	[sflag:s29] =	ssyncadd.s32 $0xFFFFFFFF  }
0xb5: {  	_ =	strace $0x9000004E  }
0xb6: {  	_ =	sfence  }
0xb7: {  	s30 =	sld [smem:$0x0];
	_ =	sdelay $0x2  }
0xb8: {  	s31 =	sshll.u32 s1, $0xD;
	s1 =	sshrl.u32 s1, $0x2  }
0xb9: {  	s3 =	sand.u32 $0x4000, s31;
	s1 =	sadd.s32 s1, s30  }
0xba: {  	s0 =	sor.u32 s3, s0;
	s1 =	sshll.u32 s1, $0x11  }
0xbb: {  	s0 =	sor.u32 s1, s0  }
0xbc: {  	s0 =	sadd.s32 $0x8F2B, s0  }
0xbd: {  	[sflag:s0] =	ssyncadd.remote.s32 $0x1  }
0xbe: {  	_ =	sfence.sel $0xFFFF  }
0xbf: {  	[dreg:$0x0] =	wrdreg $0xFFFFFFFF;
	(pc) =	sbr.abs _section_cstart, $3  }
0xc0: {  	[dreg:$0x1] =	wrdreg $0xFFFFFFFF  }
0xc1: {  	_ =	task.clear_ibuf [dreg:s6], $0x2FFFF;
	_ =	strace $0x9FFFFFFF  }
0xc2: {  	(tm) =	ssettm $0x7FFFFFFF  }
0xc3: {  	_ =	shalt  }
tec
execute0_lowered:
.L_overlay_start_1:
0x0: {  	(tag) =	ssettag $0x1  }
0x1: {  	s5 =	rddreg [dreg:$0x0]  }
0x2: {  	s1 =	rddreg [dreg:$0x1]  }
0x3: {  	s0 =	rddreg [dreg:$0x2];
	s3 =	simm.s32 $0x0;
	s2 =	srdreg.scid  }
0x4: {  	s17 =	simm.s32 $0x3;
	s18 =	simm.s32 $0x1400;
	s19 =	simm.s32 $0x80  }
0x5: {  	s20 =	simm.s32 $0x6800;
	s21 =	simm.s32 $0x1;
	s22 =	simm.s32 $0x2  }
0x6: {  	s23 =	simm.s32 $0x2700;
	[smem:$0x7FF] =	sst s3;
	s6 =	sand.u32 $0x1, s2  }
0x7: {  	s24 =	simm.s32 $0x2780;
	s2 =	stileid.u32;
	s7 =	smul.u32 $0x140000, s6  }
0x8: {  	s12 =	sadd.s32 $0x5DA00, s5;
	s13 =	sadd.s32 $0x3A00, s5;
	s8 =	smul.u32 $0x14000, s2  }
0x9: {  	s31 =	sshll.u32 s6, $0x4;
	s9 =	smul.u32 $0x50000, s2;
	s6 =	ssub.s32 $0x2, s6  }
0xa: {  	s4 =	sadd.s32 $0xDA00, s5;
	_ =	strace $0x8000004D;
	s10 =	sshrl.u32 s6, $0x1  }
0xb: {  	s7 =	sadd.s32 s8, s7;
	s8 =	sor.u32 s2, s31;
	s9 =	sshrl.u32 s9, $0x2  }
0xc: {  	s15 =	ssub.s32 s6, s10;
	s7 =	sshrl.u32 s7, $0x3;
	s8 =	smul.u32 $0x2800, s8  }
0xd: {  	s15 =	smax.u32 s15, $0x1;
	s14 =	sadd.s32 s7, s5;
	s5 =	sadd.s32 s9, s1  }
0xe: {  	s6 =	sadd.s32 $0x4000, s5;
	s7 =	sadd.s32 $0x8000, s5;
	s11 =	sshrl.u32 s8, $0x3  }
0xf: {  	s8 =	sadd.s32 $0xC000, s5;
	s9 =	sadd.s32 $0x10000, s5;
	s14 =	sadd.s32 $0x67A00, s14  }
0x10: {  	s16 =	sadd.s32 $0x280, s11;
	s10 =	sadd.s32 s12, s11;
	s11 =	sadd.s32 s13, s11  }
0x11: {  	v0 =	vimm.f32 $0.0e+00;
	s12 =	sadd.s32 s12, s16;
	s13 =	sadd.s32 s13, s16;
	s16 =	simm.s32 $0x2800  }
.LBB2_1:
0x12: {  	s25 =	simm.s32 $0x0;
	s26 =	simm.s32 $0x200  }
.LBB2_2:
0x13: {  	p0 =	sne.s32 s26, $0xFE00;
	[tilespmem:s25+$0x2870] =	vst v0  }
0x14: {  	[tilespmem:s25+$0x2800] =	vst v0  }
0x15: {  	[tilespmem:s25+$0x2810] =	vst v0  }
.Ltmp0:
0x16: {  	[tilespmem:s25+$0x2820] =	vst v0;
	(pc) =	sbr.rel @p0 .LBB2_2-.Ltmp0, $4  }
0x17: {  	[tilespmem:s25+$0x2830] =	vst v0  }
0x18: {  	[tilespmem:s25+$0x2840] =	vst v0  }
0x19: {  	[tilespmem:s25+$0x2850] =	vst v0  }
0x1a: {  	[tilespmem:s25+$0x2860] =	vst v0;
	s25 =	sshra.s32 s26, $0x2;
	s26 =	sadd.s32 $0x200, s26  }
0x1b: {  	[tilespmem:s25+$0x2870] =	vst v0  }
0x1c: {  	[tilespmem:s25+$0x2800] =	vst v0  }
0x1d: {  	[tilespmem:s25+$0x2810] =	vst v0  }
0x1e: {  	[tilespmem:s25+$0x2820] =	vst v0  }
0x1f: {  	[tilespmem:s25+$0x2830] =	vst v0  }
0x20: {  	[tilespmem:s25+$0x2840] =	vst v0  }
0x21: {  	[tilespmem:s25+$0x2850] =	vst v0  }
0x22: {  	[tilespmem:s25+$0x2860] =	vst v0  }
0x23: {  	[spmem:s5] =	stream.linear.scatter [tilespmem:s16], [sflag:$0x3], $0x4000, $0x38;
	[tilespmem:$0x1E800] =	vst v63  }
0x24: {  	_ =	swait.ge [sflag:s17], $0x4000  }
0x25: {  	[sflag:s17] =	ssyncset.done $0x0  }
0x26: {  	[sflag:s17] =	ssyncadd.s32 $0xFFFFC000  }
0x27: {  	[spmem:s6] =	stream.linear.scatter [tilespmem:s16], [sflag:$0x3], $0x4000, $0x38;
	[tilespmem:$0x1E800] =	vst v63  }
0x28: {  	_ =	swait.ge [sflag:s17], $0x4000  }
0x29: {  	[sflag:s17] =	ssyncset.done $0x0  }
0x2a: {  	[sflag:s17] =	ssyncadd.s32 $0xFFFFC000  }
0x2b: {  	[spmem:s7] =	stream.linear.scatter [tilespmem:s16], [sflag:$0x3], $0x4000, $0x38;
	[tilespmem:$0x1E800] =	vst v63  }
0x2c: {  	_ =	swait.ge [sflag:s17], $0x4000  }
0x2d: {  	[sflag:s17] =	ssyncset.done $0x0  }
0x2e: {  	[sflag:s17] =	ssyncadd.s32 $0xFFFFC000  }
0x2f: {  	[spmem:s8] =	stream.linear.scatter [tilespmem:s16], [sflag:$0x3], $0x4000, $0x38;
	[tilespmem:$0x1E800] =	vst v63  }
0x30: {  	_ =	swait.ge [sflag:s17], $0x4000  }
0x31: {  	[sflag:s17] =	ssyncset.done $0x0  }
0x32: {  	[sflag:s17] =	ssyncadd.s32 $0xFFFFC000  }
0x33: {  	[spmem:s9] =	stream.linear.scatter [tilespmem:s16], [sflag:$0x3], $0x4000, $0x38;
	[tilespmem:$0x1E800] =	vst v63  }
0x34: {  	_ =	swait.ge [sflag:s17], $0x4000  }
0x35: {  	[sflag:s17] =	ssyncset.done $0x0  }
0x36: {  	[sflag:s17] =	ssyncadd.s32 $0xFFFFC000  }
0x37: {  	s28 =	simm.s32 $0x0;
	[bflag:$0x0] =	sbarrier.arrive $0xFFFF  }
0x38: {  	[tilespmem:s28], [sflag:$0x3] =	stream.linear.gather [hbm4b:s10+s28], $0x1400, $0x38;
	[tilespmem:$0x1E800] =	vst v63  }
0x39: {  	_ =	swait.ge [sflag:s17], $0x1400  }
0x3a: {  	[sflag:s17] =	ssyncset.done $0x0  }
0x3b: {  	[sflag:s17] =	ssyncadd.s32 $0xFFFFEC00  }
0x3c: {  	[tilespmem:s18], [sflag:$0x3] =	stream.linear.gather [hbm4b:s11+s28], $0x1400, $0x38;
	[tilespmem:$0x1E800] =	vst v63  }
0x3d: {  	_ =	swait.ge [sflag:s17], $0x1400  }
0x3e: {  	[sflag:s17] =	ssyncset.done $0x0  }
0x3f: {  	[sflag:s17] =	ssyncadd.s32 $0xFFFFEC00  }
0x40: {  	[tilespmem:s16], [sflag:$0x1] =	stream.indirect.gather [hbm4b:s4+s19], $0x80, s28, s19, $0xb8;
	[tilespmem:$0x1E800] =	vst v63  }
0x41: {  	_ = 	snop  }
0x42: {  	[tilespmem:s20], [sflag:$0x2] =	stream.indirect.gather [hbm4b:s4+s19], $0x80, s19, s19, $0xb8;
	[tilespmem:$0x1E800] =	vst v63  }
0x43: {  	_ =	swait.ge [sflag:s21], $0x4000  }
0x44: {  	[sflag:s21] =	ssyncset.done $0x0  }
0x45: {  	s29 =	simm.s32 $0x1400;
	[sflag:s21] =	ssyncadd.s32 $0xFFFFC000  }
0x46: {  	[spmem:s1] =	stream.indirect.scatter.add.f32 [tilespmem:s16], [sflag:$0x3], $0x80, s29, s19, $0xb8;
	[tilespmem:$0x1E800] =	vst v63  }
0x47: {  	_ =	swait.ge [sflag:s17], $0x4000  }
0x48: {  	[sflag:s17] =	ssyncset.done $0x0  }
0x49: {  	s30 =	simm.s32 $0x100;
	[sflag:s17] =	ssyncadd.s32 $0xFFFFC000  }
0x4a: {  	[tilespmem:s16], [sflag:$0x1] =	stream.indirect.gather [hbm4b:s4+s19], $0x80, s30, s19, $0xb8;
	[tilespmem:$0x1E800] =	vst v63  }
0x4b: {  	_ =	swait.ge [sflag:s22], $0x4000  }
0x4c: {  	[sflag:s22] =	ssyncset.done $0x0  }
0x4d: {  	s31 =	simm.s32 $0x1480;
	[sflag:s22] =	ssyncadd.s32 $0xFFFFC000  }
0x4e: {  	[spmem:s1] =	stream.indirect.scatter.add.f32 [tilespmem:s20], [sflag:$0x3], $0x80, s31, s19, $0xb8;
	[tilespmem:$0x1E800] =	vst v63  }
0x4f: {  	_ =	swait.ge [sflag:s17], $0x4000  }
0x50: {  	[sflag:s17] =	ssyncset.done $0x0  }
0x51: {  	s25 =	simm.s32 $0x400;
	s26 =	simm.s32 $0x180;
	[sflag:s17] =	ssyncadd.s32 $0xFFFFC000  }
.LBB2_4:
0x52: {  	[tilespmem:s20], [sflag:$0x2] =	stream.indirect.gather [hbm4b:s4+s19], $0x80, s26, s19, $0xb8;
	[tilespmem:$0x1E800] =	vst v63  }
0x53: {  	s26 =	smov.u32 s25  }
0x54: {  	p0 =	sne.s32 s25, $0x4800;
	s25 =	sadd.s32 $0x400, s25;
	_ =	swait.ge [sflag:s21], $0x4000  }
0x55: {  	s26 =	sshra.s32 s26, $0x2;
	[sflag:s21] =	ssyncset.done $0x0  }
0x56: {  	s28 =	sadd.s32 $0x1400, s26;
	[sflag:s21] =	ssyncadd.s32 $0xFFFFC000  }
0x57: {  	[spmem:s1] =	stream.indirect.scatter.add.f32 [tilespmem:s16], [sflag:$0x3], $0x80, s28, s19, $0xb8;
	[tilespmem:$0x1E800] =	vst v63  }
0x58: {  	_ =	swait.ge [sflag:s17], $0x4000  }
0x59: {  	[sflag:s17] =	ssyncset.done $0x0  }
0x5a: {  	s28 =	sadd.s32 $0x100, s26;
	[sflag:s17] =	ssyncadd.s32 $0xFFFFC000  }
0x5b: {  	[tilespmem:s16], [sflag:$0x1] =	stream.indirect.gather [hbm4b:s4+s19], $0x80, s28, s19, $0xb8;
	[tilespmem:$0x1E800] =	vst v63  }
0x5c: {  	_ =	swait.ge [sflag:s22], $0x4000  }
0x5d: {  	[sflag:s22] =	ssyncset.done $0x0  }
.Ltmp1:
0x5e: {  	s28 =	sadd.s32 $0x1480, s26;
	[sflag:s22] =	ssyncadd.s32 $0xFFFFC000;
	(pc) =	sbr.rel @p0 .LBB2_4-.Ltmp1, $4  }
0x5f: {  	[spmem:s1] =	stream.indirect.scatter.add.f32 [tilespmem:s20], [sflag:$0x3], $0x80, s28, s19, $0xb8;
	[tilespmem:$0x1E800] =	vst v63  }
0x60: {  	_ =	swait.ge [sflag:s17], $0x4000  }
0x61: {  	[sflag:s17] =	ssyncset.done $0x0  }
0x62: {  	s26 =	sadd.s32 $0x180, s26;
	[sflag:s17] =	ssyncadd.s32 $0xFFFFC000  }
0x63: {  	[tilespmem:s20], [sflag:$0x2] =	stream.indirect.gather [hbm4b:s4+s19], $0x80, s26, s19, $0xb8;
	[tilespmem:$0x1E800] =	vst v63  }
0x64: {  	_ =	swait.ge [sflag:s21], $0x4000  }
0x65: {  	[sflag:s21] =	ssyncset.done $0x0  }
0x66: {  	[sflag:s21] =	ssyncadd.s32 $0xFFFFC000  }
0x67: {  	[spmem:s1] =	stream.indirect.scatter.add.f32 [tilespmem:s16], [sflag:$0x3], $0x80, s23, s19, $0xb8;
	[tilespmem:$0x1E800] =	vst v63  }
0x68: {  	_ =	swait.ge [sflag:s17], $0x4000  }
0x69: {  	[sflag:s17] =	ssyncset.done $0x0  }
0x6a: {  	[sflag:s17] =	ssyncadd.s32 $0xFFFFC000  }
0x6b: {  	_ =	swait.ge [sflag:s22], $0x4000  }
0x6c: {  	[sflag:s22] =	ssyncset.done $0x0  }
0x6d: {  	[sflag:s22] =	ssyncadd.s32 $0xFFFFC000  }
0x6e: {  	[spmem:s1] =	stream.indirect.scatter.add.f32 [tilespmem:s20], [sflag:$0x3], $0x80, s24, s19, $0xb8;
	[tilespmem:$0x1E800] =	vst v63  }
0x6f: {  	_ =	swait.ge [sflag:s17], $0x4000  }
0x70: {  	[sflag:s17] =	ssyncset.done $0x0  }
0x71: {  	s25 =	simm.s32 $0x0;
	[sflag:s17] =	ssyncadd.s32 $0xFFFFC000  }
0x72: {  	[tilespmem:s25], [sflag:$0x3] =	stream.linear.gather [hbm4b:s12+s25], $0x1400, $0x38;
	[tilespmem:$0x1E800] =	vst v63  }
0x73: {  	_ =	swait.ge [sflag:s17], $0x1400  }
0x74: {  	[sflag:s17] =	ssyncset.done $0x0  }
0x75: {  	[sflag:s17] =	ssyncadd.s32 $0xFFFFEC00  }
0x76: {  	[tilespmem:s18], [sflag:$0x3] =	stream.linear.gather [hbm4b:s13+s25], $0x1400, $0x38;
	[tilespmem:$0x1E800] =	vst v63  }
0x77: {  	_ =	swait.ge [sflag:s17], $0x1400  }
0x78: {  	[sflag:s17] =	ssyncset.done $0x0  }
0x79: {  	[sflag:s17] =	ssyncadd.s32 $0xFFFFEC00  }
0x7a: {  	[tilespmem:s16], [sflag:$0x1] =	stream.indirect.gather [hbm4b:s4+s19], $0x80, s25, s19, $0xb8;
	[tilespmem:$0x1E800] =	vst v63  }
0x7b: {  	_ = 	snop  }
0x7c: {  	[tilespmem:s20], [sflag:$0x2] =	stream.indirect.gather [hbm4b:s4+s19], $0x80, s19, s19, $0xb8;
	[tilespmem:$0x1E800] =	vst v63  }
0x7d: {  	_ =	swait.ge [sflag:s21], $0x4000  }
0x7e: {  	[sflag:s21] =	ssyncset.done $0x0  }
0x7f: {  	s29 =	simm.s32 $0x1400;
	[sflag:s21] =	ssyncadd.s32 $0xFFFFC000  }
0x80: {  	[spmem:s1] =	stream.indirect.scatter.add.f32 [tilespmem:s16], [sflag:$0x3], $0x80, s29, s19, $0xb8;
	[tilespmem:$0x1E800] =	vst v63  }
0x81: {  	_ =	swait.ge [sflag:s17], $0x4000  }
0x82: {  	[sflag:s17] =	ssyncset.done $0x0  }
0x83: {  	s30 =	simm.s32 $0x100;
	[sflag:s17] =	ssyncadd.s32 $0xFFFFC000  }
0x84: {  	[tilespmem:s16], [sflag:$0x1] =	stream.indirect.gather [hbm4b:s4+s19], $0x80, s30, s19, $0xb8;
	[tilespmem:$0x1E800] =	vst v63  }
0x85: {  	_ =	swait.ge [sflag:s22], $0x4000  }
0x86: {  	[sflag:s22] =	ssyncset.done $0x0  }
0x87: {  	s31 =	simm.s32 $0x1480;
	[sflag:s22] =	ssyncadd.s32 $0xFFFFC000  }
0x88: {  	[spmem:s1] =	stream.indirect.scatter.add.f32 [tilespmem:s20], [sflag:$0x3], $0x80, s31, s19, $0xb8;
	[tilespmem:$0x1E800] =	vst v63  }
0x89: {  	_ =	swait.ge [sflag:s17], $0x4000  }
0x8a: {  	[sflag:s17] =	ssyncset.done $0x0  }
0x8b: {  	s26 =	simm.s32 $0x180;
	s25 =	simm.s32 $0x400;
	[sflag:s17] =	ssyncadd.s32 $0xFFFFC000  }
.LBB2_6:
0x8c: {  	[tilespmem:s20], [sflag:$0x2] =	stream.indirect.gather [hbm4b:s4+s19], $0x80, s26, s19, $0xb8;
	[tilespmem:$0x1E800] =	vst v63  }
0x8d: {  	s26 =	smov.u32 s25  }
0x8e: {  	p0 =	sne.s32 s25, $0x4800;
	s25 =	sadd.s32 $0x400, s25;
	_ =	swait.ge [sflag:s21], $0x4000  }
0x8f: {  	s26 =	sshra.s32 s26, $0x2;
	[sflag:s21] =	ssyncset.done $0x0  }
0x90: {  	s28 =	sadd.s32 $0x1400, s26;
	[sflag:s21] =	ssyncadd.s32 $0xFFFFC000  }
0x91: {  	[spmem:s1] =	stream.indirect.scatter.add.f32 [tilespmem:s16], [sflag:$0x3], $0x80, s28, s19, $0xb8;
	[tilespmem:$0x1E800] =	vst v63  }
0x92: {  	_ =	swait.ge [sflag:s17], $0x4000  }
0x93: {  	[sflag:s17] =	ssyncset.done $0x0  }
0x94: {  	s28 =	sadd.s32 $0x100, s26;
	[sflag:s17] =	ssyncadd.s32 $0xFFFFC000  }
0x95: {  	[tilespmem:s16], [sflag:$0x1] =	stream.indirect.gather [hbm4b:s4+s19], $0x80, s28, s19, $0xb8;
	[tilespmem:$0x1E800] =	vst v63  }
0x96: {  	_ =	swait.ge [sflag:s22], $0x4000  }
0x97: {  	[sflag:s22] =	ssyncset.done $0x0  }
.Ltmp2:
0x98: {  	s28 =	sadd.s32 $0x1480, s26;
	[sflag:s22] =	ssyncadd.s32 $0xFFFFC000;
	(pc) =	sbr.rel @p0 .LBB2_6-.Ltmp2, $4  }
0x99: {  	[spmem:s1] =	stream.indirect.scatter.add.f32 [tilespmem:s20], [sflag:$0x3], $0x80, s28, s19, $0xb8;
	[tilespmem:$0x1E800] =	vst v63  }
0x9a: {  	_ =	swait.ge [sflag:s17], $0x4000  }
0x9b: {  	[sflag:s17] =	ssyncset.done $0x0  }
0x9c: {  	s26 =	sadd.s32 $0x180, s26;
	[sflag:s17] =	ssyncadd.s32 $0xFFFFC000  }
0x9d: {  	[tilespmem:s20], [sflag:$0x2] =	stream.indirect.gather [hbm4b:s4+s19], $0x80, s26, s19, $0xb8;
	[tilespmem:$0x1E800] =	vst v63  }
0x9e: {  	_ =	swait.ge [sflag:s21], $0x4000  }
0x9f: {  	[sflag:s21] =	ssyncset.done $0x0  }
0xa0: {  	[sflag:s21] =	ssyncadd.s32 $0xFFFFC000  }
0xa1: {  	[spmem:s1] =	stream.indirect.scatter.add.f32 [tilespmem:s16], [sflag:$0x3], $0x80, s23, s19, $0xb8;
	[tilespmem:$0x1E800] =	vst v63  }
0xa2: {  	_ =	swait.ge [sflag:s17], $0x4000  }
0xa3: {  	[sflag:s17] =	ssyncset.done $0x0  }
0xa4: {  	[sflag:s17] =	ssyncadd.s32 $0xFFFFC000  }
0xa5: {  	_ =	swait.ge [sflag:s22], $0x4000  }
0xa6: {  	[sflag:s22] =	ssyncset.done $0x0  }
0xa7: {  	[sflag:s22] =	ssyncadd.s32 $0xFFFFC000  }
0xa8: {  	[spmem:s1] =	stream.indirect.scatter.add.f32 [tilespmem:s20], [sflag:$0x3], $0x80, s24, s19, $0xb8;
	[tilespmem:$0x1E800] =	vst v63  }
0xa9: {  	_ =	swait.ge [sflag:s17], $0x4000  }
0xaa: {  	s25 =	sshll.u32 s2, $0x6;
	s3 =	sadd.s32 $0x1, s3;
	[sflag:s17] =	ssyncset.done $0x0  }
0xab: {  	s31 =	sshrl.u32 s5, $0x3;
	p0 =	sne.s32 s3, s15;
	[sflag:s17] =	ssyncadd.s32 $0xFFFFC000  }
.Ltmp3:
0xac: {  	s25 =	sor.u32 $0x1C03, s25;
	[bflag:$0x0] =	sbarrier.arrive $0xFFFF;
	(pc) =	sbr.rel @p0 .LBB2_1-.Ltmp3, $4  }
0xad: {  	[hbm:s14], [sflag:s25] =	dma.local [spmem:s31], $0x2800  }
0xae: {  	_ =	swait.ge [sflag:s17], $0x2800  }
0xaf: {  	[sflag:s17] =	ssyncset.done $0x0  }
0xb0: {  	[sflag:s17] =	ssyncadd.s32 $0xFFFFD800  }
0xb1: {  	_ =	sfence.sel $0x180000  }
0xb2: {  	[bflag:$0x0] =	sbarrier.arrive $0xFFFF  }
0xb3: {  	p0 =	sne.s32 s2, $0x0;
	_ =	strace $0x9000004D  }
0xb4: {  	s0 =	sadd.s32 @!p0 $0x100000, s0;
	[bflag:$0x2] =	sbarrier.arrive $0xFFFF  }
0xb5: {  	[sflag:s0] =	ssyncadd.tile.s32 @!p0 $0x1;
	_ =	shalt  }
.Lfunc_end2:
_tile_overlayer_lowered:
.L_overlay_start_2:
0xb6: {  	(tag) =	ssettag $0x2  }
0xb7: {  	s0 =	rddreg [dreg:$0x0];
	s2 =	stileid.u32  }
0xb8: {  	s1 =	rddreg [dreg:$0x1];
	p0 =	sne.s32 s2, $0x0  }
0xb9: {  	s3 =	rddreg [dreg:$0x2];
	[bflag:$0x3] =	sbarrier.arrive $0xFFFF;
	s2 =	simm.s32 @!p0 $0x1C03  }
0xba: {  	[timem:s3], [sflag:s2] =	dma.local @!p0 [hbm:s0], s1  }
0xbb: {  	s0 =	simm.s32 @!p0 $0x3  }
0xbc: {  	_ =	swait.ge @!p0 [sflag:s0], s1  }
0xbd: {  	s1 =	ssub.s32 @!p0 $0x0, s1;
	[sflag:s0] =	ssyncset.done @!p0 $0x0  }
0xbe: {  	[sflag:s0] =	ssyncadd.s32 @!p0 s1  }
0xbf: {  	[bflag:$0x3] =	sbarrier.arrive $0xFFFF  }
0xc0: {  	_ =	shalt  }

// kernel: kernel.8.cloned.1.call-start
scs
__scs_entry_jumppad:
0x0: {  	(pc) =	sbr.rel $0x88, $3  }
0x1: {  	(tag) =	ssettag $0x0;
	lr =	simm.s32 $0x1  }
0x2: {  	[smem:$0x3F95] =	sst lr;
	_ =	strace $0xD0000000  }
0x3: {  	_ = 	snop  }
0x4: {  	_ = 	snop  }
0x5: {  	_ = 	snop  }
0x6: {  	_ = 	snop  }
0x7: {  	_ = 	snop  }
__scs_overlays_trampoline_lowered:
0x8: {  	[smem:$0x3FA4] =	sst s0  }
0x9: {  	[smem:$0x3FA5] =	sst s1  }
0xa: {  	[smem:$0x3FA6] =	sst s2  }
0xb: {  	[smem:$0x3FA7] =	sst s3  }
0xc: {  	[smem:$0x3FA8] =	sst s4  }
0xd: {  	[smem:$0x3FA9] =	sst s5  }
0xe: {  	[smem:$0x3FAA] =	sst s6  }
0xf: {  	[smem:$0x3FAB] =	sst s7  }
0x10: {  	[smem:$0x3FAC] =	sst s8  }
0x11: {  	[smem:$0x3FAD] =	sst s9;
	s0 =	simm.s32 @!p0 $0x0  }
0x12: {  	s1 =	sld [smem:$0x3F93];
	s0 =	simm.s32 @p0 $0x1  }
0x13: {  	[smem:$0x3FAE] =	sst s0;
	s0 =	simm.s32 @!p1 $0x0  }
0x14: {  	s2 =	sld [smem:$0x3F92];
	s0 =	simm.s32 @p1 $0x1  }
0x15: {  	[smem:$0x3FAF] =	sst s0;
	s0 =	simm.s32 @!p2 $0x0  }
0x16: {  	s3 =	sld [smem:$0x3FDB];
	s0 =	simm.s32 @p2 $0x1  }
0x17: {  	s4 =	simm.s32 $0x1BF5;
	[smem:$0x3FB1] =	sst s0  }
0x18: {  	s0 =	sld [smem:$0x3F94];
	_ =	swait.ge [sflag:s4], $0x0  }
0x19: {  	s7 =	sld [smem:$0x3F95]  }
0x1a: {  	s8 =	sadd.s32 $0xFFFFE003, lr  }
0x1b: {  	s9 =	sadd.s32 $0xFFFFFEF7, lr;
	s5 =	simm.s32 $0xFFFFFFFF;
	p2 =	slt.u32 s8, $0xFFFFF086  }
0x1c: {  	p1 =	slt.u32 s9, $0xF7A;
	s5 =	simm.s32 @!p2 $0x0  }
0x1d: {  	s5 =	simm.s32 @p1 $0x1;
	p0 =	seq.s32 s7, s2  }
0x1e: {  	s7 =	smul.u32 @!p0 $0xF7A, s2;
	p2 =	seq.s32 @!p0 s5, $0x0  }
0x1f: {  	s9 =	smul.u32 $0xF7A, s1;
	s8 =	simm.s32 @!p0 $0x1BF5;
	p2 =	por !p2, p0  }
0x20: {  	[sflag:s8] =	ssyncset.s32 @!p0 $0xFFFFF086;
	s6 =	sadd.s32 @!p0 s3, s7;
	s7 =	simm.s32 @!p0 $0x108  }
0x21: {  	s3 =	sadd.s32 s3, s9;
	s6 =	sadd.s32 @!p0 $0x88, s6;
	s7 =	simm.s32 @p2 $0x1082  }
0x22: {  	[simem:s7], [sflag:s8] =	dma.local @!p0 [hbm:s6], $0xF7A  }
0x23: {  	s9 =	sor.u32 $0xD0000000, s2;
	s6 =	simm.s32 $0x108;
	_ =	swait.ge @!p0 [sflag:s8], $0x0  }
0x24: {  	s3 =	sadd.s32 $0x88, s3;
	s6 =	simm.s32 @!p1 $0x1082;
	[sflag:s4] =	ssyncset.s32 $0xFFFFF086  }
0x25: {  	[simem:s6], [sflag:s4] =	dma.local [hbm:s3], $0xF7A  }
0x26: {  	[smem:$0x3F95] =	sst s1;
	(tag) =	ssettag s2;
	_ =	strace s9  }
0x27: {  	s1 =	sld [smem:$0x3FA5]  }
0x28: {  	s2 =	sld [smem:$0x3FA6]  }
0x29: {  	s4 =	sld [smem:$0x3FA8]  }
0x2a: {  	p0 =	seq.s32 s5, $0x0;
	s5 =	sld [smem:$0x3FA9]  }
0x2b: {  	s6 =	sld [smem:$0x3FAA]  }
0x2c: {  	s7 =	sld [smem:$0x3FAB]  }
0x2d: {  	s3 =	simm.s32 $0x108;
	s8 =	sld [smem:$0x3FAC]  }
0x2e: {  	s3 =	simm.s32 @!p0 $0x1082;
	s9 =	sld [smem:$0x3FAD]  }
0x2f: {  	lr =	sadd.s32 s0, s3;
	s0 =	sld [smem:$0x3FA4]  }
0x30: {  	s3 =	sld [smem:$0x3FA7]  }
0x31: {  	[smem:$0x3FB0] =	sst s10  }
0x32: {  	s10 =	sld [smem:$0x3FAE];
	_ =	sdelay $0x3  }
0x33: {  	p0 =	seq.s32 s10, $0x1;
	s10 =	sld [smem:$0x3FB0];
	_ =	sdelay $0x3  }
0x34: {  	[smem:$0x3FB0] =	sst s10  }
0x35: {  	s10 =	sld [smem:$0x3FAF];
	_ =	sdelay $0x3  }
0x36: {  	p1 =	seq.s32 s10, $0x1;
	s10 =	sld [smem:$0x3FB0];
	_ =	sdelay $0x3  }
0x37: {  	[smem:$0x3FB0] =	sst s10  }
0x38: {  	s10 =	sld [smem:$0x3FB1]  }
0x39: {  	_ = 	snop;
	(pc) =	sbr.ind lr, $3  }
0x3a: {  	_ = 	snop  }
0x3b: {  	_ = 	snop  }
0x3c: {  	p2 =	seq.s32 s10, $0x1;
	s10 =	sld [smem:$0x3FB0]  }
0x3d: {  	_ =	shalt  }
0x3e: {  	_ =	shalt  }
0x3f: {  	_ =	shalt  }
0x40: {  	_ =	shalt  }
0x41: {  	_ =	shalt  }
0x42: {  	_ =	shalt  }
0x43: {  	_ =	shalt  }
0x44: {  	_ =	shalt  }
0x45: {  	_ =	shalt  }
0x46: {  	_ =	shalt  }
0x47: {  	_ =	shalt  }
0x48: {  	_ =	shalt  }
0x49: {  	_ =	shalt  }
0x4a: {  	_ =	shalt  }
0x4b: {  	_ =	shalt  }
0x4c: {  	_ =	shalt  }
0x4d: {  	_ =	shalt  }
0x4e: {  	_ =	shalt  }
0x4f: {  	_ =	shalt  }
0x50: {  	_ =	shalt  }
0x51: {  	_ =	shalt  }
0x52: {  	_ =	shalt  }
0x53: {  	_ =	shalt  }
0x54: {  	_ =	shalt  }
0x55: {  	_ =	shalt  }
0x56: {  	_ =	shalt  }
0x57: {  	_ =	shalt  }
0x58: {  	_ =	shalt  }
0x59: {  	_ =	shalt  }
0x5a: {  	_ =	shalt  }
0x5b: {  	_ =	shalt  }
0x5c: {  	_ =	shalt  }
0x5d: {  	_ =	shalt  }
0x5e: {  	_ =	shalt  }
0x5f: {  	_ =	shalt  }
0x60: {  	_ =	shalt  }
0x61: {  	_ =	shalt  }
0x62: {  	_ =	shalt  }
0x63: {  	_ =	shalt  }
0x64: {  	_ =	shalt  }
0x65: {  	_ =	shalt  }
0x66: {  	_ =	shalt  }
0x67: {  	_ =	shalt  }
0x68: {  	_ =	shalt  }
0x69: {  	_ =	shalt  }
0x6a: {  	_ =	shalt  }
0x6b: {  	_ =	shalt  }
0x6c: {  	_ =	shalt  }
0x6d: {  	_ =	shalt  }
0x6e: {  	_ =	shalt  }
0x6f: {  	_ =	shalt  }
0x70: {  	_ =	shalt  }
0x71: {  	_ =	shalt  }
0x72: {  	_ =	shalt  }
0x73: {  	_ =	shalt  }
0x74: {  	_ =	shalt  }
0x75: {  	_ =	shalt  }
0x76: {  	_ =	shalt  }
0x77: {  	_ =	shalt  }
0x78: {  	_ =	shalt  }
0x79: {  	_ =	shalt  }
0x7a: {  	_ =	shalt  }
0x7b: {  	_ =	shalt  }
0x7c: {  	_ =	shalt  }
0x7d: {  	_ =	shalt  }
0x7e: {  	_ =	shalt  }
0x7f: {  	_ =	shalt  }
0x80: {  	_ =	shalt  }
0x81: {  	_ =	shalt  }
0x82: {  	_ =	shalt  }
0x83: {  	_ =	shalt  }
0x84: {  	_ =	shalt  }
0x85: {  	_ =	shalt  }
0x86: {  	_ =	shalt  }
0x87: {  	_ =	shalt  }
.Lfunc_end0:
.L_simem_size_0:
called_computation_lowered:
.L_overlay_start_0:
0x88: {  	s2 =	sld [smem:$0x3FD9]  }
0x89: {  	s3 =	sld [smem:$0x3FFE];
	_ =	sdelay $0x1  }
0x8a: {  	s1 =	srdreg.scid  }
0x8b: {  	s0 =	sand.u32 $0x1, s1  }
0x8c: {  	s16 =	sshll.u32 s0, $0xA;
	s2 =	sadd.s32 s3, s2  }
0x8d: {  	s2 =	sadd.s32 s2, s16  }
0x8e: {  	[smem:$0x3FBC] =	sst s2  }
0x8f: {  	_ = 	snop  }
0x90: {  	(tm) =	ssettm $0x1  }
0x91: {  	s17 =	sld [smem:$0x3FFB];
	_ =	sdelay $0x3  }
0x92: {  	_ =	strace s17  }
0x93: {  	s2 =	sld [smem:$0x3FFC];
	_ =	sdelay $0x3  }
0x94: {  	_ =	strace s2  }
0x95: {  	s2 =	sld [smem:$0x3FFD];
	_ =	sdelay $0x3  }
0x96: {  	_ =	strace s2  }
0x97: {  	_ =	strace $0x8FFFFFFF  }
0x98: {  	s18 =	sld [smem:$0x3FDB];
	_ =	sdelay $0x1  }
0x99: {  	s19 =	simm.s32 $_scs_section_size  }
0x9a: {  	s4 =	simm.s32 $_size__tile_overlayer_lowered;
	s5 =	simm.s32 $_tile_overlayer_lowered  }
0x9b: {  	s22 =	simm.s32 $0x1BFF;
	s21 =	sshll.u32 s5, $0x1;
	s2 =	sadd.s32 s19, s18  }
0x9c: {  	s6 =	simm.s32 $0x0;
	s20 =	sshll.u32 s4, $0x1;
	s4 =	sadd.s32 s21, s2  }
0x9d: {  	[timem:s6], [sflag:s22] =	dma.local [hbm:s4], s20  }
0x9e: {  	_ =	swait.ge [sflag:s22], s20  }
0x9f: {  	s3 =	ssub.s32 $0x0, s20;
	[sflag:s22] =	ssyncset.done $0x0  }
0xa0: {  	[sflag:s22] =	ssyncadd.s32 s3;
	_ =	sdelay $0x1  }
0xa1: {  	s23 =	simm.s32 $0x1B8B  }
0xa2: {  	_ =	swait.ge [sflag:s23], $0x1  }
0xa3: {  	[sflag:s23] =	ssyncset.done $0x0  }
0xa4: {  	s25 =	simm.s32 $0x1B8E;
	s24 =	sld [smem:$0x3FFE];
	[sflag:s23] =	ssyncadd.s32 $0xFFFFFFFF  }
0xa5: {  	s26 =	simm.s32 $execute0_lowered;
	[smem:$0x3FD2] =	sst s25  }
0xa6: {  	s4 =	sshll.u32 s26, $0x1;
	_ =	strace $0x80000046;
	[dreg:$0x1] =	wrdreg $0xFFFFFFFF  }
0xa7: {  	s28 =	simm.s32 $_size_execute0_lowered;
	s2 =	sadd.s32 s2, s4;
	[dreg:$0x0] =	wrdreg $0x0  }
0xa8: {  	s4 =	sshll.u32 s28, $0x1;
	[dreg:$0x2] =	wrdreg s2  }
0xa9: {  	[dreg:$0x3] =	wrdreg s4  }
0xaa: {  	[dreg:$0x4] =	wrdreg $0xC0  }
0xab: {  	_ =	task [dreg:s6], $0x5FFFF  }
0xac: {  	[dreg:$0x1] =	wrdreg $0xFFFFFFFF  }
0xad: {  	[dreg:$0x0] =	wrdreg $0x60  }
0xae: {  	[dreg:$0x2] =	wrdreg s24  }
0xaf: {  	[dreg:$0x3] =	wrdreg $0x68000  }
0xb0: {  	[dreg:$0x4] =	wrdreg $0x9  }
0xb1: {  	_ =	task.clear_ibuf [dreg:s6], $0x5FFFF;
	_ =	strace $0x90000046  }
0xb2: {  	s29 =	simm.s32 $0x9;
	_ =	strace $0x80000048  }
0xb3: {  	_ =	swait.ge [sflag:s29], $0x1  }
0xb4: {  	[sflag:s29] =	ssyncadd.s32 $0xFFFFFFFF  }
0xb5: {  	_ =	strace $0x90000048  }
0xb6: {  	_ =	sfence  }
0xb7: {  	s30 =	sld [smem:$0x0];
	_ =	sdelay $0x2  }
0xb8: {  	s31 =	sshll.u32 s1, $0xD;
	s1 =	sshrl.u32 s1, $0x2  }
0xb9: {  	s3 =	sand.u32 $0x4000, s31;
	s1 =	sadd.s32 s1, s30  }
0xba: {  	s0 =	sor.u32 s3, s0;
	s1 =	sshll.u32 s1, $0x11  }
0xbb: {  	s0 =	sor.u32 s1, s0  }
0xbc: {  	s0 =	sadd.s32 $0x8F2B, s0  }
0xbd: {  	[sflag:s0] =	ssyncadd.remote.s32 $0x1  }
0xbe: {  	_ =	sfence.sel $0xFFFF  }
0xbf: {  	[dreg:$0x0] =	wrdreg $0xFFFFFFFF;
	(pc) =	sbr.abs _section_cstart, $3  }
0xc0: {  	[dreg:$0x1] =	wrdreg $0xFFFFFFFF  }
0xc1: {  	_ =	task.clear_ibuf [dreg:s6], $0x2FFFF;
	_ =	strace $0x9FFFFFFF  }
0xc2: {  	(tm) =	ssettm $0x7FFFFFFF  }
0xc3: {  	_ =	shalt  }
tec
execute0_lowered:
.L_overlay_start_1:
0x0: {  	(tag) =	ssettag $0x1  }
0x1: {  	s0 =	srdreg.scid;
	s5 =	rddreg [dreg:$0x0]  }
0x2: {  	s2 =	rddreg [dreg:$0x1];
	s3 =	simm.s32 $0x0;
	s12 =	simm.s32 $0x1  }
0x3: {  	s13 =	simm.s32 $0x2800;
	s14 =	simm.s32 $0x80;
	s4 =	sand.u32 $0x1, s0  }
0x4: {  	s17 =	simm.s32 $0x0;
	s0 =	stileid.u32;
	s7 =	smul.u32 $0x140000, s4  }
0x5: {  	[smem:$0x7FF] =	sst s3;
	s1 =	sshll.u32 s4, $0x4;
	s8 =	smul.u32 $0x14000, s0  }
0x6: {  	s9 =	smul.u32 $0x50000, s0;
	s29 =	ssub.s32 $0x2, s4;
	s15 =	sshll.u32 s0, $0x6  }
0x7: {  	s1 =	sor.u32 s0, s1;
	s31 =	sshrl.u32 s29, $0x1;
	s15 =	sor.u32 $0x1C01, s15  }
0x8: {  	s6 =	smul.u32 $0x500, s1;
	s1 =	rddreg [dreg:$0x2];
	_ =	strace $0x80000047  }
0x9: {  	s7 =	sadd.s32 s8, s7;
	s30 =	sshrl.u32 s9, $0x2;
	s11 =	ssub.s32 s29, s31  }
0xa: {  	s7 =	sshrl.u32 s7, $0x3;
	s4 =	sadd.s32 s30, s2;
	s11 =	smax.u32 s11, $0x1  }
0xb: {  	s6 =	sadd.s32 s6, s5;
	s10 =	sadd.s32 s7, s5;
	s7 =	sadd.s32 $0x8000, s4  }
0xc: {  	s8 =	sadd.s32 $0xC000, s4;
	s9 =	sadd.s32 $0x10000, s4;
	s16 =	sshrl.u32 s4, $0x3  }
0xd: {  	v0 =	vimm.f32 $0.0e+00;
	v1 =	vimm.f32 $1.000000000e+00;
	s5 =	sadd.s32 $0x3A00, s6;
	s6 =	sadd.s32 $0x4000, s4;
	s10 =	sadd.s32 $0xDA00, s10  }
.LBB2_1:
0xe: {  	[tilespmem:s3], [sflag:$0x1] =	stream.linear.gather [hbm4b:s5+s3], $0x2800, $0x38;
	[tilespmem:$0x1A800] =	vst v63  }
0xf: {  	_ =	swait.ge [sflag:s12], $0x2800  }
0x10: {  	[sflag:s12] =	ssyncset.done $0x0  }
0x11: {  	s18 =	simm.s32 $0x0;
	s19 =	simm.s32 $0x200;
	[sflag:s12] =	ssyncadd.s32 $0xFFFFD800  }
.LBB2_2:
0x12: {  	p0 =	sne.s32 s19, $0xFE00;
	[tilespmem:s18+$0x2870] =	vst v0  }
0x13: {  	[tilespmem:s18+$0x2800] =	vst v0  }
0x14: {  	[tilespmem:s18+$0x2810] =	vst v0  }
.Ltmp0:
0x15: {  	[tilespmem:s18+$0x2820] =	vst v0;
	(pc) =	sbr.rel @p0 .LBB2_2-.Ltmp0, $4  }
0x16: {  	[tilespmem:s18+$0x2830] =	vst v0  }
0x17: {  	[tilespmem:s18+$0x2840] =	vst v0  }
0x18: {  	[tilespmem:s18+$0x2850] =	vst v0  }
0x19: {  	[tilespmem:s18+$0x2860] =	vst v0;
	s18 =	sshra.s32 s19, $0x2;
	s19 =	sadd.s32 $0x200, s19  }
0x1a: {  	[tilespmem:s18+$0x2870] =	vst v0  }
0x1b: {  	[tilespmem:s18+$0x2800] =	vst v0  }
0x1c: {  	[tilespmem:s18+$0x2810] =	vst v0  }
0x1d: {  	[tilespmem:s18+$0x2820] =	vst v0  }
0x1e: {  	[tilespmem:s18+$0x2830] =	vst v0  }
0x1f: {  	[tilespmem:s18+$0x2840] =	vst v0  }
0x20: {  	[tilespmem:s18+$0x2850] =	vst v0  }
0x21: {  	[tilespmem:s18+$0x2860] =	vst v0  }
0x22: {  	[spmem:s4] =	stream.linear.scatter [tilespmem:s13], [sflag:$0x1], $0x4000, $0x38;
	[tilespmem:$0x1A800] =	vst v63  }
0x23: {  	_ =	swait.ge [sflag:s12], $0x4000  }
0x24: {  	[sflag:s12] =	ssyncset.done $0x0  }
0x25: {  	[sflag:s12] =	ssyncadd.s32 $0xFFFFC000  }
0x26: {  	[spmem:s6] =	stream.linear.scatter [tilespmem:s13], [sflag:$0x1], $0x4000, $0x38;
	[tilespmem:$0x1A800] =	vst v63  }
0x27: {  	_ =	swait.ge [sflag:s12], $0x4000  }
0x28: {  	[sflag:s12] =	ssyncset.done $0x0  }
0x29: {  	[sflag:s12] =	ssyncadd.s32 $0xFFFFC000  }
0x2a: {  	[spmem:s7] =	stream.linear.scatter [tilespmem:s13], [sflag:$0x1], $0x4000, $0x38;
	[tilespmem:$0x1A800] =	vst v63  }
0x2b: {  	_ =	swait.ge [sflag:s12], $0x4000  }
0x2c: {  	[sflag:s12] =	ssyncset.done $0x0  }
0x2d: {  	[sflag:s12] =	ssyncadd.s32 $0xFFFFC000  }
0x2e: {  	[spmem:s8] =	stream.linear.scatter [tilespmem:s13], [sflag:$0x1], $0x4000, $0x38;
	[tilespmem:$0x1A800] =	vst v63  }
0x2f: {  	_ =	swait.ge [sflag:s12], $0x4000  }
0x30: {  	[sflag:s12] =	ssyncset.done $0x0  }
0x31: {  	[sflag:s12] =	ssyncadd.s32 $0xFFFFC000  }
0x32: {  	[spmem:s9] =	stream.linear.scatter [tilespmem:s13], [sflag:$0x1], $0x4000, $0x38;
	[tilespmem:$0x1A800] =	vst v63  }
0x33: {  	_ =	swait.ge [sflag:s12], $0x4000  }
0x34: {  	[sflag:s12] =	ssyncset.done $0x0  }
0x35: {  	s18 =	simm.s32 $0x0;
	s19 =	simm.s32 $0x200;
	[sflag:s12] =	ssyncadd.s32 $0xFFFFC000  }
.LBB2_4:
0x36: {  	p0 =	sne.s32 s19, $0xFE00;
	[tilespmem:s18+$0x2870] =	vst v1  }
0x37: {  	[tilespmem:s18+$0x2800] =	vst v1  }
0x38: {  	[tilespmem:s18+$0x2810] =	vst v1  }
.Ltmp1:
0x39: {  	[tilespmem:s18+$0x2820] =	vst v1;
	(pc) =	sbr.rel @p0 .LBB2_4-.Ltmp1, $4  }
0x3a: {  	[tilespmem:s18+$0x2830] =	vst v1  }
0x3b: {  	[tilespmem:s18+$0x2840] =	vst v1  }
0x3c: {  	[tilespmem:s18+$0x2850] =	vst v1  }
0x3d: {  	[tilespmem:s18+$0x2860] =	vst v1;
	s18 =	sshra.s32 s19, $0x2;
	s19 =	sadd.s32 $0x200, s19  }
0x3e: {  	[tilespmem:s18+$0x2870] =	vst v1  }
0x3f: {  	[tilespmem:s18+$0x2800] =	vst v1  }
0x40: {  	[tilespmem:s18+$0x2810] =	vst v1  }
0x41: {  	[tilespmem:s18+$0x2820] =	vst v1  }
0x42: {  	[tilespmem:s18+$0x2830] =	vst v1  }
0x43: {  	[tilespmem:s18+$0x2840] =	vst v1  }
0x44: {  	[tilespmem:s18+$0x2850] =	vst v1  }
0x45: {  	[tilespmem:s18+$0x2860] =	vst v1  }
0x46: {  	s31 =	simm.s32 $0x0;
	[bflag:$0x0] =	sbarrier.arrive $0xFFFF  }
0x47: {  	[spmem:s2] =	stream.indirect.scatter.add.f32 [tilespmem:s13], [sflag:$0x1], $0x80, s31, s14, $0xb8;
	[tilespmem:$0x1A800] =	vst v63  }
0x48: {  	_ =	swait.ge [sflag:s12], $0x4000  }
0x49: {  	s18 =	simm.s32 $0x200;
	[sflag:s12] =	ssyncset.done $0x0  }
.LBB2_6:
0x4a: {  	s19 =	sshra.s32 s18, $0x2;
	[sflag:s12] =	ssyncadd.s32 $0xFFFFC000;
	p0 =	sne.s32 s18, $0x9E00  }
0x4b: {  	[spmem:s2] =	stream.indirect.scatter.add.f32 [tilespmem:s13], [sflag:$0x1], $0x80, s19, s14, $0xb8;
	[tilespmem:$0x1A800] =	vst v63  }
.Ltmp2:
0x4c: {  	_ = 	snop;
	(pc) =	sbr.rel @p0 .LBB2_6-.Ltmp2, $4  }
0x4d: {  	_ = 	snop  }
0x4e: {  	s18 =	sadd.s32 $0x200, s18  }
0x4f: {  	_ =	swait.ge [sflag:s12], $0x4000  }
0x50: {  	[sflag:s12] =	ssyncset.done $0x0  }
0x51: {  	s17 =	sadd.s32 $0x1, s17  }
0x52: {  	[sflag:s12] =	ssyncadd.s32 $0xFFFFC000;
	p0 =	sne.s32 s17, s11  }
.Ltmp3:
0x53: {  	[bflag:$0x0] =	sbarrier.arrive $0xFFFF;
	(pc) =	sbr.rel @p0 .LBB2_1-.Ltmp3, $4  }
0x54: {  	[hbm:s10], [sflag:s15] =	dma.local [spmem:s16], $0x2800  }
0x55: {  	_ =	swait.ge [sflag:s12], $0x2800  }
0x56: {  	[sflag:s12] =	ssyncset.done $0x0  }
0x57: {  	[sflag:s12] =	ssyncadd.s32 $0xFFFFD800  }
0x58: {  	_ =	sfence.sel $0x180000  }
0x59: {  	[bflag:$0x0] =	sbarrier.arrive $0xFFFF  }
0x5a: {  	p0 =	sne.s32 s0, $0x0;
	_ =	strace $0x90000047  }
0x5b: {  	s0 =	sadd.s32 @!p0 $0x100000, s1;
	[bflag:$0x2] =	sbarrier.arrive $0xFFFF  }
0x5c: {  	[sflag:s0] =	ssyncadd.tile.s32 @!p0 $0x1;
	_ =	shalt  }
.Lfunc_end2:
_tile_overlayer_lowered:
.L_overlay_start_2:
0x5d: {  	(tag) =	ssettag $0x2  }
0x5e: {  	s0 =	rddreg [dreg:$0x0];
	s2 =	stileid.u32  }
0x5f: {  	s1 =	rddreg [dreg:$0x1];
	p0 =	sne.s32 s2, $0x0  }
0x60: {  	s3 =	rddreg [dreg:$0x2];
	[bflag:$0x3] =	sbarrier.arrive $0xFFFF;
	s2 =	simm.s32 @!p0 $0x1C01  }
0x61: {  	[timem:s3], [sflag:s2] =	dma.local @!p0 [hbm:s0], s1  }
0x62: {  	s0 =	simm.s32 @!p0 $0x1  }
0x63: {  	_ =	swait.ge @!p0 [sflag:s0], s1  }
0x64: {  	s1 =	ssub.s32 @!p0 $0x0, s1;
	[sflag:s0] =	ssyncset.done @!p0 $0x0  }
0x65: {  	[sflag:s0] =	ssyncadd.s32 @!p0 s1  }
0x66: {  	[bflag:$0x3] =	sbarrier.arrive $0xFFFF  }
0x67: {  	_ =	shalt  }

</sc_bundles>
